<compile_context>
chip_gen: v7x
topology: tpu7x:2x2x1
jax: 0.10.2.dev20260603
libtpu: 0.0.44.dev20260713+nightly
codegen_flags: <defaults>
</compile_context>

<pallas_src>
import jax
import jax.numpy as jnp
from jax import lax
from jax.experimental import pallas as pl
from jax.experimental.pallas import tpu as pltpu
from jax.experimental.pallas import tpu_sc as plsc

N = 10000
NP = 10112
M = 320000
MP = 327680
D = 128
RPAD = 512
REP = 16
REP2 = 2
ROWS = MP // D
NW = 32
RPW = ROWS // NW
NPT = NP // 16

_HI = jax.lax.Precision.HIGHEST


def _leaky(x):
    return jnp.maximum(x, 0.01 * x)


def _ln(x, g, b):
    mu = jnp.mean(x, axis=-1, keepdims=True)
    xc = x - mu
    var = jnp.mean(xc * xc, axis=-1, keepdims=True)
    return xc * jax.lax.rsqrt(var + 1e-5) * g + b


def _init_slice(zeros, agg_sh, s):
    pltpu.sync_copy(zeros.at[pl.ds(s * NPT, NPT)],
                    agg_sh.at[pl.ds(s * NPT, NPT)])


def _drain_slice(agg_sh, dst, s):
    @pl.when(s < 15)
    def _():
        pltpu.sync_copy(agg_sh.at[pl.ds(s * NPT, NPT)],
                        dst.at[pl.ds(s * NPT, NPT)])

    @pl.when(s == 15)
    def _():
        pltpu.sync_copy(agg_sh.at[pl.ds(15 * NPT, N - 15 * NPT)],
                        dst.at[pl.ds(15 * NPT, N - 15 * NPT)])


def _tca_body(feat, w_ent, b_ent, wf, wb, h0, gf, gb):
    h = _leaky(jnp.dot(feat[...], w_ent[...], precision=_HI) + b_ent[...])
    h0[...] = h
    gf[...] = jnp.dot(h, wf[...], precision=_HI)
    gb[...] = jnp.dot(h, wb[...], precision=_HI)


def _tc_a(feat, w_ent, b_ent, wf, wb):
    blk = 1000
    return pl.pallas_call(
        _tca_body,
        grid=(N // blk,),
        in_specs=[
            pl.BlockSpec((blk, 768), lambda i: (i, 0)),
            pl.BlockSpec((768, D), lambda i: (0, 0)),
            pl.BlockSpec((D,), lambda i: (0,)),
            pl.BlockSpec((D, D), lambda i: (0, 0)),
            pl.BlockSpec((D, D), lambda i: (0, 0)),
        ],
        out_specs=[pl.BlockSpec((blk, D), lambda i: (i, 0))] * 3,
        out_shape=[
            jax.ShapeDtypeStruct((N, D), jnp.float32),
            jax.ShapeDtypeStruct((NP, D), jnp.float32),
            jax.ShapeDtypeStruct((NP, D), jnp.float32),
        ],
    )(feat, w_ent, b_ent, wf, wb)


def _tct_body(rel, wf, bf, wb, bb, u2, bu, tf, tb, t2, t0):
    r = rel[...]
    tf[...] = jnp.dot(r, wf[...], precision=_HI) + bf[...]
    tb[...] = jnp.dot(r, wb[...], precision=_HI) + bb[...]
    t2[...] = jnp.dot(r, u2[...], precision=_HI) + bu[...]
    t0[...] = r


def _tc_t(rel512, wf, bf, wb, bb, u2, bu):
    return pl.pallas_call(
        _tct_body,
        grid=(REP,),
        in_specs=[
            pl.BlockSpec((RPAD, D), lambda i: (0, 0)),
            pl.BlockSpec((D, D), lambda i: (0, 0)),
            pl.BlockSpec((D,), lambda i: (0,)),
            pl.BlockSpec((D, D), lambda i: (0, 0)),
            pl.BlockSpec((D,), lambda i: (0,)),
            pl.BlockSpec((D, D), lambda i: (0, 0)),
            pl.BlockSpec((D,), lambda i: (0,)),
        ],
        out_specs=[
            pl.BlockSpec((RPAD, D), lambda i: (0, 0)),
            pl.BlockSpec((RPAD, D), lambda i: (0, 0)),
            pl.BlockSpec((RPAD, D), lambda i: (i % REP2, 0)),
            pl.BlockSpec((RPAD, D), lambda i: (i % REP2, 0)),
        ],
        out_shape=[
            jax.ShapeDtypeStruct((RPAD, D), jnp.float32),
            jax.ShapeDtypeStruct((RPAD, D), jnp.float32),
            jax.ShapeDtypeStruct((REP2 * RPAD, D), jnp.float32),
            jax.ShapeDtypeStruct((REP2 * RPAD, D), jnp.float32),
        ],
    )(rel512, wf, bf, wb, bb, u2, bu)


def _sc1_body(h2d, t2d, r2d, gf, gb, tfh, tbh, zeros,
              agg_out,
              hidx, tidx, ridx, buf, buf2, agg_sh, tf_sh, tb_sh, sem, sem2):
    c = lax.axis_index("c")
    s = lax.axis_index("s")
    wid = c * 16 + s

    _init_slice(zeros, agg_sh, s)

    @pl.when(s == 0)
    def _():
        pltpu.sync_copy(tfh, tf_sh)

    @pl.when(s == 1)
    def _():
        pltpu.sync_copy(tbh, tb_sh)

    base = wid * RPW
    plsc.subcore_barrier()

    def _outer(g, _):
        off = base + g * 8
        pltpu.sync_copy(h2d.at[pl.ds(off, 8)], hidx)
        pltpu.sync_copy(t2d.at[pl.ds(off, 8)], tidx)
        pltpu.sync_copy(r2d.at[pl.ds(off, 8)], ridx)
        lax.fori_loop(0, 8, _loop, 0)
        return 0

    def _loop(j, _):
        hv, tv, rv = hidx.at[j], tidx.at[j], ridx.at[j]
        c1 = pltpu.async_copy(gf.at[hv], buf, sem)
        c2 = pltpu.async_copy(tf_sh.at[rv], buf2, sem2)
        c1.wait()
        pltpu.sync_copy(buf, agg_sh.at[tv], add=True)
        c3 = pltpu.async_copy(gb.at[tv], buf, sem)
        c2.wait()
        pltpu.sync_copy(buf2, agg_sh.at[tv], add=True)
        c4 = pltpu.async_copy(tb_sh.at[rv], buf2, sem2)
        c3.wait()
        pltpu.sync_copy(buf, agg_sh.at[hv], add=True)
        c4.wait()
        pltpu.sync_copy(buf2, agg_sh.at[hv], add=True)
        return 0

    lax.fori_loop(0, RPW // 8, _outer, 0)

    plsc.subcore_barrier()

    _drain_slice(agg_sh, agg_out.at[c], s)


def _sc_1(h2d, t2d, r2d, gf, gb, tf, tb, zeros):
    mesh = plsc.VectorSubcoreMesh(core_axis_name="c", subcore_axis_name="s")
    return pl.kernel(
        _sc1_body,
        out_type=jax.ShapeDtypeStruct((2, N, D), jnp.float32),
        mesh=mesh,
        scratch_types=[
            pltpu.VMEM((8, D), jnp.int32),
            pltpu.VMEM((8, D), jnp.int32),
            pltpu.VMEM((8, D), jnp.int32),
            pltpu.VMEM((D, D), jnp.float32),
            pltpu.VMEM((D, D), jnp.float32),
            pltpu.VMEM_SHARED((NP, D), jnp.float32),
            pltpu.VMEM_SHARED((RPAD, D), jnp.float32),
            pltpu.VMEM_SHARED((RPAD, D), jnp.float32),
            pltpu.SemaphoreType.DMA,
            pltpu.SemaphoreType.DMA,
        ],
    )(h2d, t2d, r2d, gf, gb, tf, tb, zeros)


def _sc0_body(h2d, t2d, ones_h, zeros,
              cnt_out,
              hidx, tidx, ones_v, cnt_sh, sem):
    c = lax.axis_index("c")
    s = lax.axis_index("s")
    wid = c * 16 + s

    _init_slice(zeros, cnt_sh, s)
    pltpu.sync_copy(ones_h, ones_v)
    base = wid * RPW
    plsc.subcore_barrier()

    def _outer(g, _):
        off = base + g * 8
        pltpu.sync_copy(h2d.at[pl.ds(off, 8)], hidx)
        pltpu.sync_copy(t2d.at[pl.ds(off, 8)], tidx)
        lax.fori_loop(0, 8, _loop, 0)
        return 0

    def _loop(j, _):
        pltpu.sync_copy(ones_v, cnt_sh.at[tidx.at[j]], add=True)
        pltpu.sync_copy(ones_v, cnt_sh.at[hidx.at[j]], add=True)
        return 0

    lax.fori_loop(0, RPW // 8, _outer, 0)

    plsc.subcore_barrier()
    _drain_slice(cnt_sh, cnt_out.at[c], s)


def _sc_0(h2d, t2d, ones_h, zeros):
    mesh = plsc.VectorSubcoreMesh(core_axis_name="c", subcore_axis_name="s")
    return pl.kernel(
        _sc0_body,
        out_type=jax.ShapeDtypeStruct((2, N, D), jnp.float32),
        mesh=mesh,
        scratch_types=[
            pltpu.VMEM((8, D), jnp.int32),
            pltpu.VMEM((8, D), jnp.int32),
            pltpu.VMEM((D, D), jnp.float32),
            pltpu.VMEM_SHARED((NP, D), jnp.float32),
            pltpu.SemaphoreType.DMA,
        ],
    )(h2d, t2d, ones_h, zeros)


def _tcr_body(cnt, out):
    c = cnt[...]
    out[...] = (c[0, :, 0] + c[1, :, 0])[:, None]


def _tc_r(cnt):
    blk = 1000
    return pl.pallas_call(
        _tcr_body,
        grid=(N // blk,),
        in_specs=[pl.BlockSpec((2, blk, D), lambda i: (0, i, 0))],
        out_specs=pl.BlockSpec((blk, 1), lambda i: (i, 0)),
        out_shape=jax.ShapeDtypeStruct((N, 1), jnp.float32),
    )(cnt)


def _tcb_body(agg, cnt, h0, g, b, u1, u3, wf, wb,
              h1o, a1o, a3o, gfo, gbo):
    a = agg[0] + agg[1]
    m = a / (cnt[...] + 1e-7)
    h1 = _ln(_leaky(m) + h0[...], g[...], b[...])
    h1o[...] = h1
    a1o[...] = jnp.dot(h1, u1[...], precision=_HI)
    a3o[...] = jnp.dot(h1, u3[...], precision=_HI)
    gfo[...] = jnp.dot(h1, wf[...], precision=_HI)
    gbo[...] = jnp.dot(h1, wb[...], precision=_HI)


def _tc_b(agg1, cnt, h0, g, b, u1, u3, wf, wb):
    blk = 1000
    return pl.pallas_call(
        _tcb_body,
        grid=(N // blk,),
        in_specs=[
            pl.BlockSpec((2, blk, D), lambda i: (0, i, 0)),
            pl.BlockSpec((blk, 1), lambda i: (i, 0)),
            pl.BlockSpec((blk, D), lambda i: (i, 0)),
            pl.BlockSpec((D,), lambda i: (0,)),
            pl.BlockSpec((D,), lambda i: (0,)),
            pl.BlockSpec((D, D), lambda i: (0, 0)),
            pl.BlockSpec((D, D), lambda i: (0, 0)),
            pl.BlockSpec((D, D), lambda i: (0, 0)),
            pl.BlockSpec((D, D), lambda i: (0, 0)),
        ],
        out_specs=[pl.BlockSpec((blk, D), lambda i: (i, 0))] * 5,
        out_shape=[
            jax.ShapeDtypeStruct((N, D), jnp.float32),
            jax.ShapeDtypeStruct((NP, D), jnp.float32),
            jax.ShapeDtypeStruct((NP, D), jnp.float32),
            jax.ShapeDtypeStruct((NP, D), jnp.float32),
            jax.ShapeDtypeStruct((NP, D), jnp.float32),
        ],
    )(agg1, cnt, h0, g, b, u1, u3, wf, wb)


def _sc2_body(h2d, t2d, r2d, a1, a3, t2h, t0h,
              g1_out, g0_out,
              hidx, tidx, ridx, bufa, bufb, bufc, bufd, t2_sh, t0_sh,
              sem, sem2, sem3, sem4):
    c = lax.axis_index("c")
    s = lax.axis_index("s")
    wid = c * 16 + s
    base = wid * RPW

    @pl.when(s == 0)
    def _():
        pltpu.sync_copy(t2h, t2_sh)

    @pl.when(s == 1)
    def _():
        pltpu.sync_copy(t0h, t0_sh)

    plsc.subcore_barrier()

    def _outer(g, _):
        off = base + g * 8
        pltpu.sync_copy(h2d.at[pl.ds(off, 8)], hidx)
        pltpu.sync_copy(t2d.at[pl.ds(off, 8)], tidx)
        pltpu.sync_copy(r2d.at[pl.ds(off, 8)], ridx)
        lax.fori_loop(0, 8, lambda j, _: _loop(g * 8 + j, j), 0)
        return 0

    def _loop(row_j, j):
        row = base + row_j
        hv, tv, rv = hidx.at[j], tidx.at[j], ridx.at[j]
        c1 = pltpu.async_copy(a1.at[hv], bufa, sem)
        c2 = pltpu.async_copy(a3.at[tv], bufb, sem2)
        c3 = pltpu.async_copy(t2_sh.at[rv], bufc, sem3)
        c4 = pltpu.async_copy(t0_sh.at[rv], bufd, sem4)
        c1.wait()
        c2.wait()
        c3.wait()

        def _add(jj, _):
            for k in range(8):
                sl = pl.ds(k * 16, 16)
                bufa[jj, sl] = bufa[jj, sl] + bufb[jj, sl] + bufc[jj, sl]
            return 0

        lax.fori_loop(0, D, _add, 0)
        pltpu.sync_copy(bufa, g1_out.at[pl.ds(row * D, D)])
        c4.wait()
        pltpu.sync_copy(bufd, g0_out.at[pl.ds(row * D, D)])
        return 0

    lax.fori_loop(0, RPW // 8, _outer, 0)


def _sc_2(h2d, t2d, r2d, a1, a3, t2, t0):
    mesh = plsc.VectorSubcoreMesh(core_axis_name="c", subcore_axis_name="s")
    return pl.kernel(
        _sc2_body,
        out_type=[
            jax.ShapeDtypeStruct((MP, D), jnp.float32),
            jax.ShapeDtypeStruct((MP, D), jnp.float32),
        ],
        mesh=mesh,
        scratch_types=[
            pltpu.VMEM((8, D), jnp.int32),
            pltpu.VMEM((8, D), jnp.int32),
            pltpu.VMEM((8, D), jnp.int32),
            pltpu.VMEM((D, D), jnp.float32),
            pltpu.VMEM((D, D), jnp.float32),
            pltpu.VMEM((D, D), jnp.float32),
            pltpu.VMEM((D, D), jnp.float32),
            pltpu.VMEM_SHARED((REP2 * RPAD, D), jnp.float32),
            pltpu.VMEM_SHARED((REP2 * RPAD, D), jnp.float32),
            pltpu.SemaphoreType.DMA,
            pltpu.SemaphoreType.DMA,
            pltpu.SemaphoreType.DMA,
            pltpu.SemaphoreType.DMA,
        ],
    )(h2d, t2d, r2d, a1, a3, t2, t0)


def _tcc_body(g1, g0, g, b, wf, bf, wb, bb, pfo, pbo):
    x = _leaky(g1[...]) + g0[...]
    e1 = _ln(x, g[...], b[...])
    pfo[...] = jnp.dot(e1, wf[...], precision=_HI) + bf[...]
    pbo[...] = jnp.dot(e1, wb[...], precision=_HI) + bb[...]


def _tc_c(g1, g0, g, b, wf, bf, wb, bb):
    blk = 2048
    return pl.pallas_call(
        _tcc_body,
        grid=(MP // blk,),
        in_specs=[
            pl.BlockSpec((blk, D), lambda i: (i, 0)),
            pl.BlockSpec((blk, D), lambda i: (i, 0)),
            pl.BlockSpec((D,), lambda i: (0,)),
            pl.BlockSpec((D,), lambda i: (0,)),
            pl.BlockSpec((D, D), lambda i: (0, 0)),
            pl.BlockSpec((D,), lambda i: (0,)),
            pl.BlockSpec((D, D), lambda i: (0, 0)),
            pl.BlockSpec((D,), lambda i: (0,)),
        ],
        out_specs=[pl.BlockSpec((blk, D), lambda i: (i, 0))] * 2,
        out_shape=[jax.ShapeDtypeStruct((MP, D), jnp.float32)] * 2,
    )(g1, g0, g, b, wf, bf, wb, bb)


def _sc3_body(h2d, t2d, pf, pb, gf, gb, zeros,
              agg_out,
              hidx, tidx, buf, buf2, agg_sh, sem, sem2):
    c = lax.axis_index("c")
    s = lax.axis_index("s")
    wid = c * 16 + s

    _init_slice(zeros, agg_sh, s)
    base = wid * RPW
    plsc.subcore_barrier()

    def _outer(g, _):
        off = base + g * 8
        pltpu.sync_copy(h2d.at[pl.ds(off, 8)], hidx)
        pltpu.sync_copy(t2d.at[pl.ds(off, 8)], tidx)
        lax.fori_loop(0, 8, lambda j, _: _loop(g * 8 + j, j), 0)
        return 0

    def _loop(row_j, j):
        row = base + row_j
        hv, tv = hidx.at[j], tidx.at[j]
        c1 = pltpu.async_copy(pf.at[pl.ds(row * D, D)], buf, sem)
        c2 = pltpu.async_copy(gf.at[hv], buf2, sem2)
        c1.wait()
        pltpu.sync_copy(buf, agg_sh.at[tv], add=True)
        c3 = pltpu.async_copy(pb.at[pl.ds(row * D, D)], buf, sem)
        c2.wait()
        pltpu.sync_copy(buf2, agg_sh.at[tv], add=True)
        c4 = pltpu.async_copy(gb.at[tv], buf2, sem2)
        c3.wait()
        pltpu.sync_copy(buf, agg_sh.at[hv], add=True)
        c4.wait()
        pltpu.sync_copy(buf2, agg_sh.at[hv], add=True)
        return 0

    lax.fori_loop(0, RPW // 8, _outer, 0)

    plsc.subcore_barrier()
    _drain_slice(agg_sh, agg_out.at[c], s)


def _sc_3(h2d, t2d, pf, pb, gf, gb, zeros):
    mesh = plsc.VectorSubcoreMesh(core_axis_name="c", subcore_axis_name="s")
    return pl.kernel(
        _sc3_body,
        out_type=jax.ShapeDtypeStruct((2, N, D), jnp.float32),
        mesh=mesh,
        scratch_types=[
            pltpu.VMEM((8, D), jnp.int32),
            pltpu.VMEM((8, D), jnp.int32),
            pltpu.VMEM((D, D), jnp.float32),
            pltpu.VMEM((D, D), jnp.float32),
            pltpu.VMEM_SHARED((NP, D), jnp.float32),
            pltpu.SemaphoreType.DMA,
            pltpu.SemaphoreType.DMA,
        ],
    )(h2d, t2d, pf, pb, gf, gb, zeros)


def _tcd_body(agg, cnt, h1, g, b, h2o):
    a = agg[0] + agg[1]
    m = a / (cnt[...] + 1e-7)
    h2o[...] = _ln(_leaky(m) + h1[...], g[...], b[...])


def _tc_d(agg2, cnt, h1, g, b):
    blk = 1000
    return pl.pallas_call(
        _tcd_body,
        grid=(N // blk,),
        in_specs=[
            pl.BlockSpec((2, blk, D), lambda i: (0, i, 0)),
            pl.BlockSpec((blk, 1), lambda i: (i, 0)),
            pl.BlockSpec((blk, D), lambda i: (i, 0)),
            pl.BlockSpec((D,), lambda i: (0,)),
            pl.BlockSpec((D,), lambda i: (0,)),
        ],
        out_specs=pl.BlockSpec((blk, D), lambda i: (i, 0)),
        out_shape=jax.ShapeDtypeStruct((N, D), jnp.float32),
    )(agg2, cnt, h1, g, b)


def kernel(ht, r_tensor, entity_feat, params):
    p0 = params["layer0"]
    p1 = params["layer1"]

    pad = MP - M
    h2d = jnp.concatenate(
        [ht[:, 0], jnp.full((pad,), N, jnp.int32)]).reshape(ROWS, D)
    t2d = jnp.concatenate(
        [ht[:, 1], jnp.full((pad,), N, jnp.int32)]).reshape(ROWS, D)
    r_pad = jnp.concatenate(
        [r_tensor, jnp.full((pad,), 500, jnp.int32)])
    pos = jnp.arange(MP, dtype=jnp.int32)
    r2d = r_pad.reshape(ROWS, D)
    r2d2 = (r_pad + (pos % REP2) * RPAD).reshape(ROWS, D)
    rel512 = jnp.zeros((RPAD, D), jnp.float32).at[:500].set(params["rel_table"])
    zeros = jnp.zeros((NP, D), jnp.float32)
    ones_h = jnp.ones((D, D), jnp.float32)

    cnt2 = _sc_0(h2d, t2d, ones_h, zeros)
    cnt = _tc_r(cnt2)
    h0, gf1, gb1 = _tc_a(entity_feat, params["W_ent"], params["b_ent"],
                         p0["mpf_W"][:D], p0["mpb_W"][:D])
    tf1, tb1, t2, t0 = _tc_t(rel512, p0["mpf_W"][D:], p0["mpf_b"],
                             p0["mpb_W"][D:], p0["mpb_b"],
                             p0["eu_W"][D:2 * D], p0["eu_b"])
    agg1 = _sc_1(h2d, t2d, r2d, gf1, gb1, tf1, tb1, zeros)
    h1, a1, a3, gf2, gb2 = _tc_b(agg1, cnt, h0,
                                 p0["mp_ln_g"], p0["mp_ln_b"],
                                 p0["eu_W"][:D], p0["eu_W"][2 * D:],
                                 p1["mpf_W"][:D], p1["mpb_W"][:D])
    g1, g0 = _sc_2(h2d, t2d, r2d2, a1, a3, t2, t0)
    pf, pb = _tc_c(g1, g0, p0["eu_ln_g"], p0["eu_ln_b"],
                   p1["mpf_W"][D:], p1["mpf_b"],
                   p1["mpb_W"][D:], p1["mpb_b"])
    agg2 = _sc_3(h2d, t2d, pf, pb, gf2, gb2, zeros)
    h2 = _tc_d(agg2, cnt, h1, p1["mp_ln_g"], p1["mp_ln_b"])
    return h2

# --- scband reference (transcript-rebuilt; emitter-appended) ---
"""Pipeline reference for scband-kgcompletion-gnn-44616120271611 (READ-ONLY COPY).

The authoritative reference and input builder live on the scoring server;
editing this copy changes nothing except your own understanding.
"""

import jax, jax.numpy as jnp
import numpy as np

N_NODES = 10000
N_EDGES = 320000
EMBED_DIM = 128
INPUT_DIM = 768
NUM_RELATIONS = 500
NUM_LAYERS = 2


def _leaky(x):
    return jax.nn.leaky_relu(x, negative_slope=0.01)


def _layer_norm(x, g, b):
    mu = jnp.mean(x, axis=-1, keepdims=True)
    var = jnp.var(x, axis=-1, keepdims=True)
    return (x - mu) / jnp.sqrt(var + 1e-5) * g + b


def _linear_params(key, fan_in, fan_out):
    k1, k2 = jax.random.split(key)
    bound = 1.0 / np.sqrt(fan_in)
    W = jax.random.uniform(k1, (fan_in, fan_out), jnp.float32, -bound, bound)
    b = jax.random.uniform(k2, (fan_out,), jnp.float32, -bound, bound)
    return W, b


def setup_inputs(seed: int = 0):
    key = jax.random.key(seed)
    ks = jax.random.split(key, 8 + 3 * NUM_LAYERS)
    ht = jax.random.randint(ks[0], (N_EDGES, 2), 0, N_NODES, dtype=jnp.int32)
    r_tensor = jax.random.randint(ks[1], (N_EDGES,), 0, NUM_RELATIONS, dtype=jnp.int32)
    entity_feat = jax.random.normal(ks[2], (N_NODES, INPUT_DIM), jnp.float32)
    params = {}
    params["W_ent"], params["b_ent"] = _linear_params(ks[3], INPUT_DIM, EMBED_DIM)
    params["rel_table"] = jax.random.normal(ks[4], (NUM_RELATIONS, EMBED_DIM), jnp.float32)
    for i in range(NUM_LAYERS):
        base = 5 + 3 * i
        lp = {}
        lp["mpf_W"], lp["mpf_b"] = _linear_params(ks[base], 2 * EMBED_DIM, EMBED_DIM)
        lp["mpb_W"], lp["mpb_b"] = _linear_params(ks[base + 1], 2 * EMBED_DIM, EMBED_DIM)
        lp["mp_ln_g"] = jnp.ones((EMBED_DIM,), jnp.float32)
        lp["mp_ln_b"] = jnp.zeros((EMBED_DIM,), jnp.float32)
        lp["eu_W"], lp["eu_b"] = _linear_params(ks[base + 2], 3 * EMBED_DIM, EMBED_DIM)
        lp["eu_ln_g"] = jnp.ones((EMBED_DIM,), jnp.float32)
        lp["eu_ln_b"] = jnp.zeros((EMBED_DIM,), jnp.float32)
        params["layer%d" % i] = lp
    return {"ht": ht, "r_tensor": r_tensor, "entity_feat": entity_feat, "params": params}


def reference(ht, r_tensor, entity_feat, params):
    # input transforms
    H = _leaky(entity_feat @ params["W_ent"] + params["b_ent"])
    E = jnp.take(params["rel_table"], r_tensor, axis=0)
    heads = ht[:, 0]
    tails = ht[:, 1]
    n = H.shape[0]
    for i in range(NUM_LAYERS):
        p = params["layer%d" % i]
        # MessagePassingLayer
        mf = jnp.concatenate([jnp.take(H, heads, axis=0), E], axis=1) @ p["mpf_W"] + p["mpf_b"]
        mb = jnp.concatenate([jnp.take(H, tails, axis=0), E], axis=1) @ p["mpb_W"] + p["mpb_b"]
        msg_dst = jnp.concatenate([tails, heads], axis=0)
        messages = jnp.concatenate([mf, mb], axis=0)
        agg = jnp.zeros((n, EMBED_DIM), H.dtype).at[msg_dst].add(messages)
        cnt = jnp.zeros((n,), jnp.float32).at[msg_dst].add(1.0)
        agg = agg / (cnt[:, None] + 1e-07)
        H = _layer_norm(_leaky(agg) + H, p["mp_ln_g"], p["mp_ln_b"])
        # EdgeUpdateLayer
        triple = jnp.concatenate([jnp.take(H, heads, axis=0), E, jnp.take(H, tails, axis=0)], axis=1)
        E = _layer_norm(_leaky(triple @ p["eu_W"] + p["eu_b"]) + E, p["eu_ln_g"], p["eu_ln_b"])
    return H

if __name__ == "__main__":
    import jax
    _d = setup_inputs()
    print(jax.jit(kernel)(*tuple(_d.values())))

</pallas_src>

<mosaic_0001>
#map = affine_map<(d0, d1) -> (0, 0)>
#map1 = affine_map<(d0, d1) -> (0, 0, 0)>
module attributes {stable_mosaic.version = 14 : i64} {
  func.func @_sc1_body(%arg0: i32, %arg1: i32, %arg2: memref<2560x128xi32, #tpu.memory_space<hbm>>, %arg3: memref<2560x128xi32, #tpu.memory_space<hbm>>, %arg4: memref<2560x128xi32, #tpu.memory_space<hbm>>, %arg5: memref<10112x128xf32, #tpu.memory_space<hbm>>, %arg6: memref<10112x128xf32, #tpu.memory_space<hbm>>, %arg7: memref<512x128xf32, #tpu.memory_space<hbm>>, %arg8: memref<512x128xf32, #tpu.memory_space<hbm>>, %arg9: memref<10112x128xf32, #tpu.memory_space<hbm>>, %arg10: memref<2x10000x128xf32, #tpu.memory_space<hbm>>, %arg11: memref<8x128xi32, #tpu.memory_space<vmem>>, %arg12: memref<8x128xi32, #tpu.memory_space<vmem>>, %arg13: memref<8x128xi32, #tpu.memory_space<vmem>>, %arg14: memref<128x128xf32, #tpu.memory_space<vmem>>, %arg15: memref<128x128xf32, #tpu.memory_space<vmem>>, %arg16: memref<10112x128xf32, #tpu.memory_space<vmem_shared>>, %arg17: memref<512x128xf32, #tpu.memory_space<vmem_shared>>, %arg18: memref<512x128xf32, #tpu.memory_space<vmem_shared>>, %arg19: memref<!tpu.dma_semaphore, #tpu.memory_space<semaphore_mem>>, %arg20: memref<!tpu.dma_semaphore, #tpu.memory_space<semaphore_mem>>) attributes {dimension_semantics = [#tpu.dimension_semantics<core_parallel>, #tpu.dimension_semantics<subcore_parallel>], iteration_bounds = array<i64: 2, 16>, scalar_prefetch = 0 : i64, scratch_operands = 10 : i64, tpu.core_type = #tpu.core_type<sc_vector_subcore>, window_params = [{transform_indices = #map}, {transform_indices = #map}, {transform_indices = #map}, {transform_indices = #map}, {transform_indices = #map}, {transform_indices = #map}, {transform_indices = #map}, {transform_indices = #map}, {transform_indices = #map1}]} {
    %mul3A = arith.constant 16 : i32
    %mul3A_0 = arith.muli %arg0, %mul3A : i32
    %add3A = arith.addi %mul3A_0, %arg1 : i32
    %mul3A_1 = arith.constant 632 : i32
    %mul3A_2 = arith.muli %arg1, %mul3A_1 : i32
    %mul3A_3 = arith.constant 632 : i32
    %mul3A_4 = arith.muli %arg1, %mul3A_3 : i32
    "tpu.region"() ({
      %run_scoped3A = tpu.sem_alloc : memref<!tpu.dma_semaphore, #tpu.memory_space<semaphore_mem>>
      %dma_start3A = arith.constant 0 : i32
      %dma_start3A_30 = tpu.memref_slice %arg16[%mul3A_4, %dma_start3A] : memref<10112x128xf32, #tpu.memory_space<vmem_shared>> -> memref<632x128xf32, #tpu.memory_space<vmem_shared>>
      %dma_start3A_31 = arith.constant 0 : i32
      %dma_start3A_32 = tpu.memref_slice %arg9[%mul3A_2, %dma_start3A_31] : memref<10112x128xf32, #tpu.memory_space<hbm>> -> memref<632x128xf32, #tpu.memory_space<hbm>>
      tpu.enqueue_dma source(%dma_start3A_32 : memref<632x128xf32, #tpu.memory_space<hbm>>) target(%dma_start3A_30 : memref<632x128xf32, #tpu.memory_space<vmem_shared>>) target_semaphore(%run_scoped3A : memref<!tpu.dma_semaphore, #tpu.memory_space<semaphore_mem>>)
      %dma_wait3A = arith.constant 0 : i32
      %dma_wait3A_33 = tpu.memref_slice %arg16[%mul3A_4, %dma_wait3A] : memref<10112x128xf32, #tpu.memory_space<vmem_shared>> -> memref<632x128xf32, #tpu.memory_space<vmem_shared>>
      %dma_wait3A_34 = arith.constant 0 : i32
      %dma_wait3A_35 = tpu.memref_slice %arg9[%mul3A_2, %dma_wait3A_34] : memref<10112x128xf32, #tpu.memory_space<hbm>> -> memref<632x128xf32, #tpu.memory_space<hbm>>
      tpu.wait_dma2 semaphore(%run_scoped3A : memref<!tpu.dma_semaphore, #tpu.memory_space<semaphore_mem>>) src(%dma_wait3A_35 : memref<632x128xf32, #tpu.memory_space<hbm>>) dst(%dma_wait3A_33 : memref<632x128xf32, #tpu.memory_space<vmem_shared>>)
      tpu.yield
    }) : () -> ()
    %eq3A = arith.constant 0 : i32
    %eq3A_5 = arith.cmpi eq, %arg1, %eq3A : i32
    %convert_element_type3A = arith.extui %eq3A_5 : i1 to i32
    %cond3A = arith.constant 0 : i32
    %cond3A_6 = arith.cmpi ne, %convert_element_type3A, %cond3A : i32
    scf.if %cond3A_6 {
      "tpu.region"() ({
        %run_scoped3A = tpu.sem_alloc : memref<!tpu.dma_semaphore, #tpu.memory_space<semaphore_mem>>
        tpu.enqueue_dma source(%arg7 : memref<512x128xf32, #tpu.memory_space<hbm>>) target(%arg17 : memref<512x128xf32, #tpu.memory_space<vmem_shared>>) target_semaphore(%run_scoped3A : memref<!tpu.dma_semaphore, #tpu.memory_space<semaphore_mem>>)
        tpu.wait_dma2 semaphore(%run_scoped3A : memref<!tpu.dma_semaphore, #tpu.memory_space<semaphore_mem>>) src(%arg7 : memref<512x128xf32, #tpu.memory_space<hbm>>) dst(%arg17 : memref<512x128xf32, #tpu.memory_space<vmem_shared>>)
        tpu.yield
      }) : () -> ()
    } else {
    }
    %eq3A_7 = arith.constant 1 : i32
    %eq3A_8 = arith.cmpi eq, %arg1, %eq3A_7 : i32
    %convert_element_type3A_9 = arith.extui %eq3A_8 : i1 to i32
    %cond3A_10 = arith.constant 0 : i32
    %cond3A_11 = arith.cmpi ne, %convert_element_type3A_9, %cond3A_10 : i32
    scf.if %cond3A_11 {
      "tpu.region"() ({
        %run_scoped3A = tpu.sem_alloc : memref<!tpu.dma_semaphore, #tpu.memory_space<semaphore_mem>>
        tpu.enqueue_dma source(%arg8 : memref<512x128xf32, #tpu.memory_space<hbm>>) target(%arg18 : memref<512x128xf32, #tpu.memory_space<vmem_shared>>) target_semaphore(%run_scoped3A : memref<!tpu.dma_semaphore, #tpu.memory_space<semaphore_mem>>)
        tpu.wait_dma2 semaphore(%run_scoped3A : memref<!tpu.dma_semaphore, #tpu.memory_space<semaphore_mem>>) src(%arg8 : memref<512x128xf32, #tpu.memory_space<hbm>>) dst(%arg18 : memref<512x128xf32, #tpu.memory_space<vmem_shared>>)
        tpu.yield
      }) : () -> ()
    } else {
    }
    %mul3A_12 = arith.constant 80 : i32
    %mul3A_13 = arith.muli %add3A, %mul3A_12 : i32
    %barrier3A = arith.constant 0 : index
    tpu.barrier barrier_id(%barrier3A)
    %scan3A = arith.constant 0 : i32
    %scan3A_14 = arith.constant 0 : i32
    %scan3A_15 = arith.constant 10 : i32
    %scan3A_16 = arith.addi %scan3A_14, %scan3A_15 : i32
    %scan3A_17 = arith.constant 1 : i32
    %scan3A_18 = scf.for %scan3A_30 = %scan3A_14 to %scan3A_16 step %scan3A_17 iter_args(%scan3A_31 = %scan3A) -> (i32)  : i32 {
      %mul3A_32 = arith.constant 8 : i32
      %mul3A_33 = arith.muli %scan3A_30, %mul3A_32 : i32
      %add3A_34 = arith.addi %mul3A_13, %mul3A_33 : i32
      "tpu.region"() ({
        %run_scoped3A = tpu.sem_alloc : memref<!tpu.dma_semaphore, #tpu.memory_space<semaphore_mem>>
        %dma_start3A = arith.constant 0 : i32
        %dma_start3A_43 = tpu.memref_slice %arg2[%add3A_34, %dma_start3A] : memref<2560x128xi32, #tpu.memory_space<hbm>> -> memref<8x128xi32, #tpu.memory_space<hbm>>
        %dma_start3A_44 = arith.constant 0 : i32
        %dma_start3A_45 = tpu.memref_slice %arg2[%add3A_34, %dma_start3A_44] : memref<2560x128xi32, #tpu.memory_space<hbm>> -> memref<8x128xi32, #tpu.memory_space<hbm>>
        tpu.enqueue_dma source(%dma_start3A_45 : memref<8x128xi32, #tpu.memory_space<hbm>>) target(%arg11 : memref<8x128xi32, #tpu.memory_space<vmem>>) target_semaphore(%run_scoped3A : memref<!tpu.dma_semaphore, #tpu.memory_space<semaphore_mem>>)
        %dma_wait3A = arith.constant 0 : i32
        %dma_wait3A_46 = tpu.memref_slice %arg2[%add3A_34, %dma_wait3A] : memref<2560x128xi32, #tpu.memory_space<hbm>> -> memref<8x128xi32, #tpu.memory_space<hbm>>
        %dma_wait3A_47 = arith.constant 0 : i32
        %dma_wait3A_48 = tpu.memref_slice %arg2[%add3A_34, %dma_wait3A_47] : memref<2560x128xi32, #tpu.memory_space<hbm>> -> memref<8x128xi32, #tpu.memory_space<hbm>>
        tpu.wait_dma2 semaphore(%run_scoped3A : memref<!tpu.dma_semaphore, #tpu.memory_space<semaphore_mem>>) src(%dma_wait3A_48 : memref<8x128xi32, #tpu.memory_space<hbm>>) dst(%arg11 : memref<8x128xi32, #tpu.memory_space<vmem>>)
        tpu.yield
      }) : () -> ()
      "tpu.region"() ({
        %run_scoped3A = tpu.sem_alloc : memref<!tpu.dma_semaphore, #tpu.memory_space<semaphore_mem>>
        %dma_start3A = arith.constant 0 : i32
        %dma_start3A_43 = tpu.memref_slice %arg3[%add3A_34, %dma_start3A] : memref<2560x128xi32, #tpu.memory_space<hbm>> -> memref<8x128xi32, #tpu.memory_space<hbm>>
        %dma_start3A_44 = arith.constant 0 : i32
        %dma_start3A_45 = tpu.memref_slice %arg3[%add3A_34, %dma_start3A_44] : memref<2560x128xi32, #tpu.memory_space<hbm>> -> memref<8x128xi32, #tpu.memory_space<hbm>>
        tpu.enqueue_dma source(%dma_start3A_45 : memref<8x128xi32, #tpu.memory_space<hbm>>) target(%arg12 : memref<8x128xi32, #tpu.memory_space<vmem>>) target_semaphore(%run_scoped3A : memref<!tpu.dma_semaphore, #tpu.memory_space<semaphore_mem>>)
        %dma_wait3A = arith.constant 0 : i32
        %dma_wait3A_46 = tpu.memref_slice %arg3[%add3A_34, %dma_wait3A] : memref<2560x128xi32, #tpu.memory_space<hbm>> -> memref<8x128xi32, #tpu.memory_space<hbm>>
        %dma_wait3A_47 = arith.constant 0 : i32
        %dma_wait3A_48 = tpu.memref_slice %arg3[%add3A_34, %dma_wait3A_47] : memref<2560x128xi32, #tpu.memory_space<hbm>> -> memref<8x128xi32, #tpu.memory_space<hbm>>
        tpu.wait_dma2 semaphore(%run_scoped3A : memref<!tpu.dma_semaphore, #tpu.memory_space<semaphore_mem>>) src(%dma_wait3A_48 : memref<8x128xi32, #tpu.memory_space<hbm>>) dst(%arg12 : memref<8x128xi32, #tpu.memory_space<vmem>>)
        tpu.yield
      }) : () -> ()
      "tpu.region"() ({
        %run_scoped3A = tpu.sem_alloc : memref<!tpu.dma_semaphore, #tpu.memory_space<semaphore_mem>>
        %dma_start3A = arith.constant 0 : i32
        %dma_start3A_43 = tpu.memref_slice %arg4[%add3A_34, %dma_start3A] : memref<2560x128xi32, #tpu.memory_space<hbm>> -> memref<8x128xi32, #tpu.memory_space<hbm>>
        %dma_start3A_44 = arith.constant 0 : i32
        %dma_start3A_45 = tpu.memref_slice %arg4[%add3A_34, %dma_start3A_44] : memref<2560x128xi32, #tpu.memory_space<hbm>> -> memref<8x128xi32, #tpu.memory_space<hbm>>
        tpu.enqueue_dma source(%dma_start3A_45 : memref<8x128xi32, #tpu.memory_space<hbm>>) target(%arg13 : memref<8x128xi32, #tpu.memory_space<vmem>>) target_semaphore(%run_scoped3A : memref<!tpu.dma_semaphore, #tpu.memory_space<semaphore_mem>>)
        %dma_wait3A = arith.constant 0 : i32
        %dma_wait3A_46 = tpu.memref_slice %arg4[%add3A_34, %dma_wait3A] : memref<2560x128xi32, #tpu.memory_space<hbm>> -> memref<8x128xi32, #tpu.memory_space<hbm>>
        %dma_wait3A_47 = arith.constant 0 : i32
        %dma_wait3A_48 = tpu.memref_slice %arg4[%add3A_34, %dma_wait3A_47] : memref<2560x128xi32, #tpu.memory_space<hbm>> -> memref<8x128xi32, #tpu.memory_space<hbm>>
        tpu.wait_dma2 semaphore(%run_scoped3A : memref<!tpu.dma_semaphore, #tpu.memory_space<semaphore_mem>>) src(%dma_wait3A_48 : memref<8x128xi32, #tpu.memory_space<hbm>>) dst(%arg13 : memref<8x128xi32, #tpu.memory_space<vmem>>)
        tpu.yield
      }) : () -> ()
      %scan3A_35 = arith.constant 0 : i32
      %scan3A_36 = arith.constant 0 : i32
      %scan3A_37 = arith.constant 8 : i32
      %scan3A_38 = arith.addi %scan3A_36, %scan3A_37 : i32
      %scan3A_39 = arith.constant 1 : i32
      %scan3A_40 = scf.for %scan3A_43 = %scan3A_36 to %scan3A_38 step %scan3A_39 iter_args(%scan3A_44 = %scan3A_35) -> (i32)  : i32 {
        %dma_start3A = arith.constant 0 : i32
        %dma_start3A_45 = tpu.memref_slice %arg11[%scan3A_43, %dma_start3A] : memref<8x128xi32, #tpu.memory_space<vmem>> -> memref<1x128xi32, #tpu.memory_space<vmem>>
        %dma_start3A_46 = tpu.memref_squeeze %dma_start3A_45 : memref<1x128xi32, #tpu.memory_space<vmem>> -> memref<128xi32, #tpu.memory_space<vmem>>
        %dma_start3A_47 = arith.constant 0 : i32
        %dma_start3A_48 = arith.constant 0 : i32
        %dma_start3A_49 = tpu.memref_slice %arg5[%dma_start3A_47, %dma_start3A_48] : memref<10112x128xf32, #tpu.memory_space<hbm>> -> memref<10112x128xf32, #tpu.memory_space<hbm>>
        tpu.enqueue_indirect_dma source(%dma_start3A_49 : memref<10112x128xf32, #tpu.memory_space<hbm>>) target(%arg14 : memref<128x128xf32, #tpu.memory_space<vmem>>) offsets(%dma_start3A_46 : memref<128xi32, #tpu.memory_space<vmem>>) semaphore(%arg19 : memref<!tpu.dma_semaphore, #tpu.memory_space<semaphore_mem>>)
        %dma_start3A_50 = arith.constant 0 : i32
        %dma_start3A_51 = tpu.memref_slice %arg13[%scan3A_43, %dma_start3A_50] : memref<8x128xi32, #tpu.memory_space<vmem>> -> memref<1x128xi32, #tpu.memory_space<vmem>>
        %dma_start3A_52 = tpu.memref_squeeze %dma_start3A_51 : memref<1x128xi32, #tpu.memory_space<vmem>> -> memref<128xi32, #tpu.memory_space<vmem>>
        %dma_start3A_53 = arith.constant 0 : i32
        %dma_start3A_54 = arith.constant 0 : i32
        %dma_start3A_55 = tpu.memref_slice %arg17[%dma_start3A_53, %dma_start3A_54] : memref<512x128xf32, #tpu.memory_space<vmem_shared>> -> memref<512x128xf32, #tpu.memory_space<vmem_shared>>
        tpu.enqueue_indirect_dma source(%dma_start3A_55 : memref<512x128xf32, #tpu.memory_space<vmem_shared>>) target(%arg15 : memref<128x128xf32, #tpu.memory_space<vmem>>) offsets(%dma_start3A_52 : memref<128xi32, #tpu.memory_space<vmem>>) semaphore(%arg20 : memref<!tpu.dma_semaphore, #tpu.memory_space<semaphore_mem>>)
        %dma_wait3A = arith.constant 0 : i32
        %dma_wait3A_56 = tpu.memref_slice %arg11[%scan3A_43, %dma_wait3A] : memref<8x128xi32, #tpu.memory_space<vmem>> -> memref<1x128xi32, #tpu.memory_space<vmem>>
        %dma_wait3A_57 = tpu.memref_squeeze %dma_wait3A_56 : memref<1x128xi32, #tpu.memory_space<vmem>> -> memref<128xi32, #tpu.memory_space<vmem>>
        %dma_wait3A_58 = arith.constant 0 : i32
        %dma_wait3A_59 = arith.constant 0 : i32
        %dma_wait3A_60 = tpu.memref_slice %arg5[%dma_wait3A_58, %dma_wait3A_59] : memref<10112x128xf32, #tpu.memory_space<hbm>> -> memref<10112x128xf32, #tpu.memory_space<hbm>>
        tpu.wait_indirect_dma semaphore(%arg19 : memref<!tpu.dma_semaphore, #tpu.memory_space<semaphore_mem>>) src(%dma_wait3A_60 : memref<10112x128xf32, #tpu.memory_space<hbm>>) dst(%arg14 : memref<128x128xf32, #tpu.memory_space<vmem>>)
        "tpu.region"() ({
          %run_scoped3A = tpu.sem_alloc : memref<!tpu.dma_semaphore, #tpu.memory_space<semaphore_mem>>
          %dma_start3A_92 = arith.constant 0 : i32
          %dma_start3A_93 = tpu.memref_slice %arg12[%scan3A_43, %dma_start3A_92] : memref<8x128xi32, #tpu.memory_space<vmem>> -> memref<1x128xi32, #tpu.memory_space<vmem>>
          %dma_start3A_94 = tpu.memref_squeeze %dma_start3A_93 : memref<1x128xi32, #tpu.memory_space<vmem>> -> memref<128xi32, #tpu.memory_space<vmem>>
          %dma_start3A_95 = arith.constant 0 : i32
          %dma_start3A_96 = arith.constant 0 : i32
          %dma_start3A_97 = tpu.memref_slice %arg16[%dma_start3A_95, %dma_start3A_96] : memref<10112x128xf32, #tpu.memory_space<vmem_shared>> -> memref<10112x128xf32, #tpu.memory_space<vmem_shared>>
          tpu.enqueue_indirect_dma source(%arg14 : memref<128x128xf32, #tpu.memory_space<vmem>>) target(%dma_start3A_97 : memref<10112x128xf32, #tpu.memory_space<vmem_shared>>) offsets(%dma_start3A_94 : memref<128xi32, #tpu.memory_space<vmem>>) semaphore(%run_scoped3A : memref<!tpu.dma_semaphore, #tpu.memory_space<semaphore_mem>>) {add = true}
          %dma_wait3A_98 = arith.constant 0 : i32
          %dma_wait3A_99 = tpu.memref_slice %arg12[%scan3A_43, %dma_wait3A_98] : memref<8x128xi32, #tpu.memory_space<vmem>> -> memref<1x128xi32, #tpu.memory_space<vmem>>
          %dma_wait3A_100 = tpu.memref_squeeze %dma_wait3A_99 : memref<1x128xi32, #tpu.memory_space<vmem>> -> memref<128xi32, #tpu.memory_space<vmem>>
          %dma_wait3A_101 = arith.constant 0 : i32
          %dma_wait3A_102 = arith.constant 0 : i32
          %dma_wait3A_103 = tpu.memref_slice %arg16[%dma_wait3A_101, %dma_wait3A_102] : memref<10112x128xf32, #tpu.memory_space<vmem_shared>> -> memref<10112x128xf32, #tpu.memory_space<vmem_shared>>
          tpu.wait_indirect_dma semaphore(%run_scoped3A : memref<!tpu.dma_semaphore, #tpu.memory_space<semaphore_mem>>) src(%arg14 : memref<128x128xf32, #tpu.memory_space<vmem>>) dst(%dma_wait3A_103 : memref<10112x128xf32, #tpu.memory_space<vmem_shared>>)
          tpu.yield
        }) : () -> ()
        %dma_start3A_61 = arith.constant 0 : i32
        %dma_start3A_62 = tpu.memref_slice %arg12[%scan3A_43, %dma_start3A_61] : memref<8x128xi32, #tpu.memory_space<vmem>> -> memref<1x128xi32, #tpu.memory_space<vmem>>
        %dma_start3A_63 = tpu.memref_squeeze %dma_start3A_62 : memref<1x128xi32, #tpu.memory_space<vmem>> -> memref<128xi32, #tpu.memory_space<vmem>>
        %dma_start3A_64 = arith.constant 0 : i32
        %dma_start3A_65 = arith.constant 0 : i32
        %dma_start3A_66 = tpu.memref_slice %arg6[%dma_start3A_64, %dma_start3A_65] : memref<10112x128xf32, #tpu.memory_space<hbm>> -> memref<10112x128xf32, #tpu.memory_space<hbm>>
        tpu.enqueue_indirect_dma source(%dma_start3A_66 : memref<10112x128xf32, #tpu.memory_space<hbm>>) target(%arg14 : memref<128x128xf32, #tpu.memory_space<vmem>>) offsets(%dma_start3A_63 : memref<128xi32, #tpu.memory_space<vmem>>) semaphore(%arg19 : memref<!tpu.dma_semaphore, #tpu.memory_space<semaphore_mem>>)
        %dma_wait3A_67 = arith.constant 0 : i32
        %dma_wait3A_68 = tpu.memref_slice %arg13[%scan3A_43, %dma_wait3A_67] : memref<8x128xi32, #tpu.memory_space<vmem>> -> memref<1x128xi32, #tpu.memory_space<vmem>>
        %dma_wait3A_69 = tpu.memref_squeeze %dma_wait3A_68 : memref<1x128xi32, #tpu.memory_space<vmem>> -> memref<128xi32, #tpu.memory_space<vmem>>
        %dma_wait3A_70 = arith.constant 0 : i32
        %dma_wait3A_71 = arith.constant 0 : i32
        %dma_wait3A_72 = tpu.memref_slice %arg17[%dma_wait3A_70, %dma_wait3A_71] : memref<512x128xf32, #tpu.memory_space<vmem_shared>> -> memref<512x128xf32, #tpu.memory_space<vmem_shared>>
        tpu.wait_indirect_dma semaphore(%arg20 : memref<!tpu.dma_semaphore, #tpu.memory_space<semaphore_mem>>) src(%dma_wait3A_72 : memref<512x128xf32, #tpu.memory_space<vmem_shared>>) dst(%arg15 : memref<128x128xf32, #tpu.memory_space<vmem>>)
        "tpu.region"() ({
          %run_scoped3A = tpu.sem_alloc : memref<!tpu.dma_semaphore, #tpu.memory_space<semaphore_mem>>
          %dma_start3A_92 = arith.constant 0 : i32
          %dma_start3A_93 = tpu.memref_slice %arg12[%scan3A_43, %dma_start3A_92] : memref<8x128xi32, #tpu.memory_space<vmem>> -> memref<1x128xi32, #tpu.memory_space<vmem>>
          %dma_start3A_94 = tpu.memref_squeeze %dma_start3A_93 : memref<1x128xi32, #tpu.memory_space<vmem>> -> memref<128xi32, #tpu.memory_space<vmem>>
          %dma_start3A_95 = arith.constant 0 : i32
          %dma_start3A_96 = arith.constant 0 : i32
          %dma_start3A_97 = tpu.memref_slice %arg16[%dma_start3A_95, %dma_start3A_96] : memref<10112x128xf32, #tpu.memory_space<vmem_shared>> -> memref<10112x128xf32, #tpu.memory_space<vmem_shared>>
          tpu.enqueue_indirect_dma source(%arg15 : memref<128x128xf32, #tpu.memory_space<vmem>>) target(%dma_start3A_97 : memref<10112x128xf32, #tpu.memory_space<vmem_shared>>) offsets(%dma_start3A_94 : memref<128xi32, #tpu.memory_space<vmem>>) semaphore(%run_scoped3A : memref<!tpu.dma_semaphore, #tpu.memory_space<semaphore_mem>>) {add = true}
          %dma_wait3A_98 = arith.constant 0 : i32
          %dma_wait3A_99 = tpu.memref_slice %arg12[%scan3A_43, %dma_wait3A_98] : memref<8x128xi32, #tpu.memory_space<vmem>> -> memref<1x128xi32, #tpu.memory_space<vmem>>
          %dma_wait3A_100 = tpu.memref_squeeze %dma_wait3A_99 : memref<1x128xi32, #tpu.memory_space<vmem>> -> memref<128xi32, #tpu.memory_space<vmem>>
          %dma_wait3A_101 = arith.constant 0 : i32
          %dma_wait3A_102 = arith.constant 0 : i32
          %dma_wait3A_103 = tpu.memref_slice %arg16[%dma_wait3A_101, %dma_wait3A_102] : memref<10112x128xf32, #tpu.memory_space<vmem_shared>> -> memref<10112x128xf32, #tpu.memory_space<vmem_shared>>
          tpu.wait_indirect_dma semaphore(%run_scoped3A : memref<!tpu.dma_semaphore, #tpu.memory_space<semaphore_mem>>) src(%arg15 : memref<128x128xf32, #tpu.memory_space<vmem>>) dst(%dma_wait3A_103 : memref<10112x128xf32, #tpu.memory_space<vmem_shared>>)
          tpu.yield
        }) : () -> ()
        %dma_start3A_73 = arith.constant 0 : i32
        %dma_start3A_74 = tpu.memref_slice %arg13[%scan3A_43, %dma_start3A_73] : memref<8x128xi32, #tpu.memory_space<vmem>> -> memref<1x128xi32, #tpu.memory_space<vmem>>
        %dma_start3A_75 = tpu.memref_squeeze %dma_start3A_74 : memref<1x128xi32, #tpu.memory_space<vmem>> -> memref<128xi32, #tpu.memory_space<vmem>>
        %dma_start3A_76 = arith.constant 0 : i32
        %dma_start3A_77 = arith.constant 0 : i32
        %dma_start3A_78 = tpu.memref_slice %arg18[%dma_start3A_76, %dma_start3A_77] : memref<512x128xf32, #tpu.memory_space<vmem_shared>> -> memref<512x128xf32, #tpu.memory_space<vmem_shared>>
        tpu.enqueue_indirect_dma source(%dma_start3A_78 : memref<512x128xf32, #tpu.memory_space<vmem_shared>>) target(%arg15 : memref<128x128xf32, #tpu.memory_space<vmem>>) offsets(%dma_start3A_75 : memref<128xi32, #tpu.memory_space<vmem>>) semaphore(%arg20 : memref<!tpu.dma_semaphore, #tpu.memory_space<semaphore_mem>>)
        %dma_wait3A_79 = arith.constant 0 : i32
        %dma_wait3A_80 = tpu.memref_slice %arg12[%scan3A_43, %dma_wait3A_79] : memref<8x128xi32, #tpu.memory_space<vmem>> -> memref<1x128xi32, #tpu.memory_space<vmem>>
        %dma_wait3A_81 = tpu.memref_squeeze %dma_wait3A_80 : memref<1x128xi32, #tpu.memory_space<vmem>> -> memref<128xi32, #tpu.memory_space<vmem>>
        %dma_wait3A_82 = arith.constant 0 : i32
        %dma_wait3A_83 = arith.constant 0 : i32
        %dma_wait3A_84 = tpu.memref_slice %arg6[%dma_wait3A_82, %dma_wait3A_83] : memref<10112x128xf32, #tpu.memory_space<hbm>> -> memref<10112x128xf32, #tpu.memory_space<hbm>>
        tpu.wait_indirect_dma semaphore(%arg19 : memref<!tpu.dma_semaphore, #tpu.memory_space<semaphore_mem>>) src(%dma_wait3A_84 : memref<10112x128xf32, #tpu.memory_space<hbm>>) dst(%arg14 : memref<128x128xf32, #tpu.memory_space<vmem>>)
        "tpu.region"() ({
          %run_scoped3A = tpu.sem_alloc : memref<!tpu.dma_semaphore, #tpu.memory_space<semaphore_mem>>
          %dma_start3A_92 = arith.constant 0 : i32
          %dma_start3A_93 = tpu.memref_slice %arg11[%scan3A_43, %dma_start3A_92] : memref<8x128xi32, #tpu.memory_space<vmem>> -> memref<1x128xi32, #tpu.memory_space<vmem>>
          %dma_start3A_94 = tpu.memref_squeeze %dma_start3A_93 : memref<1x128xi32, #tpu.memory_space<vmem>> -> memref<128xi32, #tpu.memory_space<vmem>>
          %dma_start3A_95 = arith.constant 0 : i32
          %dma_start3A_96 = arith.constant 0 : i32
          %dma_start3A_97 = tpu.memref_slice %arg16[%dma_start3A_95, %dma_start3A_96] : memref<10112x128xf32, #tpu.memory_space<vmem_shared>> -> memref<10112x128xf32, #tpu.memory_space<vmem_shared>>
          tpu.enqueue_indirect_dma source(%arg14 : memref<128x128xf32, #tpu.memory_space<vmem>>) target(%dma_start3A_97 : memref<10112x128xf32, #tpu.memory_space<vmem_shared>>) offsets(%dma_start3A_94 : memref<128xi32, #tpu.memory_space<vmem>>) semaphore(%run_scoped3A : memref<!tpu.dma_semaphore, #tpu.memory_space<semaphore_mem>>) {add = true}
          %dma_wait3A_98 = arith.constant 0 : i32
          %dma_wait3A_99 = tpu.memref_slice %arg11[%scan3A_43, %dma_wait3A_98] : memref<8x128xi32, #tpu.memory_space<vmem>> -> memref<1x128xi32, #tpu.memory_space<vmem>>
          %dma_wait3A_100 = tpu.memref_squeeze %dma_wait3A_99 : memref<1x128xi32, #tpu.memory_space<vmem>> -> memref<128xi32, #tpu.memory_space<vmem>>
          %dma_wait3A_101 = arith.constant 0 : i32
          %dma_wait3A_102 = arith.constant 0 : i32
          %dma_wait3A_103 = tpu.memref_slice %arg16[%dma_wait3A_101, %dma_wait3A_102] : memref<10112x128xf32, #tpu.memory_space<vmem_shared>> -> memref<10112x128xf32, #tpu.memory_space<vmem_shared>>
          tpu.wait_indirect_dma semaphore(%run_scoped3A : memref<!tpu.dma_semaphore, #tpu.memory_space<semaphore_mem>>) src(%arg14 : memref<128x128xf32, #tpu.memory_space<vmem>>) dst(%dma_wait3A_103 : memref<10112x128xf32, #tpu.memory_space<vmem_shared>>)
          tpu.yield
        }) : () -> ()
        %dma_wait3A_85 = arith.constant 0 : i32
        %dma_wait3A_86 = tpu.memref_slice %arg13[%scan3A_43, %dma_wait3A_85] : memref<8x128xi32, #tpu.memory_space<vmem>> -> memref<1x128xi32, #tpu.memory_space<vmem>>
        %dma_wait3A_87 = tpu.memref_squeeze %dma_wait3A_86 : memref<1x128xi32, #tpu.memory_space<vmem>> -> memref<128xi32, #tpu.memory_space<vmem>>
        %dma_wait3A_88 = arith.constant 0 : i32
        %dma_wait3A_89 = arith.constant 0 : i32
        %dma_wait3A_90 = tpu.memref_slice %arg18[%dma_wait3A_88, %dma_wait3A_89] : memref<512x128xf32, #tpu.memory_space<vmem_shared>> -> memref<512x128xf32, #tpu.memory_space<vmem_shared>>
        tpu.wait_indirect_dma semaphore(%arg20 : memref<!tpu.dma_semaphore, #tpu.memory_space<semaphore_mem>>) src(%dma_wait3A_90 : memref<512x128xf32, #tpu.memory_space<vmem_shared>>) dst(%arg15 : memref<128x128xf32, #tpu.memory_space<vmem>>)
        "tpu.region"() ({
          %run_scoped3A = tpu.sem_alloc : memref<!tpu.dma_semaphore, #tpu.memory_space<semaphore_mem>>
          %dma_start3A_92 = arith.constant 0 : i32
          %dma_start3A_93 = tpu.memref_slice %arg11[%scan3A_43, %dma_start3A_92] : memref<8x128xi32, #tpu.memory_space<vmem>> -> memref<1x128xi32, #tpu.memory_space<vmem>>
          %dma_start3A_94 = tpu.memref_squeeze %dma_start3A_93 : memref<1x128xi32, #tpu.memory_space<vmem>> -> memref<128xi32, #tpu.memory_space<vmem>>
          %dma_start3A_95 = arith.constant 0 : i32
          %dma_start3A_96 = arith.constant 0 : i32
          %dma_start3A_97 = tpu.memref_slice %arg16[%dma_start3A_95, %dma_start3A_96] : memref<10112x128xf32, #tpu.memory_space<vmem_shared>> -> memref<10112x128xf32, #tpu.memory_space<vmem_shared>>
          tpu.enqueue_indirect_dma source(%arg15 : memref<128x128xf32, #tpu.memory_space<vmem>>) target(%dma_start3A_97 : memref<10112x128xf32, #tpu.memory_space<vmem_shared>>) offsets(%dma_start3A_94 : memref<128xi32, #tpu.memory_space<vmem>>) semaphore(%run_scoped3A : memref<!tpu.dma_semaphore, #tpu.memory_space<semaphore_mem>>) {add = true}
          %dma_wait3A_98 = arith.constant 0 : i32
          %dma_wait3A_99 = tpu.memref_slice %arg11[%scan3A_43, %dma_wait3A_98] : memref<8x128xi32, #tpu.memory_space<vmem>> -> memref<1x128xi32, #tpu.memory_space<vmem>>
          %dma_wait3A_100 = tpu.memref_squeeze %dma_wait3A_99 : memref<1x128xi32, #tpu.memory_space<vmem>> -> memref<128xi32, #tpu.memory_space<vmem>>
          %dma_wait3A_101 = arith.constant 0 : i32
          %dma_wait3A_102 = arith.constant 0 : i32
          %dma_wait3A_103 = tpu.memref_slice %arg16[%dma_wait3A_101, %dma_wait3A_102] : memref<10112x128xf32, #tpu.memory_space<vmem_shared>> -> memref<10112x128xf32, #tpu.memory_space<vmem_shared>>
          tpu.wait_indirect_dma semaphore(%run_scoped3A : memref<!tpu.dma_semaphore, #tpu.memory_space<semaphore_mem>>) src(%arg15 : memref<128x128xf32, #tpu.memory_space<vmem>>) dst(%dma_wait3A_103 : memref<10112x128xf32, #tpu.memory_space<vmem_shared>>)
          tpu.yield
        }) : () -> ()
        %scan3A_91 = arith.constant 0 : i32
        scf.yield %scan3A_91 : i32
      }
      %scan3A_41 = arith.constant 8 : i32
      %scan3A_42 = arith.constant 0 : i32
      scf.yield %scan3A_42 : i32
    }
    %scan3A_19 = arith.constant 10 : i32
    %barrier3A_20 = arith.constant 0 : index
    tpu.barrier barrier_id(%barrier3A_20)
    %lt3A = arith.constant 15 : i32
    %lt3A_21 = arith.cmpi slt, %arg1, %lt3A : i32
    %convert_element_type3A_22 = arith.extui %lt3A_21 : i1 to i32
    %cond3A_23 = arith.constant 0 : i32
    %cond3A_24 = arith.cmpi ne, %convert_element_type3A_22, %cond3A_23 : i32
    scf.if %cond3A_24 {
      %mul3A_30 = arith.constant 632 : i32
      %mul3A_31 = arith.muli %arg1, %mul3A_30 : i32
      %mul3A_32 = arith.constant 632 : i32
      %mul3A_33 = arith.muli %arg1, %mul3A_32 : i32
      "tpu.region"() ({
        %run_scoped3A = tpu.sem_alloc : memref<!tpu.dma_semaphore, #tpu.memory_space<semaphore_mem>>
        %dma_start3A = arith.constant 0 : i32
        %dma_start3A_34 = arith.constant 0 : i32
        %dma_start3A_35 = tpu.memref_slice %arg10[%arg0, %dma_start3A, %dma_start3A_34] : memref<2x10000x128xf32, #tpu.memory_space<hbm>> -> memref<1x10000x128xf32, #tpu.memory_space<hbm>>
        %dma_start3A_36 = tpu.memref_squeeze %dma_start3A_35 : memref<1x10000x128xf32, #tpu.memory_space<hbm>> -> memref<10000x128xf32, #tpu.memory_space<hbm>>
        %dma_start3A_37 = arith.constant 0 : i32
        %dma_start3A_38 = tpu.memref_slice %dma_start3A_36[%mul3A_33, %dma_start3A_37] : memref<10000x128xf32, #tpu.memory_space<hbm>> -> memref<632x128xf32, #tpu.memory_space<hbm>>
        %dma_start3A_39 = arith.constant 0 : i32
        %dma_start3A_40 = tpu.memref_slice %arg16[%mul3A_31, %dma_start3A_39] : memref<10112x128xf32, #tpu.memory_space<vmem_shared>> -> memref<632x128xf32, #tpu.memory_space<vmem_shared>>
        tpu.enqueue_dma source(%dma_start3A_40 : memref<632x128xf32, #tpu.memory_space<vmem_shared>>) target(%dma_start3A_38 : memref<632x128xf32, #tpu.memory_space<hbm>>) target_semaphore(%run_scoped3A : memref<!tpu.dma_semaphore, #tpu.memory_space<semaphore_mem>>)
        %dma_wait3A = arith.constant 0 : i32
        %dma_wait3A_41 = arith.constant 0 : i32
        %dma_wait3A_42 = tpu.memref_slice %arg10[%arg0, %dma_wait3A, %dma_wait3A_41] : memref<2x10000x128xf32, #tpu.memory_space<hbm>> -> memref<1x10000x128xf32, #tpu.memory_space<hbm>>
        %dma_wait3A_43 = tpu.memref_squeeze %dma_wait3A_42 : memref<1x10000x128xf32, #tpu.memory_space<hbm>> -> memref<10000x128xf32, #tpu.memory_space<hbm>>
        %dma_wait3A_44 = arith.constant 0 : i32
        %dma_wait3A_45 = tpu.memref_slice %dma_wait3A_43[%mul3A_33, %dma_wait3A_44] : memref<10000x128xf32, #tpu.memory_space<hbm>> -> memref<632x128xf32, #tpu.memory_space<hbm>>
        %dma_wait3A_46 = arith.constant 0 : i32
        %dma_wait3A_47 = tpu.memref_slice %arg16[%mul3A_31, %dma_wait3A_46] : memref<10112x128xf32, #tpu.memory_space<vmem_shared>> -> memref<632x128xf32, #tpu.memory_space<vmem_shared>>
        tpu.wait_dma2 semaphore(%run_scoped3A : memref<!tpu.dma_semaphore, #tpu.memory_space<semaphore_mem>>) src(%dma_wait3A_47 : memref<632x128xf32, #tpu.memory_space<vmem_shared>>) dst(%dma_wait3A_45 : memref<632x128xf32, #tpu.memory_space<hbm>>)
        tpu.yield
      }) : () -> ()
    } else {
    }
    %eq3A_25 = arith.constant 15 : i32
    %eq3A_26 = arith.cmpi eq, %arg1, %eq3A_25 : i32
    %convert_element_type3A_27 = arith.extui %eq3A_26 : i1 to i32
    %cond3A_28 = arith.constant 0 : i32
    %cond3A_29 = arith.cmpi ne, %convert_element_type3A_27, %cond3A_28 : i32
    scf.if %cond3A_29 {
      "tpu.region"() ({
        %run_scoped3A = tpu.sem_alloc : memref<!tpu.dma_semaphore, #tpu.memory_space<semaphore_mem>>
        %dma_start3A = arith.constant 0 : i32
        %dma_start3A_30 = arith.constant 0 : i32
        %dma_start3A_31 = tpu.memref_slice %arg10[%arg0, %dma_start3A, %dma_start3A_30] : memref<2x10000x128xf32, #tpu.memory_space<hbm>> -> memref<1x10000x128xf32, #tpu.memory_space<hbm>>
        %dma_start3A_32 = tpu.memref_squeeze %dma_start3A_31 : memref<1x10000x128xf32, #tpu.memory_space<hbm>> -> memref<10000x128xf32, #tpu.memory_space<hbm>>
        %dma_start3A_33 = arith.constant 9480 : i32
        %dma_start3A_34 = arith.constant 0 : i32
        %dma_start3A_35 = tpu.memref_slice %dma_start3A_32[%dma_start3A_33, %dma_start3A_34] : memref<10000x128xf32, #tpu.memory_space<hbm>> -> memref<520x128xf32, #tpu.memory_space<hbm>>
        %dma_start3A_36 = arith.constant 9480 : i32
        %dma_start3A_37 = arith.constant 0 : i32
        %dma_start3A_38 = tpu.memref_slice %arg16[%dma_start3A_36, %dma_start3A_37] : memref<10112x128xf32, #tpu.memory_space<vmem_shared>> -> memref<520x128xf32, #tpu.memory_space<vmem_shared>>
        tpu.enqueue_dma source(%dma_start3A_38 : memref<520x128xf32, #tpu.memory_space<vmem_shared>>) target(%dma_start3A_35 : memref<520x128xf32, #tpu.memory_space<hbm>>) target_semaphore(%run_scoped3A : memref<!tpu.dma_semaphore, #tpu.memory_space<semaphore_mem>>)
        %dma_wait3A = arith.constant 0 : i32
        %dma_wait3A_39 = arith.constant 0 : i32
        %dma_wait3A_40 = tpu.memref_slice %arg10[%arg0, %dma_wait3A, %dma_wait3A_39] : memref<2x10000x128xf32, #tpu.memory_space<hbm>> -> memref<1x10000x128xf32, #tpu.memory_space<hbm>>
        %dma_wait3A_41 = tpu.memref_squeeze %dma_wait3A_40 : memref<1x10000x128xf32, #tpu.memory_space<hbm>> -> memref<10000x128xf32, #tpu.memory_space<hbm>>
        %dma_wait3A_42 = arith.constant 9480 : i32
        %dma_wait3A_43 = arith.constant 0 : i32
        %dma_wait3A_44 = tpu.memref_slice %dma_wait3A_41[%dma_wait3A_42, %dma_wait3A_43] : memref<10000x128xf32, #tpu.memory_space<hbm>> -> memref<520x128xf32, #tpu.memory_space<hbm>>
        %dma_wait3A_45 = arith.constant 9480 : i32
        %dma_wait3A_46 = arith.constant 0 : i32
        %dma_wait3A_47 = tpu.memref_slice %arg16[%dma_wait3A_45, %dma_wait3A_46] : memref<10112x128xf32, #tpu.memory_space<vmem_shared>> -> memref<520x128xf32, #tpu.memory_space<vmem_shared>>
        tpu.wait_dma2 semaphore(%run_scoped3A : memref<!tpu.dma_semaphore, #tpu.memory_space<semaphore_mem>>) src(%dma_wait3A_47 : memref<520x128xf32, #tpu.memory_space<vmem_shared>>) dst(%dma_wait3A_44 : memref<520x128xf32, #tpu.memory_space<hbm>>)
        tpu.yield
      }) : () -> ()
    } else {
    }
    return
  }
}

#map = affine_map<(d0, d1) -> (0, 0)>
module attributes {stable_mosaic.version = 14 : i64} {
  func.func @_sc2_body(%arg0: i32, %arg1: i32, %arg2: memref<2560x128xi32, #tpu.memory_space<hbm>>, %arg3: memref<2560x128xi32, #tpu.memory_space<hbm>>, %arg4: memref<2560x128xi32, #tpu.memory_space<hbm>>, %arg5: memref<10112x128xf32, #tpu.memory_space<hbm>>, %arg6: memref<10112x128xf32, #tpu.memory_space<hbm>>, %arg7: memref<1024x128xf32, #tpu.memory_space<hbm>>, %arg8: memref<1024x128xf32, #tpu.memory_space<hbm>>, %arg9: memref<327680x128xf32, #tpu.memory_space<hbm>>, %arg10: memref<327680x128xf32, #tpu.memory_space<hbm>>, %arg11: memref<8x128xi32, #tpu.memory_space<vmem>>, %arg12: memref<8x128xi32, #tpu.memory_space<vmem>>, %arg13: memref<8x128xi32, #tpu.memory_space<vmem>>, %arg14: memref<128x128xf32, #tpu.memory_space<vmem>>, %arg15: memref<128x128xf32, #tpu.memory_space<vmem>>, %arg16: memref<128x128xf32, #tpu.memory_space<vmem>>, %arg17: memref<128x128xf32, #tpu.memory_space<vmem>>, %arg18: memref<1024x128xf32, #tpu.memory_space<vmem_shared>>, %arg19: memref<1024x128xf32, #tpu.memory_space<vmem_shared>>, %arg20: memref<!tpu.dma_semaphore, #tpu.memory_space<semaphore_mem>>, %arg21: memref<!tpu.dma_semaphore, #tpu.memory_space<semaphore_mem>>, %arg22: memref<!tpu.dma_semaphore, #tpu.memory_space<semaphore_mem>>, %arg23: memref<!tpu.dma_semaphore, #tpu.memory_space<semaphore_mem>>) attributes {dimension_semantics = [#tpu.dimension_semantics<core_parallel>, #tpu.dimension_semantics<subcore_parallel>], iteration_bounds = array<i64: 2, 16>, scalar_prefetch = 0 : i64, scratch_operands = 13 : i64, tpu.core_type = #tpu.core_type<sc_vector_subcore>, window_params = [{transform_indices = #map}, {transform_indices = #map}, {transform_indices = #map}, {transform_indices = #map}, {transform_indices = #map}, {transform_indices = #map}, {transform_indices = #map}, {transform_indices = #map}, {transform_indices = #map}]} {
    %mul3A = arith.constant 16 : i32
    %mul3A_0 = arith.muli %arg0, %mul3A : i32
    %add3A = arith.addi %mul3A_0, %arg1 : i32
    %mul3A_1 = arith.constant 80 : i32
    %mul3A_2 = arith.muli %add3A, %mul3A_1 : i32
    %eq3A = arith.constant 0 : i32
    %eq3A_3 = arith.cmpi eq, %arg1, %eq3A : i32
    %convert_element_type3A = arith.extui %eq3A_3 : i1 to i32
    %cond3A = arith.constant 0 : i32
    %cond3A_4 = arith.cmpi ne, %convert_element_type3A, %cond3A : i32
    scf.if %cond3A_4 {
      "tpu.region"() ({
        %run_scoped3A = tpu.sem_alloc : memref<!tpu.dma_semaphore, #tpu.memory_space<semaphore_mem>>
        tpu.enqueue_dma source(%arg7 : memref<1024x128xf32, #tpu.memory_space<hbm>>) target(%arg18 : memref<1024x128xf32, #tpu.memory_space<vmem_shared>>) target_semaphore(%run_scoped3A : memref<!tpu.dma_semaphore, #tpu.memory_space<semaphore_mem>>)
        tpu.wait_dma2 semaphore(%run_scoped3A : memref<!tpu.dma_semaphore, #tpu.memory_space<semaphore_mem>>) src(%arg7 : memref<1024x128xf32, #tpu.memory_space<hbm>>) dst(%arg18 : memref<1024x128xf32, #tpu.memory_space<vmem_shared>>)
        tpu.yield
      }) : () -> ()
    } else {
    }
    %eq3A_5 = arith.constant 1 : i32
    %eq3A_6 = arith.cmpi eq, %arg1, %eq3A_5 : i32
    %convert_element_type3A_7 = arith.extui %eq3A_6 : i1 to i32
    %cond3A_8 = arith.constant 0 : i32
    %cond3A_9 = arith.cmpi ne, %convert_element_type3A_7, %cond3A_8 : i32
    scf.if %cond3A_9 {
      "tpu.region"() ({
        %run_scoped3A = tpu.sem_alloc : memref<!tpu.dma_semaphore, #tpu.memory_space<semaphore_mem>>
        tpu.enqueue_dma source(%arg8 : memref<1024x128xf32, #tpu.memory_space<hbm>>) target(%arg19 : memref<1024x128xf32, #tpu.memory_space<vmem_shared>>) target_semaphore(%run_scoped3A : memref<!tpu.dma_semaphore, #tpu.memory_space<semaphore_mem>>)
        tpu.wait_dma2 semaphore(%run_scoped3A : memref<!tpu.dma_semaphore, #tpu.memory_space<semaphore_mem>>) src(%arg8 : memref<1024x128xf32, #tpu.memory_space<hbm>>) dst(%arg19 : memref<1024x128xf32, #tpu.memory_space<vmem_shared>>)
        tpu.yield
      }) : () -> ()
    } else {
    }
    %barrier3A = arith.constant 0 : index
    tpu.barrier barrier_id(%barrier3A)
    %scan3A = arith.constant 0 : i32
    %scan3A_10 = arith.constant 0 : i32
    %scan3A_11 = arith.constant 10 : i32
    %scan3A_12 = arith.addi %scan3A_10, %scan3A_11 : i32
    %scan3A_13 = arith.constant 1 : i32
    %scan3A_14 = scf.for %scan3A_16 = %scan3A_10 to %scan3A_12 step %scan3A_13 iter_args(%scan3A_17 = %scan3A) -> (i32)  : i32 {
      %mul3A_18 = arith.constant 8 : i32
      %mul3A_19 = arith.muli %scan3A_16, %mul3A_18 : i32
      %add3A_20 = arith.addi %mul3A_2, %mul3A_19 : i32
      "tpu.region"() ({
        %run_scoped3A = tpu.sem_alloc : memref<!tpu.dma_semaphore, #tpu.memory_space<semaphore_mem>>
        %dma_start3A = arith.constant 0 : i32
        %dma_start3A_29 = tpu.memref_slice %arg2[%add3A_20, %dma_start3A] : memref<2560x128xi32, #tpu.memory_space<hbm>> -> memref<8x128xi32, #tpu.memory_space<hbm>>
        %dma_start3A_30 = arith.constant 0 : i32
        %dma_start3A_31 = tpu.memref_slice %arg2[%add3A_20, %dma_start3A_30] : memref<2560x128xi32, #tpu.memory_space<hbm>> -> memref<8x128xi32, #tpu.memory_space<hbm>>
        tpu.enqueue_dma source(%dma_start3A_31 : memref<8x128xi32, #tpu.memory_space<hbm>>) target(%arg11 : memref<8x128xi32, #tpu.memory_space<vmem>>) target_semaphore(%run_scoped3A : memref<!tpu.dma_semaphore, #tpu.memory_space<semaphore_mem>>)
        %dma_wait3A = arith.constant 0 : i32
        %dma_wait3A_32 = tpu.memref_slice %arg2[%add3A_20, %dma_wait3A] : memref<2560x128xi32, #tpu.memory_space<hbm>> -> memref<8x128xi32, #tpu.memory_space<hbm>>
        %dma_wait3A_33 = arith.constant 0 : i32
        %dma_wait3A_34 = tpu.memref_slice %arg2[%add3A_20, %dma_wait3A_33] : memref<2560x128xi32, #tpu.memory_space<hbm>> -> memref<8x128xi32, #tpu.memory_space<hbm>>
        tpu.wait_dma2 semaphore(%run_scoped3A : memref<!tpu.dma_semaphore, #tpu.memory_space<semaphore_mem>>) src(%dma_wait3A_34 : memref<8x128xi32, #tpu.memory_space<hbm>>) dst(%arg11 : memref<8x128xi32, #tpu.memory_space<vmem>>)
        tpu.yield
      }) : () -> ()
      "tpu.region"() ({
        %run_scoped3A = tpu.sem_alloc : memref<!tpu.dma_semaphore, #tpu.memory_space<semaphore_mem>>
        %dma_start3A = arith.constant 0 : i32
        %dma_start3A_29 = tpu.memref_slice %arg3[%add3A_20, %dma_start3A] : memref<2560x128xi32, #tpu.memory_space<hbm>> -> memref<8x128xi32, #tpu.memory_space<hbm>>
        %dma_start3A_30 = arith.constant 0 : i32
        %dma_start3A_31 = tpu.memref_slice %arg3[%add3A_20, %dma_start3A_30] : memref<2560x128xi32, #tpu.memory_space<hbm>> -> memref<8x128xi32, #tpu.memory_space<hbm>>
        tpu.enqueue_dma source(%dma_start3A_31 : memref<8x128xi32, #tpu.memory_space<hbm>>) target(%arg12 : memref<8x128xi32, #tpu.memory_space<vmem>>) target_semaphore(%run_scoped3A : memref<!tpu.dma_semaphore, #tpu.memory_space<semaphore_mem>>)
        %dma_wait3A = arith.constant 0 : i32
        %dma_wait3A_32 = tpu.memref_slice %arg3[%add3A_20, %dma_wait3A] : memref<2560x128xi32, #tpu.memory_space<hbm>> -> memref<8x128xi32, #tpu.memory_space<hbm>>
        %dma_wait3A_33 = arith.constant 0 : i32
        %dma_wait3A_34 = tpu.memref_slice %arg3[%add3A_20, %dma_wait3A_33] : memref<2560x128xi32, #tpu.memory_space<hbm>> -> memref<8x128xi32, #tpu.memory_space<hbm>>
        tpu.wait_dma2 semaphore(%run_scoped3A : memref<!tpu.dma_semaphore, #tpu.memory_space<semaphore_mem>>) src(%dma_wait3A_34 : memref<8x128xi32, #tpu.memory_space<hbm>>) dst(%arg12 : memref<8x128xi32, #tpu.memory_space<vmem>>)
        tpu.yield
      }) : () -> ()
      "tpu.region"() ({
        %run_scoped3A = tpu.sem_alloc : memref<!tpu.dma_semaphore, #tpu.memory_space<semaphore_mem>>
        %dma_start3A = arith.constant 0 : i32
        %dma_start3A_29 = tpu.memref_slice %arg4[%add3A_20, %dma_start3A] : memref<2560x128xi32, #tpu.memory_space<hbm>> -> memref<8x128xi32, #tpu.memory_space<hbm>>
        %dma_start3A_30 = arith.constant 0 : i32
        %dma_start3A_31 = tpu.memref_slice %arg4[%add3A_20, %dma_start3A_30] : memref<2560x128xi32, #tpu.memory_space<hbm>> -> memref<8x128xi32, #tpu.memory_space<hbm>>
        tpu.enqueue_dma source(%dma_start3A_31 : memref<8x128xi32, #tpu.memory_space<hbm>>) target(%arg13 : memref<8x128xi32, #tpu.memory_space<vmem>>) target_semaphore(%run_scoped3A : memref<!tpu.dma_semaphore, #tpu.memory_space<semaphore_mem>>)
        %dma_wait3A = arith.constant 0 : i32
        %dma_wait3A_32 = tpu.memref_slice %arg4[%add3A_20, %dma_wait3A] : memref<2560x128xi32, #tpu.memory_space<hbm>> -> memref<8x128xi32, #tpu.memory_space<hbm>>
        %dma_wait3A_33 = arith.constant 0 : i32
        %dma_wait3A_34 = tpu.memref_slice %arg4[%add3A_20, %dma_wait3A_33] : memref<2560x128xi32, #tpu.memory_space<hbm>> -> memref<8x128xi32, #tpu.memory_space<hbm>>
        tpu.wait_dma2 semaphore(%run_scoped3A : memref<!tpu.dma_semaphore, #tpu.memory_space<semaphore_mem>>) src(%dma_wait3A_34 : memref<8x128xi32, #tpu.memory_space<hbm>>) dst(%arg13 : memref<8x128xi32, #tpu.memory_space<vmem>>)
        tpu.yield
      }) : () -> ()
      %scan3A_21 = arith.constant 0 : i32
      %scan3A_22 = arith.constant 0 : i32
      %scan3A_23 = arith.constant 8 : i32
      %scan3A_24 = arith.addi %scan3A_22, %scan3A_23 : i32
      %scan3A_25 = arith.constant 1 : i32
      %scan3A_26 = scf.for %scan3A_29 = %scan3A_22 to %scan3A_24 step %scan3A_25 iter_args(%scan3A_30 = %scan3A_21) -> (i32)  : i32 {
        %mul3A_31 = arith.constant 8 : i32
        %mul3A_32 = arith.muli %scan3A_16, %mul3A_31 : i32
        %add3A_33 = arith.addi %mul3A_32, %scan3A_29 : i32
        %add3A_34 = arith.addi %mul3A_2, %add3A_33 : i32
        %dma_start3A = arith.constant 0 : i32
        %dma_start3A_35 = tpu.memref_slice %arg11[%scan3A_29, %dma_start3A] : memref<8x128xi32, #tpu.memory_space<vmem>> -> memref<1x128xi32, #tpu.memory_space<vmem>>
        %dma_start3A_36 = tpu.memref_squeeze %dma_start3A_35 : memref<1x128xi32, #tpu.memory_space<vmem>> -> memref<128xi32, #tpu.memory_space<vmem>>
        %dma_start3A_37 = arith.constant 0 : i32
        %dma_start3A_38 = arith.constant 0 : i32
        %dma_start3A_39 = tpu.memref_slice %arg5[%dma_start3A_37, %dma_start3A_38] : memref<10112x128xf32, #tpu.memory_space<hbm>> -> memref<10112x128xf32, #tpu.memory_space<hbm>>
        tpu.enqueue_indirect_dma source(%dma_start3A_39 : memref<10112x128xf32, #tpu.memory_space<hbm>>) target(%arg14 : memref<128x128xf32, #tpu.memory_space<vmem>>) offsets(%dma_start3A_36 : memref<128xi32, #tpu.memory_space<vmem>>) semaphore(%arg20 : memref<!tpu.dma_semaphore, #tpu.memory_space<semaphore_mem>>)
        %dma_start3A_40 = arith.constant 0 : i32
        %dma_start3A_41 = tpu.memref_slice %arg12[%scan3A_29, %dma_start3A_40] : memref<8x128xi32, #tpu.memory_space<vmem>> -> memref<1x128xi32, #tpu.memory_space<vmem>>
        %dma_start3A_42 = tpu.memref_squeeze %dma_start3A_41 : memref<1x128xi32, #tpu.memory_space<vmem>> -> memref<128xi32, #tpu.memory_space<vmem>>
        %dma_start3A_43 = arith.constant 0 : i32
        %dma_start3A_44 = arith.constant 0 : i32
        %dma_start3A_45 = tpu.memref_slice %arg6[%dma_start3A_43, %dma_start3A_44] : memref<10112x128xf32, #tpu.memory_space<hbm>> -> memref<10112x128xf32, #tpu.memory_space<hbm>>
        tpu.enqueue_indirect_dma source(%dma_start3A_45 : memref<10112x128xf32, #tpu.memory_space<hbm>>) target(%arg15 : memref<128x128xf32, #tpu.memory_space<vmem>>) offsets(%dma_start3A_42 : memref<128xi32, #tpu.memory_space<vmem>>) semaphore(%arg21 : memref<!tpu.dma_semaphore, #tpu.memory_space<semaphore_mem>>)
        %dma_start3A_46 = arith.constant 0 : i32
        %dma_start3A_47 = tpu.memref_slice %arg13[%scan3A_29, %dma_start3A_46] : memref<8x128xi32, #tpu.memory_space<vmem>> -> memref<1x128xi32, #tpu.memory_space<vmem>>
        %dma_start3A_48 = tpu.memref_squeeze %dma_start3A_47 : memref<1x128xi32, #tpu.memory_space<vmem>> -> memref<128xi32, #tpu.memory_space<vmem>>
        %dma_start3A_49 = arith.constant 0 : i32
        %dma_start3A_50 = arith.constant 0 : i32
        %dma_start3A_51 = tpu.memref_slice %arg18[%dma_start3A_49, %dma_start3A_50] : memref<1024x128xf32, #tpu.memory_space<vmem_shared>> -> memref<1024x128xf32, #tpu.memory_space<vmem_shared>>
        tpu.enqueue_indirect_dma source(%dma_start3A_51 : memref<1024x128xf32, #tpu.memory_space<vmem_shared>>) target(%arg16 : memref<128x128xf32, #tpu.memory_space<vmem>>) offsets(%dma_start3A_48 : memref<128xi32, #tpu.memory_space<vmem>>) semaphore(%arg22 : memref<!tpu.dma_semaphore, #tpu.memory_space<semaphore_mem>>)
        %dma_start3A_52 = arith.constant 0 : i32
        %dma_start3A_53 = tpu.memref_slice %arg13[%scan3A_29, %dma_start3A_52] : memref<8x128xi32, #tpu.memory_space<vmem>> -> memref<1x128xi32, #tpu.memory_space<vmem>>
        %dma_start3A_54 = tpu.memref_squeeze %dma_start3A_53 : memref<1x128xi32, #tpu.memory_space<vmem>> -> memref<128xi32, #tpu.memory_space<vmem>>
        %dma_start3A_55 = arith.constant 0 : i32
        %dma_start3A_56 = arith.constant 0 : i32
        %dma_start3A_57 = tpu.memref_slice %arg19[%dma_start3A_55, %dma_start3A_56] : memref<1024x128xf32, #tpu.memory_space<vmem_shared>> -> memref<1024x128xf32, #tpu.memory_space<vmem_shared>>
        tpu.enqueue_indirect_dma source(%dma_start3A_57 : memref<1024x128xf32, #tpu.memory_space<vmem_shared>>) target(%arg17 : memref<128x128xf32, #tpu.memory_space<vmem>>) offsets(%dma_start3A_54 : memref<128xi32, #tpu.memory_space<vmem>>) semaphore(%arg23 : memref<!tpu.dma_semaphore, #tpu.memory_space<semaphore_mem>>)
        %dma_wait3A = arith.constant 0 : i32
        %dma_wait3A_58 = tpu.memref_slice %arg11[%scan3A_29, %dma_wait3A] : memref<8x128xi32, #tpu.memory_space<vmem>> -> memref<1x128xi32, #tpu.memory_space<vmem>>
        %dma_wait3A_59 = tpu.memref_squeeze %dma_wait3A_58 : memref<1x128xi32, #tpu.memory_space<vmem>> -> memref<128xi32, #tpu.memory_space<vmem>>
        %dma_wait3A_60 = arith.constant 0 : i32
        %dma_wait3A_61 = arith.constant 0 : i32
        %dma_wait3A_62 = tpu.memref_slice %arg5[%dma_wait3A_60, %dma_wait3A_61] : memref<10112x128xf32, #tpu.memory_space<hbm>> -> memref<10112x128xf32, #tpu.memory_space<hbm>>
        tpu.wait_indirect_dma semaphore(%arg20 : memref<!tpu.dma_semaphore, #tpu.memory_space<semaphore_mem>>) src(%dma_wait3A_62 : memref<10112x128xf32, #tpu.memory_space<hbm>>) dst(%arg14 : memref<128x128xf32, #tpu.memory_space<vmem>>)
        %dma_wait3A_63 = arith.constant 0 : i32
        %dma_wait3A_64 = tpu.memref_slice %arg12[%scan3A_29, %dma_wait3A_63] : memref<8x128xi32, #tpu.memory_space<vmem>> -> memref<1x128xi32, #tpu.memory_space<vmem>>
        %dma_wait3A_65 = tpu.memref_squeeze %dma_wait3A_64 : memref<1x128xi32, #tpu.memory_space<vmem>> -> memref<128xi32, #tpu.memory_space<vmem>>
        %dma_wait3A_66 = arith.constant 0 : i32
        %dma_wait3A_67 = arith.constant 0 : i32
        %dma_wait3A_68 = tpu.memref_slice %arg6[%dma_wait3A_66, %dma_wait3A_67] : memref<10112x128xf32, #tpu.memory_space<hbm>> -> memref<10112x128xf32, #tpu.memory_space<hbm>>
        tpu.wait_indirect_dma semaphore(%arg21 : memref<!tpu.dma_semaphore, #tpu.memory_space<semaphore_mem>>) src(%dma_wait3A_68 : memref<10112x128xf32, #tpu.memory_space<hbm>>) dst(%arg15 : memref<128x128xf32, #tpu.memory_space<vmem>>)
        %dma_wait3A_69 = arith.constant 0 : i32
        %dma_wait3A_70 = tpu.memref_slice %arg13[%scan3A_29, %dma_wait3A_69] : memref<8x128xi32, #tpu.memory_space<vmem>> -> memref<1x128xi32, #tpu.memory_space<vmem>>
        %dma_wait3A_71 = tpu.memref_squeeze %dma_wait3A_70 : memref<1x128xi32, #tpu.memory_space<vmem>> -> memref<128xi32, #tpu.memory_space<vmem>>
        %dma_wait3A_72 = arith.constant 0 : i32
        %dma_wait3A_73 = arith.constant 0 : i32
        %dma_wait3A_74 = tpu.memref_slice %arg18[%dma_wait3A_72, %dma_wait3A_73] : memref<1024x128xf32, #tpu.memory_space<vmem_shared>> -> memref<1024x128xf32, #tpu.memory_space<vmem_shared>>
        tpu.wait_indirect_dma semaphore(%arg22 : memref<!tpu.dma_semaphore, #tpu.memory_space<semaphore_mem>>) src(%dma_wait3A_74 : memref<1024x128xf32, #tpu.memory_space<vmem_shared>>) dst(%arg16 : memref<128x128xf32, #tpu.memory_space<vmem>>)
        %scan3A_75 = arith.constant 0 : i32
        %scan3A_76 = arith.constant 0 : i32
        %scan3A_77 = arith.constant 128 : i32
        %scan3A_78 = arith.addi %scan3A_76, %scan3A_77 : i32
        %scan3A_79 = arith.constant 1 : i32
        %scan3A_80 = scf.for %scan3A_93 = %scan3A_76 to %scan3A_78 step %scan3A_79 iter_args(%scan3A_94 = %scan3A_75) -> (i32)  : i32 {
          %get3A = arith.index_cast %scan3A_93 : i32 to index
          %get3A_95 = arith.constant 0 : index
          %get3A_96 = tpu.vector_load %arg14[%get3A, %get3A_95] {strides = array<i32>} : memref<128x128xf32, #tpu.memory_space<vmem>>, vector<1x16xf32>,
          %get3A_97 = vector.shape_cast %get3A_96 : vector<1x16xf32> to vector<16xf32>
          %get3A_98 = arith.index_cast %scan3A_93 : i32 to index
          %get3A_99 = arith.constant 0 : index
          %get3A_100 = tpu.vector_load %arg15[%get3A_98, %get3A_99] {strides = array<i32>} : memref<128x128xf32, #tpu.memory_space<vmem>>, vector<1x16xf32>,
          %get3A_101 = vector.shape_cast %get3A_100 : vector<1x16xf32> to vector<16xf32>
          %add3A_102 = arith.addf %get3A_97, %get3A_101 : vector<16xf32>
          %get3A_103 = arith.index_cast %scan3A_93 : i32 to index
          %get3A_104 = arith.constant 0 : index
          %get3A_105 = tpu.vector_load %arg16[%get3A_103, %get3A_104] {strides = array<i32>} : memref<128x128xf32, #tpu.memory_space<vmem>>, vector<1x16xf32>,
          %get3A_106 = vector.shape_cast %get3A_105 : vector<1x16xf32> to vector<16xf32>
          %add3A_107 = arith.addf %add3A_102, %get3A_106 : vector<16xf32>
          %swap3A = arith.index_cast %scan3A_93 : i32 to index
          %swap3A_108 = arith.constant 0 : index
          %swap3A_109 = tpu.vector_load %arg14[%swap3A, %swap3A_108] {strides = array<i32>} : memref<128x128xf32, #tpu.memory_space<vmem>>, vector<1x16xf32>,
          %swap3A_110 = vector.shape_cast %swap3A_109 : vector<1x16xf32> to vector<16xf32>
          %swap3A_111 = vector.shape_cast %add3A_107 : vector<16xf32> to vector<1x16xf32>
          tpu.vector_store %arg14[%swap3A, %swap3A_108], %swap3A_111 {strides = array<i32>} : memref<128x128xf32, #tpu.memory_space<vmem>>, vector<1x16xf32>,
          %get3A_112 = arith.index_cast %scan3A_93 : i32 to index
          %get3A_113 = arith.constant 16 : index
          %get3A_114 = tpu.vector_load %arg14[%get3A_112, %get3A_113] {strides = array<i32>} : memref<128x128xf32, #tpu.memory_space<vmem>>, vector<1x16xf32>,
          %get3A_115 = vector.shape_cast %get3A_114 : vector<1x16xf32> to vector<16xf32>
          %get3A_116 = arith.index_cast %scan3A_93 : i32 to index
          %get3A_117 = arith.constant 16 : index
          %get3A_118 = tpu.vector_load %arg15[%get3A_116, %get3A_117] {strides = array<i32>} : memref<128x128xf32, #tpu.memory_space<vmem>>, vector<1x16xf32>,
          %get3A_119 = vector.shape_cast %get3A_118 : vector<1x16xf32> to vector<16xf32>
          %add3A_120 = arith.addf %get3A_115, %get3A_119 : vector<16xf32>
          %get3A_121 = arith.index_cast %scan3A_93 : i32 to index
          %get3A_122 = arith.constant 16 : index
          %get3A_123 = tpu.vector_load %arg16[%get3A_121, %get3A_122] {strides = array<i32>} : memref<128x128xf32, #tpu.memory_space<vmem>>, vector<1x16xf32>,
          %get3A_124 = vector.shape_cast %get3A_123 : vector<1x16xf32> to vector<16xf32>
          %add3A_125 = arith.addf %add3A_120, %get3A_124 : vector<16xf32>
          %swap3A_126 = arith.index_cast %scan3A_93 : i32 to index
          %swap3A_127 = arith.constant 16 : index
          %swap3A_128 = tpu.vector_load %arg14[%swap3A_126, %swap3A_127] {strides = array<i32>} : memref<128x128xf32, #tpu.memory_space<vmem>>, vector<1x16xf32>,
          %swap3A_129 = vector.shape_cast %swap3A_128 : vector<1x16xf32> to vector<16xf32>
          %swap3A_130 = vector.shape_cast %add3A_125 : vector<16xf32> to vector<1x16xf32>
          tpu.vector_store %arg14[%swap3A_126, %swap3A_127], %swap3A_130 {strides = array<i32>} : memref<128x128xf32, #tpu.memory_space<vmem>>, vector<1x16xf32>,
          %get3A_131 = arith.index_cast %scan3A_93 : i32 to index
          %get3A_132 = arith.constant 32 : index
          %get3A_133 = tpu.vector_load %arg14[%get3A_131, %get3A_132] {strides = array<i32>} : memref<128x128xf32, #tpu.memory_space<vmem>>, vector<1x16xf32>,
          %get3A_134 = vector.shape_cast %get3A_133 : vector<1x16xf32> to vector<16xf32>
          %get3A_135 = arith.index_cast %scan3A_93 : i32 to index
          %get3A_136 = arith.constant 32 : index
          %get3A_137 = tpu.vector_load %arg15[%get3A_135, %get3A_136] {strides = array<i32>} : memref<128x128xf32, #tpu.memory_space<vmem>>, vector<1x16xf32>,
          %get3A_138 = vector.shape_cast %get3A_137 : vector<1x16xf32> to vector<16xf32>
          %add3A_139 = arith.addf %get3A_134, %get3A_138 : vector<16xf32>
          %get3A_140 = arith.index_cast %scan3A_93 : i32 to index
          %get3A_141 = arith.constant 32 : index
          %get3A_142 = tpu.vector_load %arg16[%get3A_140, %get3A_141] {strides = array<i32>} : memref<128x128xf32, #tpu.memory_space<vmem>>, vector<1x16xf32>,
          %get3A_143 = vector.shape_cast %get3A_142 : vector<1x16xf32> to vector<16xf32>
          %add3A_144 = arith.addf %add3A_139, %get3A_143 : vector<16xf32>
          %swap3A_145 = arith.index_cast %scan3A_93 : i32 to index
          %swap3A_146 = arith.constant 32 : index
          %swap3A_147 = tpu.vector_load %arg14[%swap3A_145, %swap3A_146] {strides = array<i32>} : memref<128x128xf32, #tpu.memory_space<vmem>>, vector<1x16xf32>,
          %swap3A_148 = vector.shape_cast %swap3A_147 : vector<1x16xf32> to vector<16xf32>
          %swap3A_149 = vector.shape_cast %add3A_144 : vector<16xf32> to vector<1x16xf32>
          tpu.vector_store %arg14[%swap3A_145, %swap3A_146], %swap3A_149 {strides = array<i32>} : memref<128x128xf32, #tpu.memory_space<vmem>>, vector<1x16xf32>,
          %get3A_150 = arith.index_cast %scan3A_93 : i32 to index
          %get3A_151 = arith.constant 48 : index
          %get3A_152 = tpu.vector_load %arg14[%get3A_150, %get3A_151] {strides = array<i32>} : memref<128x128xf32, #tpu.memory_space<vmem>>, vector<1x16xf32>,
          %get3A_153 = vector.shape_cast %get3A_152 : vector<1x16xf32> to vector<16xf32>
          %get3A_154 = arith.index_cast %scan3A_93 : i32 to index
          %get3A_155 = arith.constant 48 : index
          %get3A_156 = tpu.vector_load %arg15[%get3A_154, %get3A_155] {strides = array<i32>} : memref<128x128xf32, #tpu.memory_space<vmem>>, vector<1x16xf32>,
          %get3A_157 = vector.shape_cast %get3A_156 : vector<1x16xf32> to vector<16xf32>
          %add3A_158 = arith.addf %get3A_153, %get3A_157 : vector<16xf32>
          %get3A_159 = arith.index_cast %scan3A_93 : i32 to index
          %get3A_160 = arith.constant 48 : index
          %get3A_161 = tpu.vector_load %arg16[%get3A_159, %get3A_160] {strides = array<i32>} : memref<128x128xf32, #tpu.memory_space<vmem>>, vector<1x16xf32>,
          %get3A_162 = vector.shape_cast %get3A_161 : vector<1x16xf32> to vector<16xf32>
          %add3A_163 = arith.addf %add3A_158, %get3A_162 : vector<16xf32>
          %swap3A_164 = arith.index_cast %scan3A_93 : i32 to index
          %swap3A_165 = arith.constant 48 : index
          %swap3A_166 = tpu.vector_load %arg14[%swap3A_164, %swap3A_165] {strides = array<i32>} : memref<128x128xf32, #tpu.memory_space<vmem>>, vector<1x16xf32>,
          %swap3A_167 = vector.shape_cast %swap3A_166 : vector<1x16xf32> to vector<16xf32>
          %swap3A_168 = vector.shape_cast %add3A_163 : vector<16xf32> to vector<1x16xf32>
          tpu.vector_store %arg14[%swap3A_164, %swap3A_165], %swap3A_168 {strides = array<i32>} : memref<128x128xf32, #tpu.memory_space<vmem>>, vector<1x16xf32>,
          %get3A_169 = arith.index_cast %scan3A_93 : i32 to index
          %get3A_170 = arith.constant 64 : index
          %get3A_171 = tpu.vector_load %arg14[%get3A_169, %get3A_170] {strides = array<i32>} : memref<128x128xf32, #tpu.memory_space<vmem>>, vector<1x16xf32>,
          %get3A_172 = vector.shape_cast %get3A_171 : vector<1x16xf32> to vector<16xf32>
          %get3A_173 = arith.index_cast %scan3A_93 : i32 to index
          %get3A_174 = arith.constant 64 : index
          %get3A_175 = tpu.vector_load %arg15[%get3A_173, %get3A_174] {strides = array<i32>} : memref<128x128xf32, #tpu.memory_space<vmem>>, vector<1x16xf32>,
          %get3A_176 = vector.shape_cast %get3A_175 : vector<1x16xf32> to vector<16xf32>
          %add3A_177 = arith.addf %get3A_172, %get3A_176 : vector<16xf32>
          %get3A_178 = arith.index_cast %scan3A_93 : i32 to index
          %get3A_179 = arith.constant 64 : index
          %get3A_180 = tpu.vector_load %arg16[%get3A_178, %get3A_179] {strides = array<i32>} : memref<128x128xf32, #tpu.memory_space<vmem>>, vector<1x16xf32>,
          %get3A_181 = vector.shape_cast %get3A_180 : vector<1x16xf32> to vector<16xf32>
          %add3A_182 = arith.addf %add3A_177, %get3A_181 : vector<16xf32>
          %swap3A_183 = arith.index_cast %scan3A_93 : i32 to index
          %swap3A_184 = arith.constant 64 : index
          %swap3A_185 = tpu.vector_load %arg14[%swap3A_183, %swap3A_184] {strides = array<i32>} : memref<128x128xf32, #tpu.memory_space<vmem>>, vector<1x16xf32>,
          %swap3A_186 = vector.shape_cast %swap3A_185 : vector<1x16xf32> to vector<16xf32>
          %swap3A_187 = vector.shape_cast %add3A_182 : vector<16xf32> to vector<1x16xf32>
          tpu.vector_store %arg14[%swap3A_183, %swap3A_184], %swap3A_187 {strides = array<i32>} : memref<128x128xf32, #tpu.memory_space<vmem>>, vector<1x16xf32>,
          %get3A_188 = arith.index_cast %scan3A_93 : i32 to index
          %get3A_189 = arith.constant 80 : index
          %get3A_190 = tpu.vector_load %arg14[%get3A_188, %get3A_189] {strides = array<i32>} : memref<128x128xf32, #tpu.memory_space<vmem>>, vector<1x16xf32>,
          %get3A_191 = vector.shape_cast %get3A_190 : vector<1x16xf32> to vector<16xf32>
          %get3A_192 = arith.index_cast %scan3A_93 : i32 to index
          %get3A_193 = arith.constant 80 : index
          %get3A_194 = tpu.vector_load %arg15[%get3A_192, %get3A_193] {strides = array<i32>} : memref<128x128xf32, #tpu.memory_space<vmem>>, vector<1x16xf32>,
          %get3A_195 = vector.shape_cast %get3A_194 : vector<1x16xf32> to vector<16xf32>
          %add3A_196 = arith.addf %get3A_191, %get3A_195 : vector<16xf32>
          %get3A_197 = arith.index_cast %scan3A_93 : i32 to index
          %get3A_198 = arith.constant 80 : index
          %get3A_199 = tpu.vector_load %arg16[%get3A_197, %get3A_198] {strides = array<i32>} : memref<128x128xf32, #tpu.memory_space<vmem>>, vector<1x16xf32>,
          %get3A_200 = vector.shape_cast %get3A_199 : vector<1x16xf32> to vector<16xf32>
          %add3A_201 = arith.addf %add3A_196, %get3A_200 : vector<16xf32>
          %swap3A_202 = arith.index_cast %scan3A_93 : i32 to index
          %swap3A_203 = arith.constant 80 : index
          %swap3A_204 = tpu.vector_load %arg14[%swap3A_202, %swap3A_203] {strides = array<i32>} : memref<128x128xf32, #tpu.memory_space<vmem>>, vector<1x16xf32>,
          %swap3A_205 = vector.shape_cast %swap3A_204 : vector<1x16xf32> to vector<16xf32>
          %swap3A_206 = vector.shape_cast %add3A_201 : vector<16xf32> to vector<1x16xf32>
          tpu.vector_store %arg14[%swap3A_202, %swap3A_203], %swap3A_206 {strides = array<i32>} : memref<128x128xf32, #tpu.memory_space<vmem>>, vector<1x16xf32>,
          %get3A_207 = arith.index_cast %scan3A_93 : i32 to index
          %get3A_208 = arith.constant 96 : index
          %get3A_209 = tpu.vector_load %arg14[%get3A_207, %get3A_208] {strides = array<i32>} : memref<128x128xf32, #tpu.memory_space<vmem>>, vector<1x16xf32>,
          %get3A_210 = vector.shape_cast %get3A_209 : vector<1x16xf32> to vector<16xf32>
          %get3A_211 = arith.index_cast %scan3A_93 : i32 to index
          %get3A_212 = arith.constant 96 : index
          %get3A_213 = tpu.vector_load %arg15[%get3A_211, %get3A_212] {strides = array<i32>} : memref<128x128xf32, #tpu.memory_space<vmem>>, vector<1x16xf32>,
          %get3A_214 = vector.shape_cast %get3A_213 : vector<1x16xf32> to vector<16xf32>
          %add3A_215 = arith.addf %get3A_210, %get3A_214 : vector<16xf32>
          %get3A_216 = arith.index_cast %scan3A_93 : i32 to index
          %get3A_217 = arith.constant 96 : index
          %get3A_218 = tpu.vector_load %arg16[%get3A_216, %get3A_217] {strides = array<i32>} : memref<128x128xf32, #tpu.memory_space<vmem>>, vector<1x16xf32>,
          %get3A_219 = vector.shape_cast %get3A_218 : vector<1x16xf32> to vector<16xf32>
          %add3A_220 = arith.addf %add3A_215, %get3A_219 : vector<16xf32>
          %swap3A_221 = arith.index_cast %scan3A_93 : i32 to index
          %swap3A_222 = arith.constant 96 : index
          %swap3A_223 = tpu.vector_load %arg14[%swap3A_221, %swap3A_222] {strides = array<i32>} : memref<128x128xf32, #tpu.memory_space<vmem>>, vector<1x16xf32>,
          %swap3A_224 = vector.shape_cast %swap3A_223 : vector<1x16xf32> to vector<16xf32>
          %swap3A_225 = vector.shape_cast %add3A_220 : vector<16xf32> to vector<1x16xf32>
          tpu.vector_store %arg14[%swap3A_221, %swap3A_222], %swap3A_225 {strides = array<i32>} : memref<128x128xf32, #tpu.memory_space<vmem>>, vector<1x16xf32>,
          %get3A_226 = arith.index_cast %scan3A_93 : i32 to index
          %get3A_227 = arith.constant 112 : index
          %get3A_228 = tpu.vector_load %arg14[%get3A_226, %get3A_227] {strides = array<i32>} : memref<128x128xf32, #tpu.memory_space<vmem>>, vector<1x16xf32>,
          %get3A_229 = vector.shape_cast %get3A_228 : vector<1x16xf32> to vector<16xf32>
          %get3A_230 = arith.index_cast %scan3A_93 : i32 to index
          %get3A_231 = arith.constant 112 : index
          %get3A_232 = tpu.vector_load %arg15[%get3A_230, %get3A_231] {strides = array<i32>} : memref<128x128xf32, #tpu.memory_space<vmem>>, vector<1x16xf32>,
          %get3A_233 = vector.shape_cast %get3A_232 : vector<1x16xf32> to vector<16xf32>
          %add3A_234 = arith.addf %get3A_229, %get3A_233 : vector<16xf32>
          %get3A_235 = arith.index_cast %scan3A_93 : i32 to index
          %get3A_236 = arith.constant 112 : index
          %get3A_237 = tpu.vector_load %arg16[%get3A_235, %get3A_236] {strides = array<i32>} : memref<128x128xf32, #tpu.memory_space<vmem>>, vector<1x16xf32>,
          %get3A_238 = vector.shape_cast %get3A_237 : vector<1x16xf32> to vector<16xf32>
          %add3A_239 = arith.addf %add3A_234, %get3A_238 : vector<16xf32>
          %swap3A_240 = arith.index_cast %scan3A_93 : i32 to index
          %swap3A_241 = arith.constant 112 : index
          %swap3A_242 = tpu.vector_load %arg14[%swap3A_240, %swap3A_241] {strides = array<i32>} : memref<128x128xf32, #tpu.memory_space<vmem>>, vector<1x16xf32>,
          %swap3A_243 = vector.shape_cast %swap3A_242 : vector<1x16xf32> to vector<16xf32>
          %swap3A_244 = vector.shape_cast %add3A_239 : vector<16xf32> to vector<1x16xf32>
          tpu.vector_store %arg14[%swap3A_240, %swap3A_241], %swap3A_244 {strides = array<i32>} : memref<128x128xf32, #tpu.memory_space<vmem>>, vector<1x16xf32>,
          %scan3A_245 = arith.constant 0 : i32
          scf.yield %scan3A_245 : i32
        }
        %scan3A_81 = arith.constant 128 : i32
        %mul3A_82 = arith.constant 128 : i32
        %mul3A_83 = arith.muli %add3A_34, %mul3A_82 : i32
        "tpu.region"() ({
          %run_scoped3A = tpu.sem_alloc : memref<!tpu.dma_semaphore, #tpu.memory_space<semaphore_mem>>
          %dma_start3A_93 = arith.constant 0 : i32
          %dma_start3A_94 = tpu.memref_slice %arg9[%mul3A_83, %dma_start3A_93] : memref<327680x128xf32, #tpu.memory_space<hbm>> -> memref<128x128xf32, #tpu.memory_space<hbm>>
          %dma_start3A_95 = arith.constant 0 : i32
          %dma_start3A_96 = tpu.memref_slice %arg9[%mul3A_83, %dma_start3A_95] : memref<327680x128xf32, #tpu.memory_space<hbm>> -> memref<128x128xf32, #tpu.memory_space<hbm>>
          tpu.enqueue_dma source(%arg14 : memref<128x128xf32, #tpu.memory_space<vmem>>) target(%dma_start3A_96 : memref<128x128xf32, #tpu.memory_space<hbm>>) target_semaphore(%run_scoped3A : memref<!tpu.dma_semaphore, #tpu.memory_space<semaphore_mem>>)
          %dma_wait3A_97 = arith.constant 0 : i32
          %dma_wait3A_98 = tpu.memref_slice %arg9[%mul3A_83, %dma_wait3A_97] : memref<327680x128xf32, #tpu.memory_space<hbm>> -> memref<128x128xf32, #tpu.memory_space<hbm>>
          %dma_wait3A_99 = arith.constant 0 : i32
          %dma_wait3A_100 = tpu.memref_slice %arg9[%mul3A_83, %dma_wait3A_99] : memref<327680x128xf32, #tpu.memory_space<hbm>> -> memref<128x128xf32, #tpu.memory_space<hbm>>
          tpu.wait_dma2 semaphore(%run_scoped3A : memref<!tpu.dma_semaphore, #tpu.memory_space<semaphore_mem>>) src(%arg14 : memref<128x128xf32, #tpu.memory_space<vmem>>) dst(%dma_wait3A_100 : memref<128x128xf32, #tpu.memory_space<hbm>>)
          tpu.yield
        }) : () -> ()
        %dma_wait3A_84 = arith.constant 0 : i32
        %dma_wait3A_85 = tpu.memref_slice %arg13[%scan3A_29, %dma_wait3A_84] : memref<8x128xi32, #tpu.memory_space<vmem>> -> memref<1x128xi32, #tpu.memory_space<vmem>>
        %dma_wait3A_86 = tpu.memref_squeeze %dma_wait3A_85 : memref<1x128xi32, #tpu.memory_space<vmem>> -> memref<128xi32, #tpu.memory_space<vmem>>
        %dma_wait3A_87 = arith.constant 0 : i32
        %dma_wait3A_88 = arith.constant 0 : i32
        %dma_wait3A_89 = tpu.memref_slice %arg19[%dma_wait3A_87, %dma_wait3A_88] : memref<1024x128xf32, #tpu.memory_space<vmem_shared>> -> memref<1024x128xf32, #tpu.memory_space<vmem_shared>>
        tpu.wait_indirect_dma semaphore(%arg23 : memref<!tpu.dma_semaphore, #tpu.memory_space<semaphore_mem>>) src(%dma_wait3A_89 : memref<1024x128xf32, #tpu.memory_space<vmem_shared>>) dst(%arg17 : memref<128x128xf32, #tpu.memory_space<vmem>>)
        %mul3A_90 = arith.constant 128 : i32
        %mul3A_91 = arith.muli %add3A_34, %mul3A_90 : i32
        "tpu.region"() ({
          %run_scoped3A = tpu.sem_alloc : memref<!tpu.dma_semaphore, #tpu.memory_space<semaphore_mem>>
          %dma_start3A_93 = arith.constant 0 : i32
          %dma_start3A_94 = tpu.memref_slice %arg10[%mul3A_91, %dma_start3A_93] : memref<327680x128xf32, #tpu.memory_space<hbm>> -> memref<128x128xf32, #tpu.memory_space<hbm>>
          %dma_start3A_95 = arith.constant 0 : i32
          %dma_start3A_96 = tpu.memref_slice %arg10[%mul3A_91, %dma_start3A_95] : memref<327680x128xf32, #tpu.memory_space<hbm>> -> memref<128x128xf32, #tpu.memory_space<hbm>>
          tpu.enqueue_dma source(%arg17 : memref<128x128xf32, #tpu.memory_space<vmem>>) target(%dma_start3A_96 : memref<128x128xf32, #tpu.memory_space<hbm>>) target_semaphore(%run_scoped3A : memref<!tpu.dma_semaphore, #tpu.memory_space<semaphore_mem>>)
          %dma_wait3A_97 = arith.constant 0 : i32
          %dma_wait3A_98 = tpu.memref_slice %arg10[%mul3A_91, %dma_wait3A_97] : memref<327680x128xf32, #tpu.memory_space<hbm>> -> memref<128x128xf32, #tpu.memory_space<hbm>>
          %dma_wait3A_99 = arith.constant 0 : i32
          %dma_wait3A_100 = tpu.memref_slice %arg10[%mul3A_91, %dma_wait3A_99] : memref<327680x128xf32, #tpu.memory_space<hbm>> -> memref<128x128xf32, #tpu.memory_space<hbm>>
          tpu.wait_dma2 semaphore(%run_scoped3A : memref<!tpu.dma_semaphore, #tpu.memory_space<semaphore_mem>>) src(%arg17 : memref<128x128xf32, #tpu.memory_space<vmem>>) dst(%dma_wait3A_100 : memref<128x128xf32, #tpu.memory_space<hbm>>)
          tpu.yield
        }) : () -> ()
        %scan3A_92 = arith.constant 0 : i32
        scf.yield %scan3A_92 : i32
      }
      %scan3A_27 = arith.constant 8 : i32
      %scan3A_28 = arith.constant 0 : i32
      scf.yield %scan3A_28 : i32
    }
    %scan3A_15 = arith.constant 10 : i32
    return
  }
}

#map = affine_map<(d0, d1) -> (0, 0)>
#map1 = affine_map<(d0, d1) -> (0, 0, 0)>
module attributes {stable_mosaic.version = 14 : i64} {
  func.func @_sc3_body(%arg0: i32, %arg1: i32, %arg2: memref<2560x128xi32, #tpu.memory_space<hbm>>, %arg3: memref<2560x128xi32, #tpu.memory_space<hbm>>, %arg4: memref<327680x128xf32, #tpu.memory_space<hbm>>, %arg5: memref<327680x128xf32, #tpu.memory_space<hbm>>, %arg6: memref<10112x128xf32, #tpu.memory_space<hbm>>, %arg7: memref<10112x128xf32, #tpu.memory_space<hbm>>, %arg8: memref<10112x128xf32, #tpu.memory_space<hbm>>, %arg9: memref<2x10000x128xf32, #tpu.memory_space<hbm>>, %arg10: memref<8x128xi32, #tpu.memory_space<vmem>>, %arg11: memref<8x128xi32, #tpu.memory_space<vmem>>, %arg12: memref<128x128xf32, #tpu.memory_space<vmem>>, %arg13: memref<128x128xf32, #tpu.memory_space<vmem>>, %arg14: memref<10112x128xf32, #tpu.memory_space<vmem_shared>>, %arg15: memref<!tpu.dma_semaphore, #tpu.memory_space<semaphore_mem>>, %arg16: memref<!tpu.dma_semaphore, #tpu.memory_space<semaphore_mem>>) attributes {dimension_semantics = [#tpu.dimension_semantics<core_parallel>, #tpu.dimension_semantics<subcore_parallel>], iteration_bounds = array<i64: 2, 16>, scalar_prefetch = 0 : i64, scratch_operands = 7 : i64, tpu.core_type = #tpu.core_type<sc_vector_subcore>, window_params = [{transform_indices = #map}, {transform_indices = #map}, {transform_indices = #map}, {transform_indices = #map}, {transform_indices = #map}, {transform_indices = #map}, {transform_indices = #map}, {transform_indices = #map1}]} {
    %mul3A = arith.constant 16 : i32
    %mul3A_0 = arith.muli %arg0, %mul3A : i32
    %add3A = arith.addi %mul3A_0, %arg1 : i32
    %mul3A_1 = arith.constant 632 : i32
    %mul3A_2 = arith.muli %arg1, %mul3A_1 : i32
    %mul3A_3 = arith.constant 632 : i32
    %mul3A_4 = arith.muli %arg1, %mul3A_3 : i32
    "tpu.region"() ({
      %run_scoped3A = tpu.sem_alloc : memref<!tpu.dma_semaphore, #tpu.memory_space<semaphore_mem>>
      %dma_start3A = arith.constant 0 : i32
      %dma_start3A_20 = tpu.memref_slice %arg14[%mul3A_4, %dma_start3A] : memref<10112x128xf32, #tpu.memory_space<vmem_shared>> -> memref<632x128xf32, #tpu.memory_space<vmem_shared>>
      %dma_start3A_21 = arith.constant 0 : i32
      %dma_start3A_22 = tpu.memref_slice %arg8[%mul3A_2, %dma_start3A_21] : memref<10112x128xf32, #tpu.memory_space<hbm>> -> memref<632x128xf32, #tpu.memory_space<hbm>>
      tpu.enqueue_dma source(%dma_start3A_22 : memref<632x128xf32, #tpu.memory_space<hbm>>) target(%dma_start3A_20 : memref<632x128xf32, #tpu.memory_space<vmem_shared>>) target_semaphore(%run_scoped3A : memref<!tpu.dma_semaphore, #tpu.memory_space<semaphore_mem>>)
      %dma_wait3A = arith.constant 0 : i32
      %dma_wait3A_23 = tpu.memref_slice %arg14[%mul3A_4, %dma_wait3A] : memref<10112x128xf32, #tpu.memory_space<vmem_shared>> -> memref<632x128xf32, #tpu.memory_space<vmem_shared>>
      %dma_wait3A_24 = arith.constant 0 : i32
      %dma_wait3A_25 = tpu.memref_slice %arg8[%mul3A_2, %dma_wait3A_24] : memref<10112x128xf32, #tpu.memory_space<hbm>> -> memref<632x128xf32, #tpu.memory_space<hbm>>
      tpu.wait_dma2 semaphore(%run_scoped3A : memref<!tpu.dma_semaphore, #tpu.memory_space<semaphore_mem>>) src(%dma_wait3A_25 : memref<632x128xf32, #tpu.memory_space<hbm>>) dst(%dma_wait3A_23 : memref<632x128xf32, #tpu.memory_space<vmem_shared>>)
      tpu.yield
    }) : () -> ()
    %mul3A_5 = arith.constant 80 : i32
    %mul3A_6 = arith.muli %add3A, %mul3A_5 : i32
    %barrier3A = arith.constant 0 : index
    tpu.barrier barrier_id(%barrier3A)
    %scan3A = arith.constant 0 : i32
    %scan3A_7 = arith.constant 0 : i32
    %scan3A_8 = arith.constant 10 : i32
    %scan3A_9 = arith.addi %scan3A_7, %scan3A_8 : i32
    %scan3A_10 = arith.constant 1 : i32
    %scan3A_11 = scf.for %scan3A_20 = %scan3A_7 to %scan3A_9 step %scan3A_10 iter_args(%scan3A_21 = %scan3A) -> (i32)  : i32 {
      %mul3A_22 = arith.constant 8 : i32
      %mul3A_23 = arith.muli %scan3A_20, %mul3A_22 : i32
      %add3A_24 = arith.addi %mul3A_6, %mul3A_23 : i32
      "tpu.region"() ({
        %run_scoped3A = tpu.sem_alloc : memref<!tpu.dma_semaphore, #tpu.memory_space<semaphore_mem>>
        %dma_start3A = arith.constant 0 : i32
        %dma_start3A_33 = tpu.memref_slice %arg2[%add3A_24, %dma_start3A] : memref<2560x128xi32, #tpu.memory_space<hbm>> -> memref<8x128xi32, #tpu.memory_space<hbm>>
        %dma_start3A_34 = arith.constant 0 : i32
        %dma_start3A_35 = tpu.memref_slice %arg2[%add3A_24, %dma_start3A_34] : memref<2560x128xi32, #tpu.memory_space<hbm>> -> memref<8x128xi32, #tpu.memory_space<hbm>>
        tpu.enqueue_dma source(%dma_start3A_35 : memref<8x128xi32, #tpu.memory_space<hbm>>) target(%arg10 : memref<8x128xi32, #tpu.memory_space<vmem>>) target_semaphore(%run_scoped3A : memref<!tpu.dma_semaphore, #tpu.memory_space<semaphore_mem>>)
        %dma_wait3A = arith.constant 0 : i32
        %dma_wait3A_36 = tpu.memref_slice %arg2[%add3A_24, %dma_wait3A] : memref<2560x128xi32, #tpu.memory_space<hbm>> -> memref<8x128xi32, #tpu.memory_space<hbm>>
        %dma_wait3A_37 = arith.constant 0 : i32
        %dma_wait3A_38 = tpu.memref_slice %arg2[%add3A_24, %dma_wait3A_37] : memref<2560x128xi32, #tpu.memory_space<hbm>> -> memref<8x128xi32, #tpu.memory_space<hbm>>
        tpu.wait_dma2 semaphore(%run_scoped3A : memref<!tpu.dma_semaphore, #tpu.memory_space<semaphore_mem>>) src(%dma_wait3A_38 : memref<8x128xi32, #tpu.memory_space<hbm>>) dst(%arg10 : memref<8x128xi32, #tpu.memory_space<vmem>>)
        tpu.yield
      }) : () -> ()
      "tpu.region"() ({
        %run_scoped3A = tpu.sem_alloc : memref<!tpu.dma_semaphore, #tpu.memory_space<semaphore_mem>>
        %dma_start3A = arith.constant 0 : i32
        %dma_start3A_33 = tpu.memref_slice %arg3[%add3A_24, %dma_start3A] : memref<2560x128xi32, #tpu.memory_space<hbm>> -> memref<8x128xi32, #tpu.memory_space<hbm>>
        %dma_start3A_34 = arith.constant 0 : i32
        %dma_start3A_35 = tpu.memref_slice %arg3[%add3A_24, %dma_start3A_34] : memref<2560x128xi32, #tpu.memory_space<hbm>> -> memref<8x128xi32, #tpu.memory_space<hbm>>
        tpu.enqueue_dma source(%dma_start3A_35 : memref<8x128xi32, #tpu.memory_space<hbm>>) target(%arg11 : memref<8x128xi32, #tpu.memory_space<vmem>>) target_semaphore(%run_scoped3A : memref<!tpu.dma_semaphore, #tpu.memory_space<semaphore_mem>>)
        %dma_wait3A = arith.constant 0 : i32
        %dma_wait3A_36 = tpu.memref_slice %arg3[%add3A_24, %dma_wait3A] : memref<2560x128xi32, #tpu.memory_space<hbm>> -> memref<8x128xi32, #tpu.memory_space<hbm>>
        %dma_wait3A_37 = arith.constant 0 : i32
        %dma_wait3A_38 = tpu.memref_slice %arg3[%add3A_24, %dma_wait3A_37] : memref<2560x128xi32, #tpu.memory_space<hbm>> -> memref<8x128xi32, #tpu.memory_space<hbm>>
        tpu.wait_dma2 semaphore(%run_scoped3A : memref<!tpu.dma_semaphore, #tpu.memory_space<semaphore_mem>>) src(%dma_wait3A_38 : memref<8x128xi32, #tpu.memory_space<hbm>>) dst(%arg11 : memref<8x128xi32, #tpu.memory_space<vmem>>)
        tpu.yield
      }) : () -> ()
      %scan3A_25 = arith.constant 0 : i32
      %scan3A_26 = arith.constant 0 : i32
      %scan3A_27 = arith.constant 8 : i32
      %scan3A_28 = arith.addi %scan3A_26, %scan3A_27 : i32
      %scan3A_29 = arith.constant 1 : i32
      %scan3A_30 = scf.for %scan3A_33 = %scan3A_26 to %scan3A_28 step %scan3A_29 iter_args(%scan3A_34 = %scan3A_25) -> (i32)  : i32 {
        %mul3A_35 = arith.constant 8 : i32
        %mul3A_36 = arith.muli %scan3A_20, %mul3A_35 : i32
        %add3A_37 = arith.addi %mul3A_36, %scan3A_33 : i32
        %add3A_38 = arith.addi %mul3A_6, %add3A_37 : i32
        %mul3A_39 = arith.constant 128 : i32
        %mul3A_40 = arith.muli %add3A_38, %mul3A_39 : i32
        %dma_start3A = arith.constant 0 : i32
        %dma_start3A_41 = tpu.memref_slice %arg4[%mul3A_40, %dma_start3A] : memref<327680x128xf32, #tpu.memory_space<hbm>> -> memref<128x128xf32, #tpu.memory_space<hbm>>
        %dma_start3A_42 = arith.constant 0 : i32
        %dma_start3A_43 = tpu.memref_slice %arg4[%mul3A_40, %dma_start3A_42] : memref<327680x128xf32, #tpu.memory_space<hbm>> -> memref<128x128xf32, #tpu.memory_space<hbm>>
        tpu.enqueue_dma source(%dma_start3A_43 : memref<128x128xf32, #tpu.memory_space<hbm>>) target(%arg12 : memref<128x128xf32, #tpu.memory_space<vmem>>) target_semaphore(%arg15 : memref<!tpu.dma_semaphore, #tpu.memory_space<semaphore_mem>>)
        %dma_start3A_44 = arith.constant 0 : i32
        %dma_start3A_45 = tpu.memref_slice %arg10[%scan3A_33, %dma_start3A_44] : memref<8x128xi32, #tpu.memory_space<vmem>> -> memref<1x128xi32, #tpu.memory_space<vmem>>
        %dma_start3A_46 = tpu.memref_squeeze %dma_start3A_45 : memref<1x128xi32, #tpu.memory_space<vmem>> -> memref<128xi32, #tpu.memory_space<vmem>>
        %dma_start3A_47 = arith.constant 0 : i32
        %dma_start3A_48 = arith.constant 0 : i32
        %dma_start3A_49 = tpu.memref_slice %arg6[%dma_start3A_47, %dma_start3A_48] : memref<10112x128xf32, #tpu.memory_space<hbm>> -> memref<10112x128xf32, #tpu.memory_space<hbm>>
        tpu.enqueue_indirect_dma source(%dma_start3A_49 : memref<10112x128xf32, #tpu.memory_space<hbm>>) target(%arg13 : memref<128x128xf32, #tpu.memory_space<vmem>>) offsets(%dma_start3A_46 : memref<128xi32, #tpu.memory_space<vmem>>) semaphore(%arg16 : memref<!tpu.dma_semaphore, #tpu.memory_space<semaphore_mem>>)
        %dma_wait3A = arith.constant 0 : i32
        %dma_wait3A_50 = tpu.memref_slice %arg4[%mul3A_40, %dma_wait3A] : memref<327680x128xf32, #tpu.memory_space<hbm>> -> memref<128x128xf32, #tpu.memory_space<hbm>>
        %dma_wait3A_51 = arith.constant 0 : i32
        %dma_wait3A_52 = tpu.memref_slice %arg4[%mul3A_40, %dma_wait3A_51] : memref<327680x128xf32, #tpu.memory_space<hbm>> -> memref<128x128xf32, #tpu.memory_space<hbm>>
        tpu.wait_dma2 semaphore(%arg15 : memref<!tpu.dma_semaphore, #tpu.memory_space<semaphore_mem>>) src(%dma_wait3A_52 : memref<128x128xf32, #tpu.memory_space<hbm>>) dst(%arg12 : memref<128x128xf32, #tpu.memory_space<vmem>>)
        "tpu.region"() ({
          %run_scoped3A = tpu.sem_alloc : memref<!tpu.dma_semaphore, #tpu.memory_space<semaphore_mem>>
          %dma_start3A_82 = arith.constant 0 : i32
          %dma_start3A_83 = tpu.memref_slice %arg11[%scan3A_33, %dma_start3A_82] : memref<8x128xi32, #tpu.memory_space<vmem>> -> memref<1x128xi32, #tpu.memory_space<vmem>>
          %dma_start3A_84 = tpu.memref_squeeze %dma_start3A_83 : memref<1x128xi32, #tpu.memory_space<vmem>> -> memref<128xi32, #tpu.memory_space<vmem>>
          %dma_start3A_85 = arith.constant 0 : i32
          %dma_start3A_86 = arith.constant 0 : i32
          %dma_start3A_87 = tpu.memref_slice %arg14[%dma_start3A_85, %dma_start3A_86] : memref<10112x128xf32, #tpu.memory_space<vmem_shared>> -> memref<10112x128xf32, #tpu.memory_space<vmem_shared>>
          tpu.enqueue_indirect_dma source(%arg12 : memref<128x128xf32, #tpu.memory_space<vmem>>) target(%dma_start3A_87 : memref<10112x128xf32, #tpu.memory_space<vmem_shared>>) offsets(%dma_start3A_84 : memref<128xi32, #tpu.memory_space<vmem>>) semaphore(%run_scoped3A : memref<!tpu.dma_semaphore, #tpu.memory_space<semaphore_mem>>) {add = true}
          %dma_wait3A_88 = arith.constant 0 : i32
          %dma_wait3A_89 = tpu.memref_slice %arg11[%scan3A_33, %dma_wait3A_88] : memref<8x128xi32, #tpu.memory_space<vmem>> -> memref<1x128xi32, #tpu.memory_space<vmem>>
          %dma_wait3A_90 = tpu.memref_squeeze %dma_wait3A_89 : memref<1x128xi32, #tpu.memory_space<vmem>> -> memref<128xi32, #tpu.memory_space<vmem>>
          %dma_wait3A_91 = arith.constant 0 : i32
          %dma_wait3A_92 = arith.constant 0 : i32
          %dma_wait3A_93 = tpu.memref_slice %arg14[%dma_wait3A_91, %dma_wait3A_92] : memref<10112x128xf32, #tpu.memory_space<vmem_shared>> -> memref<10112x128xf32, #tpu.memory_space<vmem_shared>>
          tpu.wait_indirect_dma semaphore(%run_scoped3A : memref<!tpu.dma_semaphore, #tpu.memory_space<semaphore_mem>>) src(%arg12 : memref<128x128xf32, #tpu.memory_space<vmem>>) dst(%dma_wait3A_93 : memref<10112x128xf32, #tpu.memory_space<vmem_shared>>)
          tpu.yield
        }) : () -> ()
        %mul3A_53 = arith.constant 128 : i32
        %mul3A_54 = arith.muli %add3A_38, %mul3A_53 : i32
        %dma_start3A_55 = arith.constant 0 : i32
        %dma_start3A_56 = tpu.memref_slice %arg5[%mul3A_54, %dma_start3A_55] : memref<327680x128xf32, #tpu.memory_space<hbm>> -> memref<128x128xf32, #tpu.memory_space<hbm>>
        %dma_start3A_57 = arith.constant 0 : i32
        %dma_start3A_58 = tpu.memref_slice %arg5[%mul3A_54, %dma_start3A_57] : memref<327680x128xf32, #tpu.memory_space<hbm>> -> memref<128x128xf32, #tpu.memory_space<hbm>>
        tpu.enqueue_dma source(%dma_start3A_58 : memref<128x128xf32, #tpu.memory_space<hbm>>) target(%arg12 : memref<128x128xf32, #tpu.memory_space<vmem>>) target_semaphore(%arg15 : memref<!tpu.dma_semaphore, #tpu.memory_space<semaphore_mem>>)
        %dma_wait3A_59 = arith.constant 0 : i32
        %dma_wait3A_60 = tpu.memref_slice %arg10[%scan3A_33, %dma_wait3A_59] : memref<8x128xi32, #tpu.memory_space<vmem>> -> memref<1x128xi32, #tpu.memory_space<vmem>>
        %dma_wait3A_61 = tpu.memref_squeeze %dma_wait3A_60 : memref<1x128xi32, #tpu.memory_space<vmem>> -> memref<128xi32, #tpu.memory_space<vmem>>
        %dma_wait3A_62 = arith.constant 0 : i32
        %dma_wait3A_63 = arith.constant 0 : i32
        %dma_wait3A_64 = tpu.memref_slice %arg6[%dma_wait3A_62, %dma_wait3A_63] : memref<10112x128xf32, #tpu.memory_space<hbm>> -> memref<10112x128xf32, #tpu.memory_space<hbm>>
        tpu.wait_indirect_dma semaphore(%arg16 : memref<!tpu.dma_semaphore, #tpu.memory_space<semaphore_mem>>) src(%dma_wait3A_64 : memref<10112x128xf32, #tpu.memory_space<hbm>>) dst(%arg13 : memref<128x128xf32, #tpu.memory_space<vmem>>)
        "tpu.region"() ({
          %run_scoped3A = tpu.sem_alloc : memref<!tpu.dma_semaphore, #tpu.memory_space<semaphore_mem>>
          %dma_start3A_82 = arith.constant 0 : i32
          %dma_start3A_83 = tpu.memref_slice %arg11[%scan3A_33, %dma_start3A_82] : memref<8x128xi32, #tpu.memory_space<vmem>> -> memref<1x128xi32, #tpu.memory_space<vmem>>
          %dma_start3A_84 = tpu.memref_squeeze %dma_start3A_83 : memref<1x128xi32, #tpu.memory_space<vmem>> -> memref<128xi32, #tpu.memory_space<vmem>>
          %dma_start3A_85 = arith.constant 0 : i32
          %dma_start3A_86 = arith.constant 0 : i32
          %dma_start3A_87 = tpu.memref_slice %arg14[%dma_start3A_85, %dma_start3A_86] : memref<10112x128xf32, #tpu.memory_space<vmem_shared>> -> memref<10112x128xf32, #tpu.memory_space<vmem_shared>>
          tpu.enqueue_indirect_dma source(%arg13 : memref<128x128xf32, #tpu.memory_space<vmem>>) target(%dma_start3A_87 : memref<10112x128xf32, #tpu.memory_space<vmem_shared>>) offsets(%dma_start3A_84 : memref<128xi32, #tpu.memory_space<vmem>>) semaphore(%run_scoped3A : memref<!tpu.dma_semaphore, #tpu.memory_space<semaphore_mem>>) {add = true}
          %dma_wait3A_88 = arith.constant 0 : i32
          %dma_wait3A_89 = tpu.memref_slice %arg11[%scan3A_33, %dma_wait3A_88] : memref<8x128xi32, #tpu.memory_space<vmem>> -> memref<1x128xi32, #tpu.memory_space<vmem>>
          %dma_wait3A_90 = tpu.memref_squeeze %dma_wait3A_89 : memref<1x128xi32, #tpu.memory_space<vmem>> -> memref<128xi32, #tpu.memory_space<vmem>>
          %dma_wait3A_91 = arith.constant 0 : i32
          %dma_wait3A_92 = arith.constant 0 : i32
          %dma_wait3A_93 = tpu.memref_slice %arg14[%dma_wait3A_91, %dma_wait3A_92] : memref<10112x128xf32, #tpu.memory_space<vmem_shared>> -> memref<10112x128xf32, #tpu.memory_space<vmem_shared>>
          tpu.wait_indirect_dma semaphore(%run_scoped3A : memref<!tpu.dma_semaphore, #tpu.memory_space<semaphore_mem>>) src(%arg13 : memref<128x128xf32, #tpu.memory_space<vmem>>) dst(%dma_wait3A_93 : memref<10112x128xf32, #tpu.memory_space<vmem_shared>>)
          tpu.yield
        }) : () -> ()
        %dma_start3A_65 = arith.constant 0 : i32
        %dma_start3A_66 = tpu.memref_slice %arg11[%scan3A_33, %dma_start3A_65] : memref<8x128xi32, #tpu.memory_space<vmem>> -> memref<1x128xi32, #tpu.memory_space<vmem>>
        %dma_start3A_67 = tpu.memref_squeeze %dma_start3A_66 : memref<1x128xi32, #tpu.memory_space<vmem>> -> memref<128xi32, #tpu.memory_space<vmem>>
        %dma_start3A_68 = arith.constant 0 : i32
        %dma_start3A_69 = arith.constant 0 : i32
        %dma_start3A_70 = tpu.memref_slice %arg7[%dma_start3A_68, %dma_start3A_69] : memref<10112x128xf32, #tpu.memory_space<hbm>> -> memref<10112x128xf32, #tpu.memory_space<hbm>>
        tpu.enqueue_indirect_dma source(%dma_start3A_70 : memref<10112x128xf32, #tpu.memory_space<hbm>>) target(%arg13 : memref<128x128xf32, #tpu.memory_space<vmem>>) offsets(%dma_start3A_67 : memref<128xi32, #tpu.memory_space<vmem>>) semaphore(%arg16 : memref<!tpu.dma_semaphore, #tpu.memory_space<semaphore_mem>>)
        %dma_wait3A_71 = arith.constant 0 : i32
        %dma_wait3A_72 = tpu.memref_slice %arg5[%mul3A_54, %dma_wait3A_71] : memref<327680x128xf32, #tpu.memory_space<hbm>> -> memref<128x128xf32, #tpu.memory_space<hbm>>
        %dma_wait3A_73 = arith.constant 0 : i32
        %dma_wait3A_74 = tpu.memref_slice %arg5[%mul3A_54, %dma_wait3A_73] : memref<327680x128xf32, #tpu.memory_space<hbm>> -> memref<128x128xf32, #tpu.memory_space<hbm>>
        tpu.wait_dma2 semaphore(%arg15 : memref<!tpu.dma_semaphore, #tpu.memory_space<semaphore_mem>>) src(%dma_wait3A_74 : memref<128x128xf32, #tpu.memory_space<hbm>>) dst(%arg12 : memref<128x128xf32, #tpu.memory_space<vmem>>)
        "tpu.region"() ({
          %run_scoped3A = tpu.sem_alloc : memref<!tpu.dma_semaphore, #tpu.memory_space<semaphore_mem>>
          %dma_start3A_82 = arith.constant 0 : i32
          %dma_start3A_83 = tpu.memref_slice %arg10[%scan3A_33, %dma_start3A_82] : memref<8x128xi32, #tpu.memory_space<vmem>> -> memref<1x128xi32, #tpu.memory_space<vmem>>
          %dma_start3A_84 = tpu.memref_squeeze %dma_start3A_83 : memref<1x128xi32, #tpu.memory_space<vmem>> -> memref<128xi32, #tpu.memory_space<vmem>>
          %dma_start3A_85 = arith.constant 0 : i32
          %dma_start3A_86 = arith.constant 0 : i32
          %dma_start3A_87 = tpu.memref_slice %arg14[%dma_start3A_85, %dma_start3A_86] : memref<10112x128xf32, #tpu.memory_space<vmem_shared>> -> memref<10112x128xf32, #tpu.memory_space<vmem_shared>>
          tpu.enqueue_indirect_dma source(%arg12 : memref<128x128xf32, #tpu.memory_space<vmem>>) target(%dma_start3A_87 : memref<10112x128xf32, #tpu.memory_space<vmem_shared>>) offsets(%dma_start3A_84 : memref<128xi32, #tpu.memory_space<vmem>>) semaphore(%run_scoped3A : memref<!tpu.dma_semaphore, #tpu.memory_space<semaphore_mem>>) {add = true}
          %dma_wait3A_88 = arith.constant 0 : i32
          %dma_wait3A_89 = tpu.memref_slice %arg10[%scan3A_33, %dma_wait3A_88] : memref<8x128xi32, #tpu.memory_space<vmem>> -> memref<1x128xi32, #tpu.memory_space<vmem>>
          %dma_wait3A_90 = tpu.memref_squeeze %dma_wait3A_89 : memref<1x128xi32, #tpu.memory_space<vmem>> -> memref<128xi32, #tpu.memory_space<vmem>>
          %dma_wait3A_91 = arith.constant 0 : i32
          %dma_wait3A_92 = arith.constant 0 : i32
          %dma_wait3A_93 = tpu.memref_slice %arg14[%dma_wait3A_91, %dma_wait3A_92] : memref<10112x128xf32, #tpu.memory_space<vmem_shared>> -> memref<10112x128xf32, #tpu.memory_space<vmem_shared>>
          tpu.wait_indirect_dma semaphore(%run_scoped3A : memref<!tpu.dma_semaphore, #tpu.memory_space<semaphore_mem>>) src(%arg12 : memref<128x128xf32, #tpu.memory_space<vmem>>) dst(%dma_wait3A_93 : memref<10112x128xf32, #tpu.memory_space<vmem_shared>>)
          tpu.yield
        }) : () -> ()
        %dma_wait3A_75 = arith.constant 0 : i32
        %dma_wait3A_76 = tpu.memref_slice %arg11[%scan3A_33, %dma_wait3A_75] : memref<8x128xi32, #tpu.memory_space<vmem>> -> memref<1x128xi32, #tpu.memory_space<vmem>>
        %dma_wait3A_77 = tpu.memref_squeeze %dma_wait3A_76 : memref<1x128xi32, #tpu.memory_space<vmem>> -> memref<128xi32, #tpu.memory_space<vmem>>
        %dma_wait3A_78 = arith.constant 0 : i32
        %dma_wait3A_79 = arith.constant 0 : i32
        %dma_wait3A_80 = tpu.memref_slice %arg7[%dma_wait3A_78, %dma_wait3A_79] : memref<10112x128xf32, #tpu.memory_space<hbm>> -> memref<10112x128xf32, #tpu.memory_space<hbm>>
        tpu.wait_indirect_dma semaphore(%arg16 : memref<!tpu.dma_semaphore, #tpu.memory_space<semaphore_mem>>) src(%dma_wait3A_80 : memref<10112x128xf32, #tpu.memory_space<hbm>>) dst(%arg13 : memref<128x128xf32, #tpu.memory_space<vmem>>)
        "tpu.region"() ({
          %run_scoped3A = tpu.sem_alloc : memref<!tpu.dma_semaphore, #tpu.memory_space<semaphore_mem>>
          %dma_start3A_82 = arith.constant 0 : i32
          %dma_start3A_83 = tpu.memref_slice %arg10[%scan3A_33, %dma_start3A_82] : memref<8x128xi32, #tpu.memory_space<vmem>> -> memref<1x128xi32, #tpu.memory_space<vmem>>
          %dma_start3A_84 = tpu.memref_squeeze %dma_start3A_83 : memref<1x128xi32, #tpu.memory_space<vmem>> -> memref<128xi32, #tpu.memory_space<vmem>>
          %dma_start3A_85 = arith.constant 0 : i32
          %dma_start3A_86 = arith.constant 0 : i32
          %dma_start3A_87 = tpu.memref_slice %arg14[%dma_start3A_85, %dma_start3A_86] : memref<10112x128xf32, #tpu.memory_space<vmem_shared>> -> memref<10112x128xf32, #tpu.memory_space<vmem_shared>>
          tpu.enqueue_indirect_dma source(%arg13 : memref<128x128xf32, #tpu.memory_space<vmem>>) target(%dma_start3A_87 : memref<10112x128xf32, #tpu.memory_space<vmem_shared>>) offsets(%dma_start3A_84 : memref<128xi32, #tpu.memory_space<vmem>>) semaphore(%run_scoped3A : memref<!tpu.dma_semaphore, #tpu.memory_space<semaphore_mem>>) {add = true}
          %dma_wait3A_88 = arith.constant 0 : i32
          %dma_wait3A_89 = tpu.memref_slice %arg10[%scan3A_33, %dma_wait3A_88] : memref<8x128xi32, #tpu.memory_space<vmem>> -> memref<1x128xi32, #tpu.memory_space<vmem>>
          %dma_wait3A_90 = tpu.memref_squeeze %dma_wait3A_89 : memref<1x128xi32, #tpu.memory_space<vmem>> -> memref<128xi32, #tpu.memory_space<vmem>>
          %dma_wait3A_91 = arith.constant 0 : i32
          %dma_wait3A_92 = arith.constant 0 : i32
          %dma_wait3A_93 = tpu.memref_slice %arg14[%dma_wait3A_91, %dma_wait3A_92] : memref<10112x128xf32, #tpu.memory_space<vmem_shared>> -> memref<10112x128xf32, #tpu.memory_space<vmem_shared>>
          tpu.wait_indirect_dma semaphore(%run_scoped3A : memref<!tpu.dma_semaphore, #tpu.memory_space<semaphore_mem>>) src(%arg13 : memref<128x128xf32, #tpu.memory_space<vmem>>) dst(%dma_wait3A_93 : memref<10112x128xf32, #tpu.memory_space<vmem_shared>>)
          tpu.yield
        }) : () -> ()
        %scan3A_81 = arith.constant 0 : i32
        scf.yield %scan3A_81 : i32
      }
      %scan3A_31 = arith.constant 8 : i32
      %scan3A_32 = arith.constant 0 : i32
      scf.yield %scan3A_32 : i32
    }
    %scan3A_12 = arith.constant 10 : i32
    %barrier3A_13 = arith.constant 0 : index
    tpu.barrier barrier_id(%barrier3A_13)
    %lt3A = arith.constant 15 : i32
    %lt3A_14 = arith.cmpi slt, %arg1, %lt3A : i32
    %convert_element_type3A = arith.extui %lt3A_14 : i1 to i32
    %cond3A = arith.constant 0 : i32
    %cond3A_15 = arith.cmpi ne, %convert_element_type3A, %cond3A : i32
    scf.if %cond3A_15 {
      %mul3A_20 = arith.constant 632 : i32
      %mul3A_21 = arith.muli %arg1, %mul3A_20 : i32
      %mul3A_22 = arith.constant 632 : i32
      %mul3A_23 = arith.muli %arg1, %mul3A_22 : i32
      "tpu.region"() ({
        %run_scoped3A = tpu.sem_alloc : memref<!tpu.dma_semaphore, #tpu.memory_space<semaphore_mem>>
        %dma_start3A = arith.constant 0 : i32
        %dma_start3A_24 = arith.constant 0 : i32
        %dma_start3A_25 = tpu.memref_slice %arg9[%arg0, %dma_start3A, %dma_start3A_24] : memref<2x10000x128xf32, #tpu.memory_space<hbm>> -> memref<1x10000x128xf32, #tpu.memory_space<hbm>>
        %dma_start3A_26 = tpu.memref_squeeze %dma_start3A_25 : memref<1x10000x128xf32, #tpu.memory_space<hbm>> -> memref<10000x128xf32, #tpu.memory_space<hbm>>
        %dma_start3A_27 = arith.constant 0 : i32
        %dma_start3A_28 = tpu.memref_slice %dma_start3A_26[%mul3A_23, %dma_start3A_27] : memref<10000x128xf32, #tpu.memory_space<hbm>> -> memref<632x128xf32, #tpu.memory_space<hbm>>
        %dma_start3A_29 = arith.constant 0 : i32
        %dma_start3A_30 = tpu.memref_slice %arg14[%mul3A_21, %dma_start3A_29] : memref<10112x128xf32, #tpu.memory_space<vmem_shared>> -> memref<632x128xf32, #tpu.memory_space<vmem_shared>>
        tpu.enqueue_dma source(%dma_start3A_30 : memref<632x128xf32, #tpu.memory_space<vmem_shared>>) target(%dma_start3A_28 : memref<632x128xf32, #tpu.memory_space<hbm>>) target_semaphore(%run_scoped3A : memref<!tpu.dma_semaphore, #tpu.memory_space<semaphore_mem>>)
        %dma_wait3A = arith.constant 0 : i32
        %dma_wait3A_31 = arith.constant 0 : i32
        %dma_wait3A_32 = tpu.memref_slice %arg9[%arg0, %dma_wait3A, %dma_wait3A_31] : memref<2x10000x128xf32, #tpu.memory_space<hbm>> -> memref<1x10000x128xf32, #tpu.memory_space<hbm>>
        %dma_wait3A_33 = tpu.memref_squeeze %dma_wait3A_32 : memref<1x10000x128xf32, #tpu.memory_space<hbm>> -> memref<10000x128xf32, #tpu.memory_space<hbm>>
        %dma_wait3A_34 = arith.constant 0 : i32
        %dma_wait3A_35 = tpu.memref_slice %dma_wait3A_33[%mul3A_23, %dma_wait3A_34] : memref<10000x128xf32, #tpu.memory_space<hbm>> -> memref<632x128xf32, #tpu.memory_space<hbm>>
        %dma_wait3A_36 = arith.constant 0 : i32
        %dma_wait3A_37 = tpu.memref_slice %arg14[%mul3A_21, %dma_wait3A_36] : memref<10112x128xf32, #tpu.memory_space<vmem_shared>> -> memref<632x128xf32, #tpu.memory_space<vmem_shared>>
        tpu.wait_dma2 semaphore(%run_scoped3A : memref<!tpu.dma_semaphore, #tpu.memory_space<semaphore_mem>>) src(%dma_wait3A_37 : memref<632x128xf32, #tpu.memory_space<vmem_shared>>) dst(%dma_wait3A_35 : memref<632x128xf32, #tpu.memory_space<hbm>>)
        tpu.yield
      }) : () -> ()
    } else {
    }
    %eq3A = arith.constant 15 : i32
    %eq3A_16 = arith.cmpi eq, %arg1, %eq3A : i32
    %convert_element_type3A_17 = arith.extui %eq3A_16 : i1 to i32
    %cond3A_18 = arith.constant 0 : i32
    %cond3A_19 = arith.cmpi ne, %convert_element_type3A_17, %cond3A_18 : i32
    scf.if %cond3A_19 {
      "tpu.region"() ({
        %run_scoped3A = tpu.sem_alloc : memref<!tpu.dma_semaphore, #tpu.memory_space<semaphore_mem>>
        %dma_start3A = arith.constant 0 : i32
        %dma_start3A_20 = arith.constant 0 : i32
        %dma_start3A_21 = tpu.memref_slice %arg9[%arg0, %dma_start3A, %dma_start3A_20] : memref<2x10000x128xf32, #tpu.memory_space<hbm>> -> memref<1x10000x128xf32, #tpu.memory_space<hbm>>
        %dma_start3A_22 = tpu.memref_squeeze %dma_start3A_21 : memref<1x10000x128xf32, #tpu.memory_space<hbm>> -> memref<10000x128xf32, #tpu.memory_space<hbm>>
        %dma_start3A_23 = arith.constant 9480 : i32
        %dma_start3A_24 = arith.constant 0 : i32
        %dma_start3A_25 = tpu.memref_slice %dma_start3A_22[%dma_start3A_23, %dma_start3A_24] : memref<10000x128xf32, #tpu.memory_space<hbm>> -> memref<520x128xf32, #tpu.memory_space<hbm>>
        %dma_start3A_26 = arith.constant 9480 : i32
        %dma_start3A_27 = arith.constant 0 : i32
        %dma_start3A_28 = tpu.memref_slice %arg14[%dma_start3A_26, %dma_start3A_27] : memref<10112x128xf32, #tpu.memory_space<vmem_shared>> -> memref<520x128xf32, #tpu.memory_space<vmem_shared>>
        tpu.enqueue_dma source(%dma_start3A_28 : memref<520x128xf32, #tpu.memory_space<vmem_shared>>) target(%dma_start3A_25 : memref<520x128xf32, #tpu.memory_space<hbm>>) target_semaphore(%run_scoped3A : memref<!tpu.dma_semaphore, #tpu.memory_space<semaphore_mem>>)
        %dma_wait3A = arith.constant 0 : i32
        %dma_wait3A_29 = arith.constant 0 : i32
        %dma_wait3A_30 = tpu.memref_slice %arg9[%arg0, %dma_wait3A, %dma_wait3A_29] : memref<2x10000x128xf32, #tpu.memory_space<hbm>> -> memref<1x10000x128xf32, #tpu.memory_space<hbm>>
        %dma_wait3A_31 = tpu.memref_squeeze %dma_wait3A_30 : memref<1x10000x128xf32, #tpu.memory_space<hbm>> -> memref<10000x128xf32, #tpu.memory_space<hbm>>
        %dma_wait3A_32 = arith.constant 9480 : i32
        %dma_wait3A_33 = arith.constant 0 : i32
        %dma_wait3A_34 = tpu.memref_slice %dma_wait3A_31[%dma_wait3A_32, %dma_wait3A_33] : memref<10000x128xf32, #tpu.memory_space<hbm>> -> memref<520x128xf32, #tpu.memory_space<hbm>>
        %dma_wait3A_35 = arith.constant 9480 : i32
        %dma_wait3A_36 = arith.constant 0 : i32
        %dma_wait3A_37 = tpu.memref_slice %arg14[%dma_wait3A_35, %dma_wait3A_36] : memref<10112x128xf32, #tpu.memory_space<vmem_shared>> -> memref<520x128xf32, #tpu.memory_space<vmem_shared>>
        tpu.wait_dma2 semaphore(%run_scoped3A : memref<!tpu.dma_semaphore, #tpu.memory_space<semaphore_mem>>) src(%dma_wait3A_37 : memref<520x128xf32, #tpu.memory_space<vmem_shared>>) dst(%dma_wait3A_34 : memref<520x128xf32, #tpu.memory_space<hbm>>)
        tpu.yield
      }) : () -> ()
    } else {
    }
    return
  }
}

#map = affine_map<(d0, d1) -> (0, 0)>
#map1 = affine_map<(d0, d1) -> (0, 0, 0)>
module attributes {stable_mosaic.version = 14 : i64} {
  func.func @_sc0_body(%arg0: i32, %arg1: i32, %arg2: memref<2560x128xi32, #tpu.memory_space<hbm>>, %arg3: memref<2560x128xi32, #tpu.memory_space<hbm>>, %arg4: memref<128x128xf32, #tpu.memory_space<hbm>>, %arg5: memref<10112x128xf32, #tpu.memory_space<hbm>>, %arg6: memref<2x10000x128xf32, #tpu.memory_space<hbm>>, %arg7: memref<8x128xi32, #tpu.memory_space<vmem>>, %arg8: memref<8x128xi32, #tpu.memory_space<vmem>>, %arg9: memref<128x128xf32, #tpu.memory_space<vmem>>, %arg10: memref<10112x128xf32, #tpu.memory_space<vmem_shared>>, %arg11: memref<!tpu.dma_semaphore, #tpu.memory_space<semaphore_mem>>) attributes {dimension_semantics = [#tpu.dimension_semantics<core_parallel>, #tpu.dimension_semantics<subcore_parallel>], iteration_bounds = array<i64: 2, 16>, scalar_prefetch = 0 : i64, scratch_operands = 5 : i64, tpu.core_type = #tpu.core_type<sc_vector_subcore>, window_params = [{transform_indices = #map}, {transform_indices = #map}, {transform_indices = #map}, {transform_indices = #map}, {transform_indices = #map1}]} {
    %mul3A = arith.constant 16 : i32
    %mul3A_0 = arith.muli %arg0, %mul3A : i32
    %add3A = arith.addi %mul3A_0, %arg1 : i32
    %mul3A_1 = arith.constant 632 : i32
    %mul3A_2 = arith.muli %arg1, %mul3A_1 : i32
    %mul3A_3 = arith.constant 632 : i32
    %mul3A_4 = arith.muli %arg1, %mul3A_3 : i32
    "tpu.region"() ({
      %run_scoped3A = tpu.sem_alloc : memref<!tpu.dma_semaphore, #tpu.memory_space<semaphore_mem>>
      %dma_start3A = arith.constant 0 : i32
      %dma_start3A_20 = tpu.memref_slice %arg10[%mul3A_4, %dma_start3A] : memref<10112x128xf32, #tpu.memory_space<vmem_shared>> -> memref<632x128xf32, #tpu.memory_space<vmem_shared>>
      %dma_start3A_21 = arith.constant 0 : i32
      %dma_start3A_22 = tpu.memref_slice %arg5[%mul3A_2, %dma_start3A_21] : memref<10112x128xf32, #tpu.memory_space<hbm>> -> memref<632x128xf32, #tpu.memory_space<hbm>>
      tpu.enqueue_dma source(%dma_start3A_22 : memref<632x128xf32, #tpu.memory_space<hbm>>) target(%dma_start3A_20 : memref<632x128xf32, #tpu.memory_space<vmem_shared>>) target_semaphore(%run_scoped3A : memref<!tpu.dma_semaphore, #tpu.memory_space<semaphore_mem>>)
      %dma_wait3A = arith.constant 0 : i32
      %dma_wait3A_23 = tpu.memref_slice %arg10[%mul3A_4, %dma_wait3A] : memref<10112x128xf32, #tpu.memory_space<vmem_shared>> -> memref<632x128xf32, #tpu.memory_space<vmem_shared>>
      %dma_wait3A_24 = arith.constant 0 : i32
      %dma_wait3A_25 = tpu.memref_slice %arg5[%mul3A_2, %dma_wait3A_24] : memref<10112x128xf32, #tpu.memory_space<hbm>> -> memref<632x128xf32, #tpu.memory_space<hbm>>
      tpu.wait_dma2 semaphore(%run_scoped3A : memref<!tpu.dma_semaphore, #tpu.memory_space<semaphore_mem>>) src(%dma_wait3A_25 : memref<632x128xf32, #tpu.memory_space<hbm>>) dst(%dma_wait3A_23 : memref<632x128xf32, #tpu.memory_space<vmem_shared>>)
      tpu.yield
    }) : () -> ()
    "tpu.region"() ({
      %run_scoped3A = tpu.sem_alloc : memref<!tpu.dma_semaphore, #tpu.memory_space<semaphore_mem>>
      tpu.enqueue_dma source(%arg4 : memref<128x128xf32, #tpu.memory_space<hbm>>) target(%arg9 : memref<128x128xf32, #tpu.memory_space<vmem>>) target_semaphore(%run_scoped3A : memref<!tpu.dma_semaphore, #tpu.memory_space<semaphore_mem>>)
      tpu.wait_dma2 semaphore(%run_scoped3A : memref<!tpu.dma_semaphore, #tpu.memory_space<semaphore_mem>>) src(%arg4 : memref<128x128xf32, #tpu.memory_space<hbm>>) dst(%arg9 : memref<128x128xf32, #tpu.memory_space<vmem>>)
      tpu.yield
    }) : () -> ()
    %mul3A_5 = arith.constant 80 : i32
    %mul3A_6 = arith.muli %add3A, %mul3A_5 : i32
    %barrier3A = arith.constant 0 : index
    tpu.barrier barrier_id(%barrier3A)
    %scan3A = arith.constant 0 : i32
    %scan3A_7 = arith.constant 0 : i32
    %scan3A_8 = arith.constant 10 : i32
    %scan3A_9 = arith.addi %scan3A_7, %scan3A_8 : i32
    %scan3A_10 = arith.constant 1 : i32
    %scan3A_11 = scf.for %scan3A_20 = %scan3A_7 to %scan3A_9 step %scan3A_10 iter_args(%scan3A_21 = %scan3A) -> (i32)  : i32 {
      %mul3A_22 = arith.constant 8 : i32
      %mul3A_23 = arith.muli %scan3A_20, %mul3A_22 : i32
      %add3A_24 = arith.addi %mul3A_6, %mul3A_23 : i32
      "tpu.region"() ({
        %run_scoped3A = tpu.sem_alloc : memref<!tpu.dma_semaphore, #tpu.memory_space<semaphore_mem>>
        %dma_start3A = arith.constant 0 : i32
        %dma_start3A_33 = tpu.memref_slice %arg2[%add3A_24, %dma_start3A] : memref<2560x128xi32, #tpu.memory_space<hbm>> -> memref<8x128xi32, #tpu.memory_space<hbm>>
        %dma_start3A_34 = arith.constant 0 : i32
        %dma_start3A_35 = tpu.memref_slice %arg2[%add3A_24, %dma_start3A_34] : memref<2560x128xi32, #tpu.memory_space<hbm>> -> memref<8x128xi32, #tpu.memory_space<hbm>>
        tpu.enqueue_dma source(%dma_start3A_35 : memref<8x128xi32, #tpu.memory_space<hbm>>) target(%arg7 : memref<8x128xi32, #tpu.memory_space<vmem>>) target_semaphore(%run_scoped3A : memref<!tpu.dma_semaphore, #tpu.memory_space<semaphore_mem>>)
        %dma_wait3A = arith.constant 0 : i32
        %dma_wait3A_36 = tpu.memref_slice %arg2[%add3A_24, %dma_wait3A] : memref<2560x128xi32, #tpu.memory_space<hbm>> -> memref<8x128xi32, #tpu.memory_space<hbm>>
        %dma_wait3A_37 = arith.constant 0 : i32
        %dma_wait3A_38 = tpu.memref_slice %arg2[%add3A_24, %dma_wait3A_37] : memref<2560x128xi32, #tpu.memory_space<hbm>> -> memref<8x128xi32, #tpu.memory_space<hbm>>
        tpu.wait_dma2 semaphore(%run_scoped3A : memref<!tpu.dma_semaphore, #tpu.memory_space<semaphore_mem>>) src(%dma_wait3A_38 : memref<8x128xi32, #tpu.memory_space<hbm>>) dst(%arg7 : memref<8x128xi32, #tpu.memory_space<vmem>>)
        tpu.yield
      }) : () -> ()
      "tpu.region"() ({
        %run_scoped3A = tpu.sem_alloc : memref<!tpu.dma_semaphore, #tpu.memory_space<semaphore_mem>>
        %dma_start3A = arith.constant 0 : i32
        %dma_start3A_33 = tpu.memref_slice %arg3[%add3A_24, %dma_start3A] : memref<2560x128xi32, #tpu.memory_space<hbm>> -> memref<8x128xi32, #tpu.memory_space<hbm>>
        %dma_start3A_34 = arith.constant 0 : i32
        %dma_start3A_35 = tpu.memref_slice %arg3[%add3A_24, %dma_start3A_34] : memref<2560x128xi32, #tpu.memory_space<hbm>> -> memref<8x128xi32, #tpu.memory_space<hbm>>
        tpu.enqueue_dma source(%dma_start3A_35 : memref<8x128xi32, #tpu.memory_space<hbm>>) target(%arg8 : memref<8x128xi32, #tpu.memory_space<vmem>>) target_semaphore(%run_scoped3A : memref<!tpu.dma_semaphore, #tpu.memory_space<semaphore_mem>>)
        %dma_wait3A = arith.constant 0 : i32
        %dma_wait3A_36 = tpu.memref_slice %arg3[%add3A_24, %dma_wait3A] : memref<2560x128xi32, #tpu.memory_space<hbm>> -> memref<8x128xi32, #tpu.memory_space<hbm>>
        %dma_wait3A_37 = arith.constant 0 : i32
        %dma_wait3A_38 = tpu.memref_slice %arg3[%add3A_24, %dma_wait3A_37] : memref<2560x128xi32, #tpu.memory_space<hbm>> -> memref<8x128xi32, #tpu.memory_space<hbm>>
        tpu.wait_dma2 semaphore(%run_scoped3A : memref<!tpu.dma_semaphore, #tpu.memory_space<semaphore_mem>>) src(%dma_wait3A_38 : memref<8x128xi32, #tpu.memory_space<hbm>>) dst(%arg8 : memref<8x128xi32, #tpu.memory_space<vmem>>)
        tpu.yield
      }) : () -> ()
      %scan3A_25 = arith.constant 0 : i32
      %scan3A_26 = arith.constant 0 : i32
      %scan3A_27 = arith.constant 8 : i32
      %scan3A_28 = arith.addi %scan3A_26, %scan3A_27 : i32
      %scan3A_29 = arith.constant 1 : i32
      %scan3A_30 = scf.for %scan3A_33 = %scan3A_26 to %scan3A_28 step %scan3A_29 iter_args(%scan3A_34 = %scan3A_25) -> (i32)  : i32 {
        "tpu.region"() ({
          %run_scoped3A = tpu.sem_alloc : memref<!tpu.dma_semaphore, #tpu.memory_space<semaphore_mem>>
          %dma_start3A = arith.constant 0 : i32
          %dma_start3A_36 = tpu.memref_slice %arg8[%scan3A_33, %dma_start3A] : memref<8x128xi32, #tpu.memory_space<vmem>> -> memref<1x128xi32, #tpu.memory_space<vmem>>
          %dma_start3A_37 = tpu.memref_squeeze %dma_start3A_36 : memref<1x128xi32, #tpu.memory_space<vmem>> -> memref<128xi32, #tpu.memory_space<vmem>>
          %dma_start3A_38 = arith.constant 0 : i32
          %dma_start3A_39 = arith.constant 0 : i32
          %dma_start3A_40 = tpu.memref_slice %arg10[%dma_start3A_38, %dma_start3A_39] : memref<10112x128xf32, #tpu.memory_space<vmem_shared>> -> memref<10112x128xf32, #tpu.memory_space<vmem_shared>>
          tpu.enqueue_indirect_dma source(%arg9 : memref<128x128xf32, #tpu.memory_space<vmem>>) target(%dma_start3A_40 : memref<10112x128xf32, #tpu.memory_space<vmem_shared>>) offsets(%dma_start3A_37 : memref<128xi32, #tpu.memory_space<vmem>>) semaphore(%run_scoped3A : memref<!tpu.dma_semaphore, #tpu.memory_space<semaphore_mem>>) {add = true}
          %dma_wait3A = arith.constant 0 : i32
          %dma_wait3A_41 = tpu.memref_slice %arg8[%scan3A_33, %dma_wait3A] : memref<8x128xi32, #tpu.memory_space<vmem>> -> memref<1x128xi32, #tpu.memory_space<vmem>>
          %dma_wait3A_42 = tpu.memref_squeeze %dma_wait3A_41 : memref<1x128xi32, #tpu.memory_space<vmem>> -> memref<128xi32, #tpu.memory_space<vmem>>
          %dma_wait3A_43 = arith.constant 0 : i32
          %dma_wait3A_44 = arith.constant 0 : i32
          %dma_wait3A_45 = tpu.memref_slice %arg10[%dma_wait3A_43, %dma_wait3A_44] : memref<10112x128xf32, #tpu.memory_space<vmem_shared>> -> memref<10112x128xf32, #tpu.memory_space<vmem_shared>>
          tpu.wait_indirect_dma semaphore(%run_scoped3A : memref<!tpu.dma_semaphore, #tpu.memory_space<semaphore_mem>>) src(%arg9 : memref<128x128xf32, #tpu.memory_space<vmem>>) dst(%dma_wait3A_45 : memref<10112x128xf32, #tpu.memory_space<vmem_shared>>)
          tpu.yield
        }) : () -> ()
        "tpu.region"() ({
          %run_scoped3A = tpu.sem_alloc : memref<!tpu.dma_semaphore, #tpu.memory_space<semaphore_mem>>
          %dma_start3A = arith.constant 0 : i32
          %dma_start3A_36 = tpu.memref_slice %arg7[%scan3A_33, %dma_start3A] : memref<8x128xi32, #tpu.memory_space<vmem>> -> memref<1x128xi32, #tpu.memory_space<vmem>>
          %dma_start3A_37 = tpu.memref_squeeze %dma_start3A_36 : memref<1x128xi32, #tpu.memory_space<vmem>> -> memref<128xi32, #tpu.memory_space<vmem>>
          %dma_start3A_38 = arith.constant 0 : i32
          %dma_start3A_39 = arith.constant 0 : i32
          %dma_start3A_40 = tpu.memref_slice %arg10[%dma_start3A_38, %dma_start3A_39] : memref<10112x128xf32, #tpu.memory_space<vmem_shared>> -> memref<10112x128xf32, #tpu.memory_space<vmem_shared>>
          tpu.enqueue_indirect_dma source(%arg9 : memref<128x128xf32, #tpu.memory_space<vmem>>) target(%dma_start3A_40 : memref<10112x128xf32, #tpu.memory_space<vmem_shared>>) offsets(%dma_start3A_37 : memref<128xi32, #tpu.memory_space<vmem>>) semaphore(%run_scoped3A : memref<!tpu.dma_semaphore, #tpu.memory_space<semaphore_mem>>) {add = true}
          %dma_wait3A = arith.constant 0 : i32
          %dma_wait3A_41 = tpu.memref_slice %arg7[%scan3A_33, %dma_wait3A] : memref<8x128xi32, #tpu.memory_space<vmem>> -> memref<1x128xi32, #tpu.memory_space<vmem>>
          %dma_wait3A_42 = tpu.memref_squeeze %dma_wait3A_41 : memref<1x128xi32, #tpu.memory_space<vmem>> -> memref<128xi32, #tpu.memory_space<vmem>>
          %dma_wait3A_43 = arith.constant 0 : i32
          %dma_wait3A_44 = arith.constant 0 : i32
          %dma_wait3A_45 = tpu.memref_slice %arg10[%dma_wait3A_43, %dma_wait3A_44] : memref<10112x128xf32, #tpu.memory_space<vmem_shared>> -> memref<10112x128xf32, #tpu.memory_space<vmem_shared>>
          tpu.wait_indirect_dma semaphore(%run_scoped3A : memref<!tpu.dma_semaphore, #tpu.memory_space<semaphore_mem>>) src(%arg9 : memref<128x128xf32, #tpu.memory_space<vmem>>) dst(%dma_wait3A_45 : memref<10112x128xf32, #tpu.memory_space<vmem_shared>>)
          tpu.yield
        }) : () -> ()
        %scan3A_35 = arith.constant 0 : i32
        scf.yield %scan3A_35 : i32
      }
      %scan3A_31 = arith.constant 8 : i32
      %scan3A_32 = arith.constant 0 : i32
      scf.yield %scan3A_32 : i32
    }
    %scan3A_12 = arith.constant 10 : i32
    %barrier3A_13 = arith.constant 0 : index
    tpu.barrier barrier_id(%barrier3A_13)
    %lt3A = arith.constant 15 : i32
    %lt3A_14 = arith.cmpi slt, %arg1, %lt3A : i32
    %convert_element_type3A = arith.extui %lt3A_14 : i1 to i32
    %cond3A = arith.constant 0 : i32
    %cond3A_15 = arith.cmpi ne, %convert_element_type3A, %cond3A : i32
    scf.if %cond3A_15 {
      %mul3A_20 = arith.constant 632 : i32
      %mul3A_21 = arith.muli %arg1, %mul3A_20 : i32
      %mul3A_22 = arith.constant 632 : i32
      %mul3A_23 = arith.muli %arg1, %mul3A_22 : i32
      "tpu.region"() ({
        %run_scoped3A = tpu.sem_alloc : memref<!tpu.dma_semaphore, #tpu.memory_space<semaphore_mem>>
        %dma_start3A = arith.constant 0 : i32
        %dma_start3A_24 = arith.constant 0 : i32
        %dma_start3A_25 = tpu.memref_slice %arg6[%arg0, %dma_start3A, %dma_start3A_24] : memref<2x10000x128xf32, #tpu.memory_space<hbm>> -> memref<1x10000x128xf32, #tpu.memory_space<hbm>>
        %dma_start3A_26 = tpu.memref_squeeze %dma_start3A_25 : memref<1x10000x128xf32, #tpu.memory_space<hbm>> -> memref<10000x128xf32, #tpu.memory_space<hbm>>
        %dma_start3A_27 = arith.constant 0 : i32
        %dma_start3A_28 = tpu.memref_slice %dma_start3A_26[%mul3A_23, %dma_start3A_27] : memref<10000x128xf32, #tpu.memory_space<hbm>> -> memref<632x128xf32, #tpu.memory_space<hbm>>
        %dma_start3A_29 = arith.constant 0 : i32
        %dma_start3A_30 = tpu.memref_slice %arg10[%mul3A_21, %dma_start3A_29] : memref<10112x128xf32, #tpu.memory_space<vmem_shared>> -> memref<632x128xf32, #tpu.memory_space<vmem_shared>>
        tpu.enqueue_dma source(%dma_start3A_30 : memref<632x128xf32, #tpu.memory_space<vmem_shared>>) target(%dma_start3A_28 : memref<632x128xf32, #tpu.memory_space<hbm>>) target_semaphore(%run_scoped3A : memref<!tpu.dma_semaphore, #tpu.memory_space<semaphore_mem>>)
        %dma_wait3A = arith.constant 0 : i32
        %dma_wait3A_31 = arith.constant 0 : i32
        %dma_wait3A_32 = tpu.memref_slice %arg6[%arg0, %dma_wait3A, %dma_wait3A_31] : memref<2x10000x128xf32, #tpu.memory_space<hbm>> -> memref<1x10000x128xf32, #tpu.memory_space<hbm>>
        %dma_wait3A_33 = tpu.memref_squeeze %dma_wait3A_32 : memref<1x10000x128xf32, #tpu.memory_space<hbm>> -> memref<10000x128xf32, #tpu.memory_space<hbm>>
        %dma_wait3A_34 = arith.constant 0 : i32
        %dma_wait3A_35 = tpu.memref_slice %dma_wait3A_33[%mul3A_23, %dma_wait3A_34] : memref<10000x128xf32, #tpu.memory_space<hbm>> -> memref<632x128xf32, #tpu.memory_space<hbm>>
        %dma_wait3A_36 = arith.constant 0 : i32
        %dma_wait3A_37 = tpu.memref_slice %arg10[%mul3A_21, %dma_wait3A_36] : memref<10112x128xf32, #tpu.memory_space<vmem_shared>> -> memref<632x128xf32, #tpu.memory_space<vmem_shared>>
        tpu.wait_dma2 semaphore(%run_scoped3A : memref<!tpu.dma_semaphore, #tpu.memory_space<semaphore_mem>>) src(%dma_wait3A_37 : memref<632x128xf32, #tpu.memory_space<vmem_shared>>) dst(%dma_wait3A_35 : memref<632x128xf32, #tpu.memory_space<hbm>>)
        tpu.yield
      }) : () -> ()
    } else {
    }
    %eq3A = arith.constant 15 : i32
    %eq3A_16 = arith.cmpi eq, %arg1, %eq3A : i32
    %convert_element_type3A_17 = arith.extui %eq3A_16 : i1 to i32
    %cond3A_18 = arith.constant 0 : i32
    %cond3A_19 = arith.cmpi ne, %convert_element_type3A_17, %cond3A_18 : i32
    scf.if %cond3A_19 {
      "tpu.region"() ({
        %run_scoped3A = tpu.sem_alloc : memref<!tpu.dma_semaphore, #tpu.memory_space<semaphore_mem>>
        %dma_start3A = arith.constant 0 : i32
        %dma_start3A_20 = arith.constant 0 : i32
        %dma_start3A_21 = tpu.memref_slice %arg6[%arg0, %dma_start3A, %dma_start3A_20] : memref<2x10000x128xf32, #tpu.memory_space<hbm>> -> memref<1x10000x128xf32, #tpu.memory_space<hbm>>
        %dma_start3A_22 = tpu.memref_squeeze %dma_start3A_21 : memref<1x10000x128xf32, #tpu.memory_space<hbm>> -> memref<10000x128xf32, #tpu.memory_space<hbm>>
        %dma_start3A_23 = arith.constant 9480 : i32
        %dma_start3A_24 = arith.constant 0 : i32
        %dma_start3A_25 = tpu.memref_slice %dma_start3A_22[%dma_start3A_23, %dma_start3A_24] : memref<10000x128xf32, #tpu.memory_space<hbm>> -> memref<520x128xf32, #tpu.memory_space<hbm>>
        %dma_start3A_26 = arith.constant 9480 : i32
        %dma_start3A_27 = arith.constant 0 : i32
        %dma_start3A_28 = tpu.memref_slice %arg10[%dma_start3A_26, %dma_start3A_27] : memref<10112x128xf32, #tpu.memory_space<vmem_shared>> -> memref<520x128xf32, #tpu.memory_space<vmem_shared>>
        tpu.enqueue_dma source(%dma_start3A_28 : memref<520x128xf32, #tpu.memory_space<vmem_shared>>) target(%dma_start3A_25 : memref<520x128xf32, #tpu.memory_space<hbm>>) target_semaphore(%run_scoped3A : memref<!tpu.dma_semaphore, #tpu.memory_space<semaphore_mem>>)
        %dma_wait3A = arith.constant 0 : i32
        %dma_wait3A_29 = arith.constant 0 : i32
        %dma_wait3A_30 = tpu.memref_slice %arg6[%arg0, %dma_wait3A, %dma_wait3A_29] : memref<2x10000x128xf32, #tpu.memory_space<hbm>> -> memref<1x10000x128xf32, #tpu.memory_space<hbm>>
        %dma_wait3A_31 = tpu.memref_squeeze %dma_wait3A_30 : memref<1x10000x128xf32, #tpu.memory_space<hbm>> -> memref<10000x128xf32, #tpu.memory_space<hbm>>
        %dma_wait3A_32 = arith.constant 9480 : i32
        %dma_wait3A_33 = arith.constant 0 : i32
        %dma_wait3A_34 = tpu.memref_slice %dma_wait3A_31[%dma_wait3A_32, %dma_wait3A_33] : memref<10000x128xf32, #tpu.memory_space<hbm>> -> memref<520x128xf32, #tpu.memory_space<hbm>>
        %dma_wait3A_35 = arith.constant 9480 : i32
        %dma_wait3A_36 = arith.constant 0 : i32
        %dma_wait3A_37 = tpu.memref_slice %arg10[%dma_wait3A_35, %dma_wait3A_36] : memref<10112x128xf32, #tpu.memory_space<vmem_shared>> -> memref<520x128xf32, #tpu.memory_space<vmem_shared>>
        tpu.wait_dma2 semaphore(%run_scoped3A : memref<!tpu.dma_semaphore, #tpu.memory_space<semaphore_mem>>) src(%dma_wait3A_37 : memref<520x128xf32, #tpu.memory_space<vmem_shared>>) dst(%dma_wait3A_34 : memref<520x128xf32, #tpu.memory_space<hbm>>)
        tpu.yield
      }) : () -> ()
    } else {
    }
    return
  }
}

module attributes {stable_mosaic.version = 14 : i64} {
  func.func @_tct_body(%arg0: i32, %arg1: memref<512x128xf32, #tpu.memory_space<vmem>>, %arg2: memref<128x128xf32, #tpu.memory_space<vmem>>, %arg3: memref<128xf32, #tpu.memory_space<vmem>>, %arg4: memref<128x128xf32, #tpu.memory_space<vmem>>, %arg5: memref<128xf32, #tpu.memory_space<vmem>>, %arg6: memref<128x128xf32, #tpu.memory_space<vmem>>, %arg7: memref<128xf32, #tpu.memory_space<vmem>>, %arg8: memref<512x128xf32, #tpu.memory_space<vmem>>, %arg9: memref<512x128xf32, #tpu.memory_space<vmem>>, %arg10: memref<512x128xf32, #tpu.memory_space<vmem>>, %arg11: memref<512x128xf32, #tpu.memory_space<vmem>>) attributes {dimension_semantics = [#tpu.dimension_semantics<arbitrary>], iteration_bounds = array<i64: 16>, scalar_prefetch = 0 : i64, scratch_operands = 0 : i64, tpu.core_type = #tpu.core_type<tc>, window_params = [{pipeline_mode = #tpu.pipeline_mode<synchronous>, transform_indices = @transform_0, window_bounds = array<i64: 512, 128>}, {pipeline_mode = #tpu.pipeline_mode<synchronous>, transform_indices = @transform_1, window_bounds = array<i64: 128, 128>}, {pipeline_mode = #tpu.pipeline_mode<synchronous>, transform_indices = @transform_2, window_bounds = array<i64: 128>}, {pipeline_mode = #tpu.pipeline_mode<synchronous>, transform_indices = @transform_3, window_bounds = array<i64: 128, 128>}, {pipeline_mode = #tpu.pipeline_mode<synchronous>, transform_indices = @transform_4, window_bounds = array<i64: 128>}, {pipeline_mode = #tpu.pipeline_mode<synchronous>, transform_indices = @transform_5, window_bounds = array<i64: 128, 128>}, {pipeline_mode = #tpu.pipeline_mode<synchronous>, transform_indices = @transform_6, window_bounds = array<i64: 128>}, {pipeline_mode = #tpu.pipeline_mode<synchronous>, transform_indices = @transform_7, window_bounds = array<i64: 512, 128>}, {pipeline_mode = #tpu.pipeline_mode<synchronous>, transform_indices = @transform_8, window_bounds = array<i64: 512, 128>}, {transform_indices = @transform_9, window_bounds = array<i64: 512, 128>}, {transform_indices = @transform_10, window_bounds = array<i64: 512, 128>}]} {
    %get3A = arith.constant 0 : index
    %get3A_0 = arith.constant 0 : index
    %get3A_1 = vector.load %arg1[%get3A, %get3A_0] : memref<512x128xf32, #tpu.memory_space<vmem>>, vector<512x128xf32>
    %get3A_2 = arith.constant 0 : index
    %get3A_3 = arith.constant 0 : index
    %get3A_4 = vector.load %arg2[%get3A_2, %get3A_3] : memref<128x128xf32, #tpu.memory_space<vmem>>, vector<128x128xf32>
    %dot_general3A = arith.constant dense<0.000000e+00> : vector<512x128xf32>
    %dot_general3A_5 = tpu.matmul %get3A_1, %get3A_4, %dot_general3A {dimension_numbers = #tpu.dot_dimension_numbers<[1], [0], [0], [1], [0, 0, 1, 1], [], []>, precision = #tpu.contract_precision<fp32>, transpose_lhs_hint = false} : vector<512x128xf32>, vector<128x128xf32>, vector<512x128xf32> -> vector<512x128xf32>
    %get3A_6 = arith.constant 0 : index
    %get3A_7 = vector.load %arg3[%get3A_6] : memref<128xf32, #tpu.memory_space<vmem>>, vector<128xf32>
    %broadcast_in_dim3A = vector.shape_cast %get3A_7 : vector<128xf32> to vector<1x128xf32>
    %add3A = vector.broadcast %broadcast_in_dim3A : vector<1x128xf32> to vector<512x128xf32>
    %add3A_8 = arith.addf %dot_general3A_5, %add3A : vector<512x128xf32>
    %swap3A = arith.constant 0 : index
    %swap3A_9 = arith.constant 0 : index
    %swap3A_10 = vector.load %arg8[%swap3A, %swap3A_9] : memref<512x128xf32, #tpu.memory_space<vmem>>, vector<512x128xf32>
    tpu.vector_store %arg8[%swap3A, %swap3A_9], %add3A_8 {strides = array<i32>} : memref<512x128xf32, #tpu.memory_space<vmem>>, vector<512x128xf32>,
    %get3A_11 = arith.constant 0 : index
    %get3A_12 = arith.constant 0 : index
    %get3A_13 = vector.load %arg4[%get3A_11, %get3A_12] : memref<128x128xf32, #tpu.memory_space<vmem>>, vector<128x128xf32>
    %dot_general3A_14 = arith.constant dense<0.000000e+00> : vector<512x128xf32>
    %dot_general3A_15 = tpu.matmul %get3A_1, %get3A_13, %dot_general3A_14 {dimension_numbers = #tpu.dot_dimension_numbers<[1], [0], [0], [1], [0, 0, 1, 1], [], []>, precision = #tpu.contract_precision<fp32>, transpose_lhs_hint = false} : vector<512x128xf32>, vector<128x128xf32>, vector<512x128xf32> -> vector<512x128xf32>
    %get3A_16 = arith.constant 0 : index
    %get3A_17 = vector.load %arg5[%get3A_16] : memref<128xf32, #tpu.memory_space<vmem>>, vector<128xf32>
    %broadcast_in_dim3A_18 = vector.shape_cast %get3A_17 : vector<128xf32> to vector<1x128xf32>
    %add3A_19 = vector.broadcast %broadcast_in_dim3A_18 : vector<1x128xf32> to vector<512x128xf32>
    %add3A_20 = arith.addf %dot_general3A_15, %add3A_19 : vector<512x128xf32>
    %swap3A_21 = arith.constant 0 : index
    %swap3A_22 = arith.constant 0 : index
    %swap3A_23 = vector.load %arg9[%swap3A_21, %swap3A_22] : memref<512x128xf32, #tpu.memory_space<vmem>>, vector<512x128xf32>
    tpu.vector_store %arg9[%swap3A_21, %swap3A_22], %add3A_20 {strides = array<i32>} : memref<512x128xf32, #tpu.memory_space<vmem>>, vector<512x128xf32>,
    %get3A_24 = arith.constant 0 : index
    %get3A_25 = arith.constant 0 : index
    %get3A_26 = vector.load %arg6[%get3A_24, %get3A_25] : memref<128x128xf32, #tpu.memory_space<vmem>>, vector<128x128xf32>
    %dot_general3A_27 = arith.constant dense<0.000000e+00> : vector<512x128xf32>
    %dot_general3A_28 = tpu.matmul %get3A_1, %get3A_26, %dot_general3A_27 {dimension_numbers = #tpu.dot_dimension_numbers<[1], [0], [0], [1], [0, 0, 1, 1], [], []>, precision = #tpu.contract_precision<fp32>, transpose_lhs_hint = false} : vector<512x128xf32>, vector<128x128xf32>, vector<512x128xf32> -> vector<512x128xf32>
    %get3A_29 = arith.constant 0 : index
    %get3A_30 = vector.load %arg7[%get3A_29] : memref<128xf32, #tpu.memory_space<vmem>>, vector<128xf32>
    %broadcast_in_dim3A_31 = vector.shape_cast %get3A_30 : vector<128xf32> to vector<1x128xf32>
    %add3A_32 = vector.broadcast %broadcast_in_dim3A_31 : vector<1x128xf32> to vector<512x128xf32>
    %add3A_33 = arith.addf %dot_general3A_28, %add3A_32 : vector<512x128xf32>
    %swap3A_34 = arith.constant 0 : index
    %swap3A_35 = arith.constant 0 : index
    %swap3A_36 = vector.load %arg10[%swap3A_34, %swap3A_35] : memref<512x128xf32, #tpu.memory_space<vmem>>, vector<512x128xf32>
    tpu.vector_store %arg10[%swap3A_34, %swap3A_35], %add3A_33 {strides = array<i32>} : memref<512x128xf32, #tpu.memory_space<vmem>>, vector<512x128xf32>,
    %swap3A_37 = arith.constant 0 : index
    %swap3A_38 = arith.constant 0 : index
    %swap3A_39 = vector.load %arg11[%swap3A_37, %swap3A_38] : memref<512x128xf32, #tpu.memory_space<vmem>>, vector<512x128xf32>
    tpu.vector_store %arg11[%swap3A_37, %swap3A_38], %get3A_1 {strides = array<i32>} : memref<512x128xf32, #tpu.memory_space<vmem>>, vector<512x128xf32>,
    return
  }
  func.func @transform_0(%arg0: i32) -> (i32, i32) {
    %c0_i32 = arith.constant 0 : i32
    %c0_i32_0 = arith.constant 0 : i32
    %c0_i32_1 = arith.constant 0 : i32
    return %c0_i32, %c0_i32_0 : i32, i32
  }
  func.func @transform_1(%arg0: i32) -> (i32, i32) {
    %c0_i32 = arith.constant 0 : i32
    %c0_i32_0 = arith.constant 0 : i32
    %c0_i32_1 = arith.constant 0 : i32
    return %c0_i32, %c0_i32_0 : i32, i32
  }
  func.func @transform_2(%arg0: i32) -> i32 {
    %c0_i32 = arith.constant 0 : i32
    %c0_i32_0 = arith.constant 0 : i32
    return %c0_i32 : i32
  }
  func.func @transform_3(%arg0: i32) -> (i32, i32) {
    %c0_i32 = arith.constant 0 : i32
    %c0_i32_0 = arith.constant 0 : i32
    %c0_i32_1 = arith.constant 0 : i32
    return %c0_i32, %c0_i32_0 : i32, i32
  }
  func.func @transform_4(%arg0: i32) -> i32 {
    %c0_i32 = arith.constant 0 : i32
    %c0_i32_0 = arith.constant 0 : i32
    return %c0_i32 : i32
  }
  func.func @transform_5(%arg0: i32) -> (i32, i32) {
    %c0_i32 = arith.constant 0 : i32
    %c0_i32_0 = arith.constant 0 : i32
    %c0_i32_1 = arith.constant 0 : i32
    return %c0_i32, %c0_i32_0 : i32, i32
  }
  func.func @transform_6(%arg0: i32) -> i32 {
    %c0_i32 = arith.constant 0 : i32
    %c0_i32_0 = arith.constant 0 : i32
    return %c0_i32 : i32
  }
  func.func @transform_7(%arg0: i32) -> (i32, i32) {
    %c0_i32 = arith.constant 0 : i32
    %c0_i32_0 = arith.constant 0 : i32
    %c0_i32_1 = arith.constant 0 : i32
    return %c0_i32, %c0_i32_0 : i32, i32
  }
  func.func @transform_8(%arg0: i32) -> (i32, i32) {
    %c0_i32 = arith.constant 0 : i32
    %c0_i32_0 = arith.constant 0 : i32
    %c0_i32_1 = arith.constant 0 : i32
    return %c0_i32, %c0_i32_0 : i32, i32
  }
  func.func @transform_9(%arg0: i32) -> (i32, i32) {
    %jit3A = arith.constant 2 : i32
    %eq3A = arith.constant 0 : i32
    %eq3A_0 = arith.cmpi eq, %jit3A, %eq3A : i32
    %jit3A_1 = arith.constant 1 : i32
    %select_n3A = arith.select %eq3A_0, %jit3A_1, %jit3A : i32
    %rem3A = arith.remsi %arg0, %select_n3A : i32
    %ne3A = arith.constant 0 : i32
    %ne3A_2 = arith.cmpi ne, %rem3A, %ne3A : i32
    %lt3A = arith.constant 0 : i32
    %lt3A_3 = arith.cmpi slt, %rem3A, %lt3A : i32
    %lt3A_4 = arith.constant 0 : i32
    %lt3A_5 = arith.cmpi slt, %select_n3A, %lt3A_4 : i32
    %ne3A_6 = arith.xori %lt3A_3, %lt3A_5 : i1
    %and3A = arith.andi %ne3A_6, %ne3A_2 : i1
    %add3A = arith.addi %rem3A, %select_n3A : i32
    %select_n3A_7 = arith.select %and3A, %add3A, %rem3A : i32
    %c0_i32 = arith.constant 0 : i32
    %c0_i32_8 = arith.constant 0 : i32
    return %select_n3A_7, %c0_i32 : i32, i32
  }
  func.func @transform_10(%arg0: i32) -> (i32, i32) {
    %jit3A = arith.constant 2 : i32
    %eq3A = arith.constant 0 : i32
    %eq3A_0 = arith.cmpi eq, %jit3A, %eq3A : i32
    %jit3A_1 = arith.constant 1 : i32
    %select_n3A = arith.select %eq3A_0, %jit3A_1, %jit3A : i32
    %rem3A = arith.remsi %arg0, %select_n3A : i32
    %ne3A = arith.constant 0 : i32
    %ne3A_2 = arith.cmpi ne, %rem3A, %ne3A : i32
    %lt3A = arith.constant 0 : i32
    %lt3A_3 = arith.cmpi slt, %rem3A, %lt3A : i32
    %lt3A_4 = arith.constant 0 : i32
    %lt3A_5 = arith.cmpi slt, %select_n3A, %lt3A_4 : i32
    %ne3A_6 = arith.xori %lt3A_3, %lt3A_5 : i1
    %and3A = arith.andi %ne3A_6, %ne3A_2 : i1
    %add3A = arith.addi %rem3A, %select_n3A : i32
    %select_n3A_7 = arith.select %and3A, %add3A, %rem3A : i32
    %c0_i32 = arith.constant 0 : i32
    %c0_i32_8 = arith.constant 0 : i32
    return %select_n3A_7, %c0_i32 : i32, i32
  }
}

module attributes {stable_mosaic.version = 14 : i64} {
  func.func @_tca_body(%arg0: i32, %arg1: memref<1000x768xf32, #tpu.memory_space<vmem>>, %arg2: memref<768x128xf32, #tpu.memory_space<vmem>>, %arg3: memref<128xf32, #tpu.memory_space<vmem>>, %arg4: memref<128x128xf32, #tpu.memory_space<vmem>>, %arg5: memref<128x128xf32, #tpu.memory_space<vmem>>, %arg6: memref<1000x128xf32, #tpu.memory_space<vmem>>, %arg7: memref<1000x128xf32, #tpu.memory_space<vmem>>, %arg8: memref<1000x128xf32, #tpu.memory_space<vmem>>) attributes {dimension_semantics = [#tpu.dimension_semantics<arbitrary>], iteration_bounds = array<i64: 10>, scalar_prefetch = 0 : i64, scratch_operands = 0 : i64, tpu.core_type = #tpu.core_type<tc>, window_params = [{transform_indices = @transform_0, window_bounds = array<i64: 1000, 768>}, {pipeline_mode = #tpu.pipeline_mode<synchronous>, transform_indices = @transform_1, window_bounds = array<i64: 768, 128>}, {pipeline_mode = #tpu.pipeline_mode<synchronous>, transform_indices = @transform_2, window_bounds = array<i64: 128>}, {pipeline_mode = #tpu.pipeline_mode<synchronous>, transform_indices = @transform_3, window_bounds = array<i64: 128, 128>}, {pipeline_mode = #tpu.pipeline_mode<synchronous>, transform_indices = @transform_4, window_bounds = array<i64: 128, 128>}, {transform_indices = @transform_5, window_bounds = array<i64: 1000, 128>}, {transform_indices = @transform_6, window_bounds = array<i64: 1000, 128>}, {transform_indices = @transform_7, window_bounds = array<i64: 1000, 128>}]} {
    %get3A = arith.constant 0 : index
    %get3A_0 = arith.constant 0 : index
    %get3A_1 = vector.load %arg1[%get3A, %get3A_0] : memref<1000x768xf32, #tpu.memory_space<vmem>>, vector<1000x768xf32>
    %get3A_2 = arith.constant 0 : index
    %get3A_3 = arith.constant 0 : index
    %get3A_4 = vector.load %arg2[%get3A_2, %get3A_3] : memref<768x128xf32, #tpu.memory_space<vmem>>, vector<768x128xf32>
    %dot_general3A = arith.constant dense<0.000000e+00> : vector<1000x128xf32>
    %dot_general3A_5 = tpu.matmul %get3A_1, %get3A_4, %dot_general3A {dimension_numbers = #tpu.dot_dimension_numbers<[1], [0], [0], [1], [0, 0, 1, 1], [], []>, precision = #tpu.contract_precision<fp32>, transpose_lhs_hint = false} : vector<1000x768xf32>, vector<768x128xf32>, vector<1000x128xf32> -> vector<1000x128xf32>
    %get3A_6 = arith.constant 0 : index
    %get3A_7 = vector.load %arg3[%get3A_6] : memref<128xf32, #tpu.memory_space<vmem>>, vector<128xf32>
    %broadcast_in_dim3A = vector.shape_cast %get3A_7 : vector<128xf32> to vector<1x128xf32>
    %add3A = vector.broadcast %broadcast_in_dim3A : vector<1x128xf32> to vector<1000x128xf32>
    %add3A_8 = arith.addf %dot_general3A_5, %add3A : vector<1000x128xf32>
    %jit3A = arith.constant 0.00999999977 : f32
    %ge3A = arith.constant 0.000000e+00 : f32
    %ge3A_9 = vector.broadcast %ge3A : f32 to vector<1000x128xf32>
    %ge3A_10 = arith.cmpf oge, %add3A_8, %ge3A_9 : vector<1000x128xf32>
    %mul3A = vector.broadcast %jit3A : f32 to vector<1000x128xf32>
    %mul3A_11 = arith.mulf %mul3A, %add3A_8 : vector<1000x128xf32>
    %select_n3A = arith.select %ge3A_10, %add3A_8, %mul3A_11 : vector<1000x128xi1>, vector<1000x128xf32>
    %swap3A = arith.constant 0 : index
    %swap3A_12 = arith.constant 0 : index
    %swap3A_13 = vector.load %arg6[%swap3A, %swap3A_12] : memref<1000x128xf32, #tpu.memory_space<vmem>>, vector<1000x128xf32>
    tpu.vector_store %arg6[%swap3A, %swap3A_12], %select_n3A {strides = array<i32>} : memref<1000x128xf32, #tpu.memory_space<vmem>>, vector<1000x128xf32>,
    %get3A_14 = arith.constant 0 : index
    %get3A_15 = arith.constant 0 : index
    %get3A_16 = vector.load %arg4[%get3A_14, %get3A_15] : memref<128x128xf32, #tpu.memory_space<vmem>>, vector<128x128xf32>
    %dot_general3A_17 = arith.constant dense<0.000000e+00> : vector<1000x128xf32>
    %dot_general3A_18 = tpu.matmul %select_n3A, %get3A_16, %dot_general3A_17 {dimension_numbers = #tpu.dot_dimension_numbers<[1], [0], [0], [1], [0, 0, 1, 1], [], []>, precision = #tpu.contract_precision<fp32>, transpose_lhs_hint = false} : vector<1000x128xf32>, vector<128x128xf32>, vector<1000x128xf32> -> vector<1000x128xf32>
    %swap3A_19 = arith.constant 0 : index
    %swap3A_20 = arith.constant 0 : index
    %swap3A_21 = vector.load %arg7[%swap3A_19, %swap3A_20] : memref<1000x128xf32, #tpu.memory_space<vmem>>, vector<1000x128xf32>
    tpu.vector_store %arg7[%swap3A_19, %swap3A_20], %dot_general3A_18 {strides = array<i32>} : memref<1000x128xf32, #tpu.memory_space<vmem>>, vector<1000x128xf32>,
    %get3A_22 = arith.constant 0 : index
    %get3A_23 = arith.constant 0 : index
    %get3A_24 = vector.load %arg5[%get3A_22, %get3A_23] : memref<128x128xf32, #tpu.memory_space<vmem>>, vector<128x128xf32>
    %dot_general3A_25 = arith.constant dense<0.000000e+00> : vector<1000x128xf32>
    %dot_general3A_26 = tpu.matmul %select_n3A, %get3A_24, %dot_general3A_25 {dimension_numbers = #tpu.dot_dimension_numbers<[1], [0], [0], [1], [0, 0, 1, 1], [], []>, precision = #tpu.contract_precision<fp32>, transpose_lhs_hint = false} : vector<1000x128xf32>, vector<128x128xf32>, vector<1000x128xf32> -> vector<1000x128xf32>
    %swap3A_27 = arith.constant 0 : index
    %swap3A_28 = arith.constant 0 : index
    %swap3A_29 = vector.load %arg8[%swap3A_27, %swap3A_28] : memref<1000x128xf32, #tpu.memory_space<vmem>>, vector<1000x128xf32>
    tpu.vector_store %arg8[%swap3A_27, %swap3A_28], %dot_general3A_26 {strides = array<i32>} : memref<1000x128xf32, #tpu.memory_space<vmem>>, vector<1000x128xf32>,
    return
  }
  func.func @transform_0(%arg0: i32) -> (i32, i32) {
    %c0_i32 = arith.constant 0 : i32
    %c0_i32_0 = arith.constant 0 : i32
    return %arg0, %c0_i32 : i32, i32
  }
  func.func @transform_1(%arg0: i32) -> (i32, i32) {
    %c0_i32 = arith.constant 0 : i32
    %c0_i32_0 = arith.constant 0 : i32
    %c0_i32_1 = arith.constant 0 : i32
    return %c0_i32, %c0_i32_0 : i32, i32
  }
  func.func @transform_2(%arg0: i32) -> i32 {
    %c0_i32 = arith.constant 0 : i32
    %c0_i32_0 = arith.constant 0 : i32
    return %c0_i32 : i32
  }
  func.func @transform_3(%arg0: i32) -> (i32, i32) {
    %c0_i32 = arith.constant 0 : i32
    %c0_i32_0 = arith.constant 0 : i32
    %c0_i32_1 = arith.constant 0 : i32
    return %c0_i32, %c0_i32_0 : i32, i32
  }
  func.func @transform_4(%arg0: i32) -> (i32, i32) {
    %c0_i32 = arith.constant 0 : i32
    %c0_i32_0 = arith.constant 0 : i32
    %c0_i32_1 = arith.constant 0 : i32
    return %c0_i32, %c0_i32_0 : i32, i32
  }
  func.func @transform_5(%arg0: i32) -> (i32, i32) {
    %c0_i32 = arith.constant 0 : i32
    %c0_i32_0 = arith.constant 0 : i32
    return %arg0, %c0_i32 : i32, i32
  }
  func.func @transform_6(%arg0: i32) -> (i32, i32) {
    %c0_i32 = arith.constant 0 : i32
    %c0_i32_0 = arith.constant 0 : i32
    return %arg0, %c0_i32 : i32, i32
  }
  func.func @transform_7(%arg0: i32) -> (i32, i32) {
    %c0_i32 = arith.constant 0 : i32
    %c0_i32_0 = arith.constant 0 : i32
    return %arg0, %c0_i32 : i32, i32
  }
}

module attributes {stable_mosaic.version = 14 : i64} {
  func.func @_tcr_body(%arg0: i32, %arg1: memref<2x1000x128xf32, #tpu.memory_space<vmem>>, %arg2: memref<1000x1xf32, #tpu.memory_space<vmem>>) attributes {dimension_semantics = [#tpu.dimension_semantics<arbitrary>], iteration_bounds = array<i64: 10>, scalar_prefetch = 0 : i64, scratch_operands = 0 : i64, tpu.core_type = #tpu.core_type<tc>, window_params = [{transform_indices = @transform_0, window_bounds = array<i64: 2, 1000, 128>}, {transform_indices = @transform_1, window_bounds = array<i64: 1000, 1>}]} {
    %get3A = arith.constant 0 : index
    %get3A_0 = arith.constant 0 : index
    %get3A_1 = arith.constant 0 : index
    %get3A_2 = vector.load %arg1[%get3A, %get3A_0, %get3A_1] : memref<2x1000x128xf32, #tpu.memory_space<vmem>>, vector<2x1000x128xf32>
    %slice3A = vector.extract_strided_slice %get3A_2 {offsets = [0, 0, 0], sizes = [1, 1000, 1], strides = [1, 1, 1]} : vector<2x1000x128xf32> to vector<1x1000x1xf32>
    %squeeze3A = vector.shape_cast %slice3A : vector<1x1000x1xf32> to vector<1000xf32>
    %slice3A_3 = vector.extract_strided_slice %get3A_2 {offsets = [1, 0, 0], sizes = [1, 1000, 1], strides = [1, 1, 1]} : vector<2x1000x128xf32> to vector<1x1000x1xf32>
    %squeeze3A_4 = vector.shape_cast %slice3A_3 : vector<1x1000x1xf32> to vector<1000xf32>
    %add3A = arith.addf %squeeze3A, %squeeze3A_4 : vector<1000xf32>
    %broadcast_in_dim3A = vector.shape_cast %add3A : vector<1000xf32> to vector<1000x1xf32>
    %swap3A = arith.constant 0 : index
    %swap3A_5 = arith.constant 0 : index
    %swap3A_6 = vector.load %arg2[%swap3A, %swap3A_5] : memref<1000x1xf32, #tpu.memory_space<vmem>>, vector<1000x1xf32>
    tpu.vector_store %arg2[%swap3A, %swap3A_5], %broadcast_in_dim3A {strides = array<i32>} : memref<1000x1xf32, #tpu.memory_space<vmem>>, vector<1000x1xf32>,
    return
  }
  func.func @transform_0(%arg0: i32) -> (i32, i32, i32) {
    %c0_i32 = arith.constant 0 : i32
    %c0_i32_0 = arith.constant 0 : i32
    %c0_i32_1 = arith.constant 0 : i32
    return %c0_i32, %arg0, %c0_i32_0 : i32, i32, i32
  }
  func.func @transform_1(%arg0: i32) -> (i32, i32) {
    %c0_i32 = arith.constant 0 : i32
    %c0_i32_0 = arith.constant 0 : i32
    return %arg0, %c0_i32 : i32, i32
  }
}

module attributes {stable_mosaic.version = 14 : i64} {
  func.func @_tcb_body(%arg0: i32, %arg1: memref<2x1000x128xf32, #tpu.memory_space<vmem>>, %arg2: memref<1000x1xf32, #tpu.memory_space<vmem>>, %arg3: memref<1000x128xf32, #tpu.memory_space<vmem>>, %arg4: memref<128xf32, #tpu.memory_space<vmem>>, %arg5: memref<128xf32, #tpu.memory_space<vmem>>, %arg6: memref<128x128xf32, #tpu.memory_space<vmem>>, %arg7: memref<128x128xf32, #tpu.memory_space<vmem>>, %arg8: memref<128x128xf32, #tpu.memory_space<vmem>>, %arg9: memref<128x128xf32, #tpu.memory_space<vmem>>, %arg10: memref<1000x128xf32, #tpu.memory_space<vmem>>, %arg11: memref<1000x128xf32, #tpu.memory_space<vmem>>, %arg12: memref<1000x128xf32, #tpu.memory_space<vmem>>, %arg13: memref<1000x128xf32, #tpu.memory_space<vmem>>, %arg14: memref<1000x128xf32, #tpu.memory_space<vmem>>) attributes {dimension_semantics = [#tpu.dimension_semantics<arbitrary>], iteration_bounds = array<i64: 10>, scalar_prefetch = 0 : i64, scratch_operands = 0 : i64, tpu.core_type = #tpu.core_type<tc>, window_params = [{transform_indices = @transform_0, window_bounds = array<i64: 2, 1000, 128>}, {transform_indices = @transform_1, window_bounds = array<i64: 1000, 1>}, {transform_indices = @transform_2, window_bounds = array<i64: 1000, 128>}, {pipeline_mode = #tpu.pipeline_mode<synchronous>, transform_indices = @transform_3, window_bounds = array<i64: 128>}, {pipeline_mode = #tpu.pipeline_mode<synchronous>, transform_indices = @transform_4, window_bounds = array<i64: 128>}, {pipeline_mode = #tpu.pipeline_mode<synchronous>, transform_indices = @transform_5, window_bounds = array<i64: 128, 128>}, {pipeline_mode = #tpu.pipeline_mode<synchronous>, transform_indices = @transform_6, window_bounds = array<i64: 128, 128>}, {pipeline_mode = #tpu.pipeline_mode<synchronous>, transform_indices = @transform_7, window_bounds = array<i64: 128, 128>}, {pipeline_mode = #tpu.pipeline_mode<synchronous>, transform_indices = @transform_8, window_bounds = array<i64: 128, 128>}, {transform_indices = @transform_9, window_bounds = array<i64: 1000, 128>}, {transform_indices = @transform_10, window_bounds = array<i64: 1000, 128>}, {transform_indices = @transform_11, window_bounds = array<i64: 1000, 128>}, {transform_indices = @transform_12, window_bounds = array<i64: 1000, 128>}, {transform_indices = @transform_13, window_bounds = array<i64: 1000, 128>}]} {
    %get3A = arith.constant 0 : index
    %get3A_0 = arith.constant 0 : index
    %get3A_1 = arith.constant 0 : index
    %get3A_2 = vector.load %arg1[%get3A, %get3A_0, %get3A_1] : memref<2x1000x128xf32, #tpu.memory_space<vmem>>, vector<1x1000x128xf32>
    %get3A_3 = vector.shape_cast %get3A_2 : vector<1x1000x128xf32> to vector<1000x128xf32>
    %get3A_4 = arith.constant 1 : index
    %get3A_5 = arith.constant 0 : index
    %get3A_6 = arith.constant 0 : index
    %get3A_7 = vector.load %arg1[%get3A_4, %get3A_5, %get3A_6] : memref<2x1000x128xf32, #tpu.memory_space<vmem>>, vector<1x1000x128xf32>
    %get3A_8 = vector.shape_cast %get3A_7 : vector<1x1000x128xf32> to vector<1000x128xf32>
    %add3A = arith.addf %get3A_3, %get3A_8 : vector<1000x128xf32>
    %get3A_9 = arith.constant 0 : index
    %get3A_10 = arith.constant 0 : index
    %get3A_11 = vector.load %arg2[%get3A_9, %get3A_10] : memref<1000x1xf32, #tpu.memory_space<vmem>>, vector<1000x1xf32>
    %add3A_12 = arith.constant 1.000000e-07 : f32
    %add3A_13 = vector.broadcast %add3A_12 : f32 to vector<1000x1xf32>
    %add3A_14 = arith.addf %get3A_11, %add3A_13 : vector<1000x1xf32>
    %div3A = vector.broadcast %add3A_14 : vector<1000x1xf32> to vector<1000x128xf32>
    %div3A_15 = arith.divf %add3A, %div3A : vector<1000x128xf32>
    %jit3A = arith.constant 0.00999999977 : f32
    %ge3A = arith.constant 0.000000e+00 : f32
    %ge3A_16 = vector.broadcast %ge3A : f32 to vector<1000x128xf32>
    %ge3A_17 = arith.cmpf oge, %div3A_15, %ge3A_16 : vector<1000x128xf32>
    %mul3A = vector.broadcast %jit3A : f32 to vector<1000x128xf32>
    %mul3A_18 = arith.mulf %mul3A, %div3A_15 : vector<1000x128xf32>
    %select_n3A = arith.select %ge3A_17, %div3A_15, %mul3A_18 : vector<1000x128xi1>, vector<1000x128xf32>
    %get3A_19 = arith.constant 0 : index
    %get3A_20 = arith.constant 0 : index
    %get3A_21 = vector.load %arg3[%get3A_19, %get3A_20] : memref<1000x128xf32, #tpu.memory_space<vmem>>, vector<1000x128xf32>
    %add3A_22 = arith.addf %select_n3A, %get3A_21 : vector<1000x128xf32>
    %get3A_23 = arith.constant 0 : index
    %get3A_24 = vector.load %arg4[%get3A_23] : memref<128xf32, #tpu.memory_space<vmem>>, vector<128xf32>
    %get3A_25 = arith.constant 0 : index
    %get3A_26 = vector.load %arg5[%get3A_25] : memref<128xf32, #tpu.memory_space<vmem>>, vector<128xf32>
    %reduce_sum3A = arith.constant dense<0.000000e+00> : vector<1000xf32>
    %reduce_sum3A_27 = vector.multi_reduction <add>, %add3A_22, %reduce_sum3A [1] : vector<1000x128xf32> to vector<1000xf32>
    %broadcast_in_dim3A = vector.shape_cast %reduce_sum3A_27 : vector<1000xf32> to vector<1000x1xf32>
    %div3A_28 = arith.constant 1.280000e+02 : f32
    %div3A_29 = vector.broadcast %div3A_28 : f32 to vector<1000x1xf32>
    %div3A_30 = arith.divf %broadcast_in_dim3A, %div3A_29 : vector<1000x1xf32>
    %sub3A = vector.broadcast %div3A_30 : vector<1000x1xf32> to vector<1000x128xf32>
    %sub3A_31 = arith.subf %add3A_22, %sub3A : vector<1000x128xf32>
    %mul3A_32 = arith.mulf %sub3A_31, %sub3A_31 : vector<1000x128xf32>
    %reduce_sum3A_33 = arith.constant dense<0.000000e+00> : vector<1000xf32>
    %reduce_sum3A_34 = vector.multi_reduction <add>, %mul3A_32, %reduce_sum3A_33 [1] : vector<1000x128xf32> to vector<1000xf32>
    %broadcast_in_dim3A_35 = vector.shape_cast %reduce_sum3A_34 : vector<1000xf32> to vector<1000x1xf32>
    %div3A_36 = arith.constant 1.280000e+02 : f32
    %div3A_37 = vector.broadcast %div3A_36 : f32 to vector<1000x1xf32>
    %div3A_38 = arith.divf %broadcast_in_dim3A_35, %div3A_37 : vector<1000x1xf32>
    %add3A_39 = arith.constant 9.99999974E-6 : f32
    %add3A_40 = vector.broadcast %add3A_39 : f32 to vector<1000x1xf32>
    %add3A_41 = arith.addf %div3A_38, %add3A_40 : vector<1000x1xf32>
    %rsqrt3A = math.rsqrt %add3A_41 : vector<1000x1xf32>
    %mul3A_42 = vector.broadcast %rsqrt3A : vector<1000x1xf32> to vector<1000x128xf32>
    %mul3A_43 = arith.mulf %sub3A_31, %mul3A_42 : vector<1000x128xf32>
    %broadcast_in_dim3A_44 = vector.shape_cast %get3A_24 : vector<128xf32> to vector<1x128xf32>
    %mul3A_45 = vector.broadcast %broadcast_in_dim3A_44 : vector<1x128xf32> to vector<1000x128xf32>
    %mul3A_46 = arith.mulf %mul3A_43, %mul3A_45 : vector<1000x128xf32>
    %broadcast_in_dim3A_47 = vector.shape_cast %get3A_26 : vector<128xf32> to vector<1x128xf32>
    %add3A_48 = vector.broadcast %broadcast_in_dim3A_47 : vector<1x128xf32> to vector<1000x128xf32>
    %add3A_49 = arith.addf %mul3A_46, %add3A_48 : vector<1000x128xf32>
    %swap3A = arith.constant 0 : index
    %swap3A_50 = arith.constant 0 : index
    %swap3A_51 = vector.load %arg10[%swap3A, %swap3A_50] : memref<1000x128xf32, #tpu.memory_space<vmem>>, vector<1000x128xf32>
    tpu.vector_store %arg10[%swap3A, %swap3A_50], %add3A_49 {strides = array<i32>} : memref<1000x128xf32, #tpu.memory_space<vmem>>, vector<1000x128xf32>,
    %get3A_52 = arith.constant 0 : index
    %get3A_53 = arith.constant 0 : index
    %get3A_54 = vector.load %arg6[%get3A_52, %get3A_53] : memref<128x128xf32, #tpu.memory_space<vmem>>, vector<128x128xf32>
    %dot_general3A = arith.constant dense<0.000000e+00> : vector<1000x128xf32>
    %dot_general3A_55 = tpu.matmul %add3A_49, %get3A_54, %dot_general3A {dimension_numbers = #tpu.dot_dimension_numbers<[1], [0], [0], [1], [0, 0, 1, 1], [], []>, precision = #tpu.contract_precision<fp32>, transpose_lhs_hint = false} : vector<1000x128xf32>, vector<128x128xf32>, vector<1000x128xf32> -> vector<1000x128xf32>
    %swap3A_56 = arith.constant 0 : index
    %swap3A_57 = arith.constant 0 : index
    %swap3A_58 = vector.load %arg11[%swap3A_56, %swap3A_57] : memref<1000x128xf32, #tpu.memory_space<vmem>>, vector<1000x128xf32>
    tpu.vector_store %arg11[%swap3A_56, %swap3A_57], %dot_general3A_55 {strides = array<i32>} : memref<1000x128xf32, #tpu.memory_space<vmem>>, vector<1000x128xf32>,
    %get3A_59 = arith.constant 0 : index
    %get3A_60 = arith.constant 0 : index
    %get3A_61 = vector.load %arg7[%get3A_59, %get3A_60] : memref<128x128xf32, #tpu.memory_space<vmem>>, vector<128x128xf32>
    %dot_general3A_62 = arith.constant dense<0.000000e+00> : vector<1000x128xf32>
    %dot_general3A_63 = tpu.matmul %add3A_49, %get3A_61, %dot_general3A_62 {dimension_numbers = #tpu.dot_dimension_numbers<[1], [0], [0], [1], [0, 0, 1, 1], [], []>, precision = #tpu.contract_precision<fp32>, transpose_lhs_hint = false} : vector<1000x128xf32>, vector<128x128xf32>, vector<1000x128xf32> -> vector<1000x128xf32>
    %swap3A_64 = arith.constant 0 : index
    %swap3A_65 = arith.constant 0 : index
    %swap3A_66 = vector.load %arg12[%swap3A_64, %swap3A_65] : memref<1000x128xf32, #tpu.memory_space<vmem>>, vector<1000x128xf32>
    tpu.vector_store %arg12[%swap3A_64, %swap3A_65], %dot_general3A_63 {strides = array<i32>} : memref<1000x128xf32, #tpu.memory_space<vmem>>, vector<1000x128xf32>,
    %get3A_67 = arith.constant 0 : index
    %get3A_68 = arith.constant 0 : index
    %get3A_69 = vector.load %arg8[%get3A_67, %get3A_68] : memref<128x128xf32, #tpu.memory_space<vmem>>, vector<128x128xf32>
    %dot_general3A_70 = arith.constant dense<0.000000e+00> : vector<1000x128xf32>
    %dot_general3A_71 = tpu.matmul %add3A_49, %get3A_69, %dot_general3A_70 {dimension_numbers = #tpu.dot_dimension_numbers<[1], [0], [0], [1], [0, 0, 1, 1], [], []>, precision = #tpu.contract_precision<fp32>, transpose_lhs_hint = false} : vector<1000x128xf32>, vector<128x128xf32>, vector<1000x128xf32> -> vector<1000x128xf32>
    %swap3A_72 = arith.constant 0 : index
    %swap3A_73 = arith.constant 0 : index
    %swap3A_74 = vector.load %arg13[%swap3A_72, %swap3A_73] : memref<1000x128xf32, #tpu.memory_space<vmem>>, vector<1000x128xf32>
    tpu.vector_store %arg13[%swap3A_72, %swap3A_73], %dot_general3A_71 {strides = array<i32>} : memref<1000x128xf32, #tpu.memory_space<vmem>>, vector<1000x128xf32>,
    %get3A_75 = arith.constant 0 : index
    %get3A_76 = arith.constant 0 : index
    %get3A_77 = vector.load %arg9[%get3A_75, %get3A_76] : memref<128x128xf32, #tpu.memory_space<vmem>>, vector<128x128xf32>
    %dot_general3A_78 = arith.constant dense<0.000000e+00> : vector<1000x128xf32>
    %dot_general3A_79 = tpu.matmul %add3A_49, %get3A_77, %dot_general3A_78 {dimension_numbers = #tpu.dot_dimension_numbers<[1], [0], [0], [1], [0, 0, 1, 1], [], []>, precision = #tpu.contract_precision<fp32>, transpose_lhs_hint = false} : vector<1000x128xf32>, vector<128x128xf32>, vector<1000x128xf32> -> vector<1000x128xf32>
    %swap3A_80 = arith.constant 0 : index
    %swap3A_81 = arith.constant 0 : index
    %swap3A_82 = vector.load %arg14[%swap3A_80, %swap3A_81] : memref<1000x128xf32, #tpu.memory_space<vmem>>, vector<1000x128xf32>
    tpu.vector_store %arg14[%swap3A_80, %swap3A_81], %dot_general3A_79 {strides = array<i32>} : memref<1000x128xf32, #tpu.memory_space<vmem>>, vector<1000x128xf32>,
    return
  }
  func.func @transform_0(%arg0: i32) -> (i32, i32, i32) {
    %c0_i32 = arith.constant 0 : i32
    %c0_i32_0 = arith.constant 0 : i32
    %c0_i32_1 = arith.constant 0 : i32
    return %c0_i32, %arg0, %c0_i32_0 : i32, i32, i32
  }
  func.func @transform_1(%arg0: i32) -> (i32, i32) {
    %c0_i32 = arith.constant 0 : i32
    %c0_i32_0 = arith.constant 0 : i32
    return %arg0, %c0_i32 : i32, i32
  }
  func.func @transform_2(%arg0: i32) -> (i32, i32) {
    %c0_i32 = arith.constant 0 : i32
    %c0_i32_0 = arith.constant 0 : i32
    return %arg0, %c0_i32 : i32, i32
  }
  func.func @transform_3(%arg0: i32) -> i32 {
    %c0_i32 = arith.constant 0 : i32
    %c0_i32_0 = arith.constant 0 : i32
    return %c0_i32 : i32
  }
  func.func @transform_4(%arg0: i32) -> i32 {
    %c0_i32 = arith.constant 0 : i32
    %c0_i32_0 = arith.constant 0 : i32
    return %c0_i32 : i32
  }
  func.func @transform_5(%arg0: i32) -> (i32, i32) {
    %c0_i32 = arith.constant 0 : i32
    %c0_i32_0 = arith.constant 0 : i32
    %c0_i32_1 = arith.constant 0 : i32
    return %c0_i32, %c0_i32_0 : i32, i32
  }
  func.func @transform_6(%arg0: i32) -> (i32, i32) {
    %c0_i32 = arith.constant 0 : i32
    %c0_i32_0 = arith.constant 0 : i32
    %c0_i32_1 = arith.constant 0 : i32
    return %c0_i32, %c0_i32_0 : i32, i32
  }
  func.func @transform_7(%arg0: i32) -> (i32, i32) {
    %c0_i32 = arith.constant 0 : i32
    %c0_i32_0 = arith.constant 0 : i32
    %c0_i32_1 = arith.constant 0 : i32
    return %c0_i32, %c0_i32_0 : i32, i32
  }
  func.func @transform_8(%arg0: i32) -> (i32, i32) {
    %c0_i32 = arith.constant 0 : i32
    %c0_i32_0 = arith.constant 0 : i32
    %c0_i32_1 = arith.constant 0 : i32
    return %c0_i32, %c0_i32_0 : i32, i32
  }
  func.func @transform_9(%arg0: i32) -> (i32, i32) {
    %c0_i32 = arith.constant 0 : i32
    %c0_i32_0 = arith.constant 0 : i32
    return %arg0, %c0_i32 : i32, i32
  }
  func.func @transform_10(%arg0: i32) -> (i32, i32) {
    %c0_i32 = arith.constant 0 : i32
    %c0_i32_0 = arith.constant 0 : i32
    return %arg0, %c0_i32 : i32, i32
  }
  func.func @transform_11(%arg0: i32) -> (i32, i32) {
    %c0_i32 = arith.constant 0 : i32
    %c0_i32_0 = arith.constant 0 : i32
    return %arg0, %c0_i32 : i32, i32
  }
  func.func @transform_12(%arg0: i32) -> (i32, i32) {
    %c0_i32 = arith.constant 0 : i32
    %c0_i32_0 = arith.constant 0 : i32
    return %arg0, %c0_i32 : i32, i32
  }
  func.func @transform_13(%arg0: i32) -> (i32, i32) {
    %c0_i32 = arith.constant 0 : i32
    %c0_i32_0 = arith.constant 0 : i32
    return %arg0, %c0_i32 : i32, i32
  }
}

module attributes {stable_mosaic.version = 14 : i64} {
  func.func @_tcc_body(%arg0: i32, %arg1: memref<2048x128xf32, #tpu.memory_space<vmem>>, %arg2: memref<2048x128xf32, #tpu.memory_space<vmem>>, %arg3: memref<128xf32, #tpu.memory_space<vmem>>, %arg4: memref<128xf32, #tpu.memory_space<vmem>>, %arg5: memref<128x128xf32, #tpu.memory_space<vmem>>, %arg6: memref<128xf32, #tpu.memory_space<vmem>>, %arg7: memref<128x128xf32, #tpu.memory_space<vmem>>, %arg8: memref<128xf32, #tpu.memory_space<vmem>>, %arg9: memref<2048x128xf32, #tpu.memory_space<vmem>>, %arg10: memref<2048x128xf32, #tpu.memory_space<vmem>>) attributes {dimension_semantics = [#tpu.dimension_semantics<arbitrary>], iteration_bounds = array<i64: 160>, scalar_prefetch = 0 : i64, scratch_operands = 0 : i64, tpu.core_type = #tpu.core_type<tc>, window_params = [{transform_indices = @transform_0, window_bounds = array<i64: 2048, 128>}, {transform_indices = @transform_1, window_bounds = array<i64: 2048, 128>}, {pipeline_mode = #tpu.pipeline_mode<synchronous>, transform_indices = @transform_2, window_bounds = array<i64: 128>}, {pipeline_mode = #tpu.pipeline_mode<synchronous>, transform_indices = @transform_3, window_bounds = array<i64: 128>}, {pipeline_mode = #tpu.pipeline_mode<synchronous>, transform_indices = @transform_4, window_bounds = array<i64: 128, 128>}, {pipeline_mode = #tpu.pipeline_mode<synchronous>, transform_indices = @transform_5, window_bounds = array<i64: 128>}, {pipeline_mode = #tpu.pipeline_mode<synchronous>, transform_indices = @transform_6, window_bounds = array<i64: 128, 128>}, {pipeline_mode = #tpu.pipeline_mode<synchronous>, transform_indices = @transform_7, window_bounds = array<i64: 128>}, {transform_indices = @transform_8, window_bounds = array<i64: 2048, 128>}, {transform_indices = @transform_9, window_bounds = array<i64: 2048, 128>}]} {
    %get3A = arith.constant 0 : index
    %get3A_0 = arith.constant 0 : index
    %get3A_1 = vector.load %arg1[%get3A, %get3A_0] : memref<2048x128xf32, #tpu.memory_space<vmem>>, vector<2048x128xf32>
    %jit3A = arith.constant 0.00999999977 : f32
    %ge3A = arith.constant 0.000000e+00 : f32
    %ge3A_2 = vector.broadcast %ge3A : f32 to vector<2048x128xf32>
    %ge3A_3 = arith.cmpf oge, %get3A_1, %ge3A_2 : vector<2048x128xf32>
    %mul3A = vector.broadcast %jit3A : f32 to vector<2048x128xf32>
    %mul3A_4 = arith.mulf %mul3A, %get3A_1 : vector<2048x128xf32>
    %select_n3A = arith.select %ge3A_3, %get3A_1, %mul3A_4 : vector<2048x128xi1>, vector<2048x128xf32>
    %get3A_5 = arith.constant 0 : index
    %get3A_6 = arith.constant 0 : index
    %get3A_7 = vector.load %arg2[%get3A_5, %get3A_6] : memref<2048x128xf32, #tpu.memory_space<vmem>>, vector<2048x128xf32>
    %add3A = arith.addf %select_n3A, %get3A_7 : vector<2048x128xf32>
    %get3A_8 = arith.constant 0 : index
    %get3A_9 = vector.load %arg3[%get3A_8] : memref<128xf32, #tpu.memory_space<vmem>>, vector<128xf32>
    %get3A_10 = arith.constant 0 : index
    %get3A_11 = vector.load %arg4[%get3A_10] : memref<128xf32, #tpu.memory_space<vmem>>, vector<128xf32>
    %reduce_sum3A = arith.constant dense<0.000000e+00> : vector<2048xf32>
    %reduce_sum3A_12 = vector.multi_reduction <add>, %add3A, %reduce_sum3A [1] : vector<2048x128xf32> to vector<2048xf32>
    %broadcast_in_dim3A = vector.shape_cast %reduce_sum3A_12 : vector<2048xf32> to vector<2048x1xf32>
    %div3A = arith.constant 1.280000e+02 : f32
    %div3A_13 = vector.broadcast %div3A : f32 to vector<2048x1xf32>
    %div3A_14 = arith.divf %broadcast_in_dim3A, %div3A_13 : vector<2048x1xf32>
    %sub3A = vector.broadcast %div3A_14 : vector<2048x1xf32> to vector<2048x128xf32>
    %sub3A_15 = arith.subf %add3A, %sub3A : vector<2048x128xf32>
    %mul3A_16 = arith.mulf %sub3A_15, %sub3A_15 : vector<2048x128xf32>
    %reduce_sum3A_17 = arith.constant dense<0.000000e+00> : vector<2048xf32>
    %reduce_sum3A_18 = vector.multi_reduction <add>, %mul3A_16, %reduce_sum3A_17 [1] : vector<2048x128xf32> to vector<2048xf32>
    %broadcast_in_dim3A_19 = vector.shape_cast %reduce_sum3A_18 : vector<2048xf32> to vector<2048x1xf32>
    %div3A_20 = arith.constant 1.280000e+02 : f32
    %div3A_21 = vector.broadcast %div3A_20 : f32 to vector<2048x1xf32>
    %div3A_22 = arith.divf %broadcast_in_dim3A_19, %div3A_21 : vector<2048x1xf32>
    %add3A_23 = arith.constant 9.99999974E-6 : f32
    %add3A_24 = vector.broadcast %add3A_23 : f32 to vector<2048x1xf32>
    %add3A_25 = arith.addf %div3A_22, %add3A_24 : vector<2048x1xf32>
    %rsqrt3A = math.rsqrt %add3A_25 : vector<2048x1xf32>
    %mul3A_26 = vector.broadcast %rsqrt3A : vector<2048x1xf32> to vector<2048x128xf32>
    %mul3A_27 = arith.mulf %sub3A_15, %mul3A_26 : vector<2048x128xf32>
    %broadcast_in_dim3A_28 = vector.shape_cast %get3A_9 : vector<128xf32> to vector<1x128xf32>
    %mul3A_29 = vector.broadcast %broadcast_in_dim3A_28 : vector<1x128xf32> to vector<2048x128xf32>
    %mul3A_30 = arith.mulf %mul3A_27, %mul3A_29 : vector<2048x128xf32>
    %broadcast_in_dim3A_31 = vector.shape_cast %get3A_11 : vector<128xf32> to vector<1x128xf32>
    %add3A_32 = vector.broadcast %broadcast_in_dim3A_31 : vector<1x128xf32> to vector<2048x128xf32>
    %add3A_33 = arith.addf %mul3A_30, %add3A_32 : vector<2048x128xf32>
    %get3A_34 = arith.constant 0 : index
    %get3A_35 = arith.constant 0 : index
    %get3A_36 = vector.load %arg5[%get3A_34, %get3A_35] : memref<128x128xf32, #tpu.memory_space<vmem>>, vector<128x128xf32>
    %dot_general3A = arith.constant dense<0.000000e+00> : vector<2048x128xf32>
    %dot_general3A_37 = tpu.matmul %add3A_33, %get3A_36, %dot_general3A {dimension_numbers = #tpu.dot_dimension_numbers<[1], [0], [0], [1], [0, 0, 1, 1], [], []>, precision = #tpu.contract_precision<fp32>, transpose_lhs_hint = false} : vector<2048x128xf32>, vector<128x128xf32>, vector<2048x128xf32> -> vector<2048x128xf32>
    %get3A_38 = arith.constant 0 : index
    %get3A_39 = vector.load %arg6[%get3A_38] : memref<128xf32, #tpu.memory_space<vmem>>, vector<128xf32>
    %broadcast_in_dim3A_40 = vector.shape_cast %get3A_39 : vector<128xf32> to vector<1x128xf32>
    %add3A_41 = vector.broadcast %broadcast_in_dim3A_40 : vector<1x128xf32> to vector<2048x128xf32>
    %add3A_42 = arith.addf %dot_general3A_37, %add3A_41 : vector<2048x128xf32>
    %swap3A = arith.constant 0 : index
    %swap3A_43 = arith.constant 0 : index
    %swap3A_44 = vector.load %arg9[%swap3A, %swap3A_43] : memref<2048x128xf32, #tpu.memory_space<vmem>>, vector<2048x128xf32>
    tpu.vector_store %arg9[%swap3A, %swap3A_43], %add3A_42 {strides = array<i32>} : memref<2048x128xf32, #tpu.memory_space<vmem>>, vector<2048x128xf32>,
    %get3A_45 = arith.constant 0 : index
    %get3A_46 = arith.constant 0 : index
    %get3A_47 = vector.load %arg7[%get3A_45, %get3A_46] : memref<128x128xf32, #tpu.memory_space<vmem>>, vector<128x128xf32>
    %dot_general3A_48 = arith.constant dense<0.000000e+00> : vector<2048x128xf32>
    %dot_general3A_49 = tpu.matmul %add3A_33, %get3A_47, %dot_general3A_48 {dimension_numbers = #tpu.dot_dimension_numbers<[1], [0], [0], [1], [0, 0, 1, 1], [], []>, precision = #tpu.contract_precision<fp32>, transpose_lhs_hint = false} : vector<2048x128xf32>, vector<128x128xf32>, vector<2048x128xf32> -> vector<2048x128xf32>
    %get3A_50 = arith.constant 0 : index
    %get3A_51 = vector.load %arg8[%get3A_50] : memref<128xf32, #tpu.memory_space<vmem>>, vector<128xf32>
    %broadcast_in_dim3A_52 = vector.shape_cast %get3A_51 : vector<128xf32> to vector<1x128xf32>
    %add3A_53 = vector.broadcast %broadcast_in_dim3A_52 : vector<1x128xf32> to vector<2048x128xf32>
    %add3A_54 = arith.addf %dot_general3A_49, %add3A_53 : vector<2048x128xf32>
    %swap3A_55 = arith.constant 0 : index
    %swap3A_56 = arith.constant 0 : index
    %swap3A_57 = vector.load %arg10[%swap3A_55, %swap3A_56] : memref<2048x128xf32, #tpu.memory_space<vmem>>, vector<2048x128xf32>
    tpu.vector_store %arg10[%swap3A_55, %swap3A_56], %add3A_54 {strides = array<i32>} : memref<2048x128xf32, #tpu.memory_space<vmem>>, vector<2048x128xf32>,
    return
  }
  func.func @transform_0(%arg0: i32) -> (i32, i32) {
    %c0_i32 = arith.constant 0 : i32
    %c0_i32_0 = arith.constant 0 : i32
    return %arg0, %c0_i32 : i32, i32
  }
  func.func @transform_1(%arg0: i32) -> (i32, i32) {
    %c0_i32 = arith.constant 0 : i32
    %c0_i32_0 = arith.constant 0 : i32
    return %arg0, %c0_i32 : i32, i32
  }
  func.func @transform_2(%arg0: i32) -> i32 {
    %c0_i32 = arith.constant 0 : i32
    %c0_i32_0 = arith.constant 0 : i32
    return %c0_i32 : i32
  }
  func.func @transform_3(%arg0: i32) -> i32 {
    %c0_i32 = arith.constant 0 : i32
    %c0_i32_0 = arith.constant 0 : i32
    return %c0_i32 : i32
  }
  func.func @transform_4(%arg0: i32) -> (i32, i32) {
    %c0_i32 = arith.constant 0 : i32
    %c0_i32_0 = arith.constant 0 : i32
    %c0_i32_1 = arith.constant 0 : i32
    return %c0_i32, %c0_i32_0 : i32, i32
  }
  func.func @transform_5(%arg0: i32) -> i32 {
    %c0_i32 = arith.constant 0 : i32
    %c0_i32_0 = arith.constant 0 : i32
    return %c0_i32 : i32
  }
  func.func @transform_6(%arg0: i32) -> (i32, i32) {
    %c0_i32 = arith.constant 0 : i32
    %c0_i32_0 = arith.constant 0 : i32
    %c0_i32_1 = arith.constant 0 : i32
    return %c0_i32, %c0_i32_0 : i32, i32
  }
  func.func @transform_7(%arg0: i32) -> i32 {
    %c0_i32 = arith.constant 0 : i32
    %c0_i32_0 = arith.constant 0 : i32
    return %c0_i32 : i32
  }
  func.func @transform_8(%arg0: i32) -> (i32, i32) {
    %c0_i32 = arith.constant 0 : i32
    %c0_i32_0 = arith.constant 0 : i32
    return %arg0, %c0_i32 : i32, i32
  }
  func.func @transform_9(%arg0: i32) -> (i32, i32) {
    %c0_i32 = arith.constant 0 : i32
    %c0_i32_0 = arith.constant 0 : i32
    return %arg0, %c0_i32 : i32, i32
  }
}

module attributes {stable_mosaic.version = 14 : i64} {
  func.func @_tcd_body(%arg0: i32, %arg1: memref<2x1000x128xf32, #tpu.memory_space<vmem>>, %arg2: memref<1000x1xf32, #tpu.memory_space<vmem>>, %arg3: memref<1000x128xf32, #tpu.memory_space<vmem>>, %arg4: memref<128xf32, #tpu.memory_space<vmem>>, %arg5: memref<128xf32, #tpu.memory_space<vmem>>, %arg6: memref<1000x128xf32, #tpu.memory_space<vmem>>) attributes {dimension_semantics = [#tpu.dimension_semantics<arbitrary>], iteration_bounds = array<i64: 10>, scalar_prefetch = 0 : i64, scratch_operands = 0 : i64, tpu.core_type = #tpu.core_type<tc>, window_params = [{transform_indices = @transform_0, window_bounds = array<i64: 2, 1000, 128>}, {transform_indices = @transform_1, window_bounds = array<i64: 1000, 1>}, {transform_indices = @transform_2, window_bounds = array<i64: 1000, 128>}, {pipeline_mode = #tpu.pipeline_mode<synchronous>, transform_indices = @transform_3, window_bounds = array<i64: 128>}, {pipeline_mode = #tpu.pipeline_mode<synchronous>, transform_indices = @transform_4, window_bounds = array<i64: 128>}, {transform_indices = @transform_5, window_bounds = array<i64: 1000, 128>}]} {
    %get3A = arith.constant 0 : index
    %get3A_0 = arith.constant 0 : index
    %get3A_1 = arith.constant 0 : index
    %get3A_2 = vector.load %arg1[%get3A, %get3A_0, %get3A_1] : memref<2x1000x128xf32, #tpu.memory_space<vmem>>, vector<1x1000x128xf32>
    %get3A_3 = vector.shape_cast %get3A_2 : vector<1x1000x128xf32> to vector<1000x128xf32>
    %get3A_4 = arith.constant 1 : index
    %get3A_5 = arith.constant 0 : index
    %get3A_6 = arith.constant 0 : index
    %get3A_7 = vector.load %arg1[%get3A_4, %get3A_5, %get3A_6] : memref<2x1000x128xf32, #tpu.memory_space<vmem>>, vector<1x1000x128xf32>
    %get3A_8 = vector.shape_cast %get3A_7 : vector<1x1000x128xf32> to vector<1000x128xf32>
    %add3A = arith.addf %get3A_3, %get3A_8 : vector<1000x128xf32>
    %get3A_9 = arith.constant 0 : index
    %get3A_10 = arith.constant 0 : index
    %get3A_11 = vector.load %arg2[%get3A_9, %get3A_10] : memref<1000x1xf32, #tpu.memory_space<vmem>>, vector<1000x1xf32>
    %add3A_12 = arith.constant 1.000000e-07 : f32
    %add3A_13 = vector.broadcast %add3A_12 : f32 to vector<1000x1xf32>
    %add3A_14 = arith.addf %get3A_11, %add3A_13 : vector<1000x1xf32>
    %div3A = vector.broadcast %add3A_14 : vector<1000x1xf32> to vector<1000x128xf32>
    %div3A_15 = arith.divf %add3A, %div3A : vector<1000x128xf32>
    %jit3A = arith.constant 0.00999999977 : f32
    %ge3A = arith.constant 0.000000e+00 : f32
    %ge3A_16 = vector.broadcast %ge3A : f32 to vector<1000x128xf32>
    %ge3A_17 = arith.cmpf oge, %div3A_15, %ge3A_16 : vector<1000x128xf32>
    %mul3A = vector.broadcast %jit3A : f32 to vector<1000x128xf32>
    %mul3A_18 = arith.mulf %mul3A, %div3A_15 : vector<1000x128xf32>
    %select_n3A = arith.select %ge3A_17, %div3A_15, %mul3A_18 : vector<1000x128xi1>, vector<1000x128xf32>
    %get3A_19 = arith.constant 0 : index
    %get3A_20 = arith.constant 0 : index
    %get3A_21 = vector.load %arg3[%get3A_19, %get3A_20] : memref<1000x128xf32, #tpu.memory_space<vmem>>, vector<1000x128xf32>
    %add3A_22 = arith.addf %select_n3A, %get3A_21 : vector<1000x128xf32>
    %get3A_23 = arith.constant 0 : index
    %get3A_24 = vector.load %arg4[%get3A_23] : memref<128xf32, #tpu.memory_space<vmem>>, vector<128xf32>
    %get3A_25 = arith.constant 0 : index
    %get3A_26 = vector.load %arg5[%get3A_25] : memref<128xf32, #tpu.memory_space<vmem>>, vector<128xf32>
    %reduce_sum3A = arith.constant dense<0.000000e+00> : vector<1000xf32>
    %reduce_sum3A_27 = vector.multi_reduction <add>, %add3A_22, %reduce_sum3A [1] : vector<1000x128xf32> to vector<1000xf32>
    %broadcast_in_dim3A = vector.shape_cast %reduce_sum3A_27 : vector<1000xf32> to vector<1000x1xf32>
    %div3A_28 = arith.constant 1.280000e+02 : f32
    %div3A_29 = vector.broadcast %div3A_28 : f32 to vector<1000x1xf32>
    %div3A_30 = arith.divf %broadcast_in_dim3A, %div3A_29 : vector<1000x1xf32>
    %sub3A = vector.broadcast %div3A_30 : vector<1000x1xf32> to vector<1000x128xf32>
    %sub3A_31 = arith.subf %add3A_22, %sub3A : vector<1000x128xf32>
    %mul3A_32 = arith.mulf %sub3A_31, %sub3A_31 : vector<1000x128xf32>
    %reduce_sum3A_33 = arith.constant dense<0.000000e+00> : vector<1000xf32>
    %reduce_sum3A_34 = vector.multi_reduction <add>, %mul3A_32, %reduce_sum3A_33 [1] : vector<1000x128xf32> to vector<1000xf32>
    %broadcast_in_dim3A_35 = vector.shape_cast %reduce_sum3A_34 : vector<1000xf32> to vector<1000x1xf32>
    %div3A_36 = arith.constant 1.280000e+02 : f32
    %div3A_37 = vector.broadcast %div3A_36 : f32 to vector<1000x1xf32>
    %div3A_38 = arith.divf %broadcast_in_dim3A_35, %div3A_37 : vector<1000x1xf32>
    %add3A_39 = arith.constant 9.99999974E-6 : f32
    %add3A_40 = vector.broadcast %add3A_39 : f32 to vector<1000x1xf32>
    %add3A_41 = arith.addf %div3A_38, %add3A_40 : vector<1000x1xf32>
    %rsqrt3A = math.rsqrt %add3A_41 : vector<1000x1xf32>
    %mul3A_42 = vector.broadcast %rsqrt3A : vector<1000x1xf32> to vector<1000x128xf32>
    %mul3A_43 = arith.mulf %sub3A_31, %mul3A_42 : vector<1000x128xf32>
    %broadcast_in_dim3A_44 = vector.shape_cast %get3A_24 : vector<128xf32> to vector<1x128xf32>
    %mul3A_45 = vector.broadcast %broadcast_in_dim3A_44 : vector<1x128xf32> to vector<1000x128xf32>
    %mul3A_46 = arith.mulf %mul3A_43, %mul3A_45 : vector<1000x128xf32>
    %broadcast_in_dim3A_47 = vector.shape_cast %get3A_26 : vector<128xf32> to vector<1x128xf32>
    %add3A_48 = vector.broadcast %broadcast_in_dim3A_47 : vector<1x128xf32> to vector<1000x128xf32>
    %add3A_49 = arith.addf %mul3A_46, %add3A_48 : vector<1000x128xf32>
    %swap3A = arith.constant 0 : index
    %swap3A_50 = arith.constant 0 : index
    %swap3A_51 = vector.load %arg6[%swap3A, %swap3A_50] : memref<1000x128xf32, #tpu.memory_space<vmem>>, vector<1000x128xf32>
    tpu.vector_store %arg6[%swap3A, %swap3A_50], %add3A_49 {strides = array<i32>} : memref<1000x128xf32, #tpu.memory_space<vmem>>, vector<1000x128xf32>,
    return
  }
  func.func @transform_0(%arg0: i32) -> (i32, i32, i32) {
    %c0_i32 = arith.constant 0 : i32
    %c0_i32_0 = arith.constant 0 : i32
    %c0_i32_1 = arith.constant 0 : i32
    return %c0_i32, %arg0, %c0_i32_0 : i32, i32, i32
  }
  func.func @transform_1(%arg0: i32) -> (i32, i32) {
    %c0_i32 = arith.constant 0 : i32
    %c0_i32_0 = arith.constant 0 : i32
    return %arg0, %c0_i32 : i32, i32
  }
  func.func @transform_2(%arg0: i32) -> (i32, i32) {
    %c0_i32 = arith.constant 0 : i32
    %c0_i32_0 = arith.constant 0 : i32
    return %arg0, %c0_i32 : i32, i32
  }
  func.func @transform_3(%arg0: i32) -> i32 {
    %c0_i32 = arith.constant 0 : i32
    %c0_i32_0 = arith.constant 0 : i32
    return %c0_i32 : i32
  }
  func.func @transform_4(%arg0: i32) -> i32 {
    %c0_i32 = arith.constant 0 : i32
    %c0_i32_0 = arith.constant 0 : i32
    return %c0_i32 : i32
  }
  func.func @transform_5(%arg0: i32) -> (i32, i32) {
    %c0_i32 = arith.constant 0 : i32
    %c0_i32_0 = arith.constant 0 : i32
    return %arg0, %c0_i32 : i32, i32
  }
}

</mosaic_0001>

<sc_bundles>
// kernel: kernel.12.cloned.1.call-start
scs
__scs_entry_jumppad:
0x0: {  	(pc) =	sbr.rel $0x88, $3  }
0x1: {  	(tag) =	ssettag $0x0;
	lr =	simm.s32 $0x1  }
0x2: {  	[smem:$0x3F8B] =	sst lr;
	_ =	strace $0xD0000000  }
0x3: {  	_ = 	snop  }
0x4: {  	_ = 	snop  }
0x5: {  	_ = 	snop  }
0x6: {  	_ = 	snop  }
0x7: {  	_ = 	snop  }
__scs_overlays_trampoline_lowered:
0x8: {  	[smem:$0x3F9A] =	sst s0  }
0x9: {  	[smem:$0x3F9B] =	sst s1  }
0xa: {  	[smem:$0x3F9C] =	sst s2  }
0xb: {  	[smem:$0x3F9D] =	sst s3  }
0xc: {  	[smem:$0x3F9E] =	sst s4  }
0xd: {  	[smem:$0x3F9F] =	sst s5  }
0xe: {  	[smem:$0x3FA0] =	sst s6  }
0xf: {  	[smem:$0x3FA1] =	sst s7  }
0x10: {  	[smem:$0x3FA2] =	sst s8  }
0x11: {  	[smem:$0x3FA3] =	sst s9;
	s0 =	simm.s32 @!p0 $0x0  }
0x12: {  	s1 =	sld [smem:$0x3F89];
	s0 =	simm.s32 @p0 $0x1  }
0x13: {  	[smem:$0x3FA4] =	sst s0;
	s0 =	simm.s32 @!p1 $0x0  }
0x14: {  	s2 =	sld [smem:$0x3F88];
	s0 =	simm.s32 @p1 $0x1  }
0x15: {  	[smem:$0x3FA5] =	sst s0;
	s0 =	simm.s32 @!p2 $0x0  }
0x16: {  	s3 =	sld [smem:$0x3FDB];
	s0 =	simm.s32 @p2 $0x1  }
0x17: {  	s4 =	simm.s32 $0x1BF5;
	[smem:$0x3FA7] =	sst s0  }
0x18: {  	s0 =	sld [smem:$0x3F8A];
	_ =	swait.ge [sflag:s4], $0x0  }
0x19: {  	s7 =	sld [smem:$0x3F8B]  }
0x1a: {  	s8 =	sadd.s32 $0xFFFFE003, lr  }
0x1b: {  	s9 =	sadd.s32 $0xFFFFFEF7, lr;
	s5 =	simm.s32 $0xFFFFFFFF;
	p2 =	slt.u32 s8, $0xFFFFF086  }
0x1c: {  	p1 =	slt.u32 s9, $0xF7A;
	s5 =	simm.s32 @!p2 $0x0  }
0x1d: {  	s5 =	simm.s32 @p1 $0x1;
	p0 =	seq.s32 s7, s2  }
0x1e: {  	s7 =	smul.u32 @!p0 $0xF7A, s2;
	p2 =	seq.s32 @!p0 s5, $0x0  }
0x1f: {  	s9 =	smul.u32 $0xF7A, s1;
	s8 =	simm.s32 @!p0 $0x1BF5;
	p2 =	por !p2, p0  }
0x20: {  	[sflag:s8] =	ssyncset.s32 @!p0 $0xFFFFF086;
	s6 =	sadd.s32 @!p0 s3, s7;
	s7 =	simm.s32 @!p0 $0x108  }
0x21: {  	s3 =	sadd.s32 s3, s9;
	s6 =	sadd.s32 @!p0 $0x88, s6;
	s7 =	simm.s32 @p2 $0x1082  }
0x22: {  	[simem:s7], [sflag:s8] =	dma.local @!p0 [hbm:s6], $0xF7A  }
0x23: {  	s9 =	sor.u32 $0xD0000000, s2;
	s6 =	simm.s32 $0x108;
	_ =	swait.ge @!p0 [sflag:s8], $0x0  }
0x24: {  	s3 =	sadd.s32 $0x88, s3;
	s6 =	simm.s32 @!p1 $0x1082;
	[sflag:s4] =	ssyncset.s32 $0xFFFFF086  }
0x25: {  	[simem:s6], [sflag:s4] =	dma.local [hbm:s3], $0xF7A  }
0x26: {  	[smem:$0x3F8B] =	sst s1;
	(tag) =	ssettag s2;
	_ =	strace s9  }
0x27: {  	s1 =	sld [smem:$0x3F9B]  }
0x28: {  	s2 =	sld [smem:$0x3F9C]  }
0x29: {  	s4 =	sld [smem:$0x3F9E]  }
0x2a: {  	p0 =	seq.s32 s5, $0x0;
	s5 =	sld [smem:$0x3F9F]  }
0x2b: {  	s6 =	sld [smem:$0x3FA0]  }
0x2c: {  	s7 =	sld [smem:$0x3FA1]  }
0x2d: {  	s3 =	simm.s32 $0x108;
	s8 =	sld [smem:$0x3FA2]  }
0x2e: {  	s3 =	simm.s32 @!p0 $0x1082;
	s9 =	sld [smem:$0x3FA3]  }
0x2f: {  	lr =	sadd.s32 s0, s3;
	s0 =	sld [smem:$0x3F9A]  }
0x30: {  	s3 =	sld [smem:$0x3F9D]  }
0x31: {  	[smem:$0x3FA6] =	sst s10  }
0x32: {  	s10 =	sld [smem:$0x3FA4];
	_ =	sdelay $0x3  }
0x33: {  	p0 =	seq.s32 s10, $0x1;
	s10 =	sld [smem:$0x3FA6];
	_ =	sdelay $0x3  }
0x34: {  	[smem:$0x3FA6] =	sst s10  }
0x35: {  	s10 =	sld [smem:$0x3FA5];
	_ =	sdelay $0x3  }
0x36: {  	p1 =	seq.s32 s10, $0x1;
	s10 =	sld [smem:$0x3FA6];
	_ =	sdelay $0x3  }
0x37: {  	[smem:$0x3FA6] =	sst s10  }
0x38: {  	s10 =	sld [smem:$0x3FA7]  }
0x39: {  	_ = 	snop;
	(pc) =	sbr.ind lr, $3  }
0x3a: {  	_ = 	snop  }
0x3b: {  	_ = 	snop  }
0x3c: {  	p2 =	seq.s32 s10, $0x1;
	s10 =	sld [smem:$0x3FA6]  }
0x3d: {  	_ =	shalt  }
0x3e: {  	_ =	shalt  }
0x3f: {  	_ =	shalt  }
0x40: {  	_ =	shalt  }
0x41: {  	_ =	shalt  }
0x42: {  	_ =	shalt  }
0x43: {  	_ =	shalt  }
0x44: {  	_ =	shalt  }
0x45: {  	_ =	shalt  }
0x46: {  	_ =	shalt  }
0x47: {  	_ =	shalt  }
0x48: {  	_ =	shalt  }
0x49: {  	_ =	shalt  }
0x4a: {  	_ =	shalt  }
0x4b: {  	_ =	shalt  }
0x4c: {  	_ =	shalt  }
0x4d: {  	_ =	shalt  }
0x4e: {  	_ =	shalt  }
0x4f: {  	_ =	shalt  }
0x50: {  	_ =	shalt  }
0x51: {  	_ =	shalt  }
0x52: {  	_ =	shalt  }
0x53: {  	_ =	shalt  }
0x54: {  	_ =	shalt  }
0x55: {  	_ =	shalt  }
0x56: {  	_ =	shalt  }
0x57: {  	_ =	shalt  }
0x58: {  	_ =	shalt  }
0x59: {  	_ =	shalt  }
0x5a: {  	_ =	shalt  }
0x5b: {  	_ =	shalt  }
0x5c: {  	_ =	shalt  }
0x5d: {  	_ =	shalt  }
0x5e: {  	_ =	shalt  }
0x5f: {  	_ =	shalt  }
0x60: {  	_ =	shalt  }
0x61: {  	_ =	shalt  }
0x62: {  	_ =	shalt  }
0x63: {  	_ =	shalt  }
0x64: {  	_ =	shalt  }
0x65: {  	_ =	shalt  }
0x66: {  	_ =	shalt  }
0x67: {  	_ =	shalt  }
0x68: {  	_ =	shalt  }
0x69: {  	_ =	shalt  }
0x6a: {  	_ =	shalt  }
0x6b: {  	_ =	shalt  }
0x6c: {  	_ =	shalt  }
0x6d: {  	_ =	shalt  }
0x6e: {  	_ =	shalt  }
0x6f: {  	_ =	shalt  }
0x70: {  	_ =	shalt  }
0x71: {  	_ =	shalt  }
0x72: {  	_ =	shalt  }
0x73: {  	_ =	shalt  }
0x74: {  	_ =	shalt  }
0x75: {  	_ =	shalt  }
0x76: {  	_ =	shalt  }
0x77: {  	_ =	shalt  }
0x78: {  	_ =	shalt  }
0x79: {  	_ =	shalt  }
0x7a: {  	_ =	shalt  }
0x7b: {  	_ =	shalt  }
0x7c: {  	_ =	shalt  }
0x7d: {  	_ =	shalt  }
0x7e: {  	_ =	shalt  }
0x7f: {  	_ =	shalt  }
0x80: {  	_ =	shalt  }
0x81: {  	_ =	shalt  }
0x82: {  	_ =	shalt  }
0x83: {  	_ =	shalt  }
0x84: {  	_ =	shalt  }
0x85: {  	_ =	shalt  }
0x86: {  	_ =	shalt  }
0x87: {  	_ =	shalt  }
.Lfunc_end0:
.L_simem_size_0:
called_computation_lowered:
.L_overlay_start_0:
0x88: {  	s2 =	sld [smem:$0x3FD9]  }
0x89: {  	s3 =	sld [smem:$0x3FFE];
	_ =	sdelay $0x1  }
0x8a: {  	s1 =	srdreg.scid  }
0x8b: {  	s0 =	sand.u32 $0x1, s1  }
0x8c: {  	s17 =	sshll.u32 s0, $0xA;
	s2 =	sadd.s32 s3, s2  }
0x8d: {  	s2 =	sadd.s32 s2, s17  }
0x8e: {  	[smem:$0x3FB2] =	sst s2  }
0x8f: {  	_ = 	snop  }
0x90: {  	s2 =	sld [smem:$0x3FD0];
	(tm) =	ssettm $0x1  }
0x91: {  	s18 =	sld [smem:$0x3FFB];
	_ =	sdelay $0x3  }
0x92: {  	_ =	strace s18  }
0x93: {  	s3 =	sld [smem:$0x3FFC];
	_ =	sdelay $0x3  }
0x94: {  	_ =	strace s3  }
0x95: {  	s3 =	sld [smem:$0x3FFD];
	_ =	sdelay $0x3  }
0x96: {  	_ =	strace s3  }
0x97: {  	_ =	strace $0x8FFFFFFF  }
0x98: {  	s19 =	sld [smem:$0x3FDB];
	_ =	sdelay $0x1  }
0x99: {  	s4 =	simm.s32 $_scs_section_size  }
0x9a: {  	s5 =	simm.s32 $_size__tile_overlayer_lowered;
	s6 =	simm.s32 $_tile_overlayer_lowered  }
0x9b: {  	s22 =	simm.s32 $0x1BFF;
	s21 =	sshll.u32 s6, $0x1;
	s3 =	sadd.s32 s4, s19  }
0x9c: {  	s7 =	simm.s32 $0x0;
	s20 =	sshll.u32 s5, $0x1;
	s5 =	sadd.s32 s21, s3  }
0x9d: {  	[timem:s7], [sflag:s22] =	dma.local [hbm:s5], s20  }
0x9e: {  	_ =	swait.ge [sflag:s22], s20  }
0x9f: {  	s4 =	ssub.s32 $0x0, s20;
	[sflag:s22] =	ssyncset.done $0x0  }
0xa0: {  	[sflag:s22] =	ssyncadd.s32 s4;
	_ =	sdelay $0x1  }
0xa1: {  	s23 =	simm.s32 $0x1B8B  }
0xa2: {  	_ =	swait.ge [sflag:s23], $0x1  }
0xa3: {  	[sflag:s23] =	ssyncset.done $0x0  }
0xa4: {  	s25 =	simm.s32 $0x1B8E;
	s24 =	sld [smem:$0x3FFE];
	[sflag:s23] =	ssyncadd.s32 $0xFFFFFFFF  }
0xa5: {  	s26 =	simm.s32 $execute0_lowered;
	[smem:$0x3FD2] =	sst s25  }
0xa6: {  	s5 =	sshll.u32 s26, $0x1;
	_ =	strace $0x80000046;
	[dreg:$0x1] =	wrdreg $0xFFFFFFFF  }
0xa7: {  	s28 =	simm.s32 $_size_execute0_lowered;
	s3 =	sadd.s32 s3, s5;
	[dreg:$0x0] =	wrdreg $0x0  }
0xa8: {  	s5 =	sshll.u32 s28, $0x1;
	[dreg:$0x2] =	wrdreg s3  }
0xa9: {  	[dreg:$0x3] =	wrdreg s5  }
0xaa: {  	[dreg:$0x4] =	wrdreg $0xC0  }
0xab: {  	_ =	task [dreg:s7], $0x5FFFF  }
0xac: {  	[dreg:$0x1] =	wrdreg $0xFFFFFFFF  }
0xad: {  	[dreg:$0x0] =	wrdreg $0x60  }
0xae: {  	[dreg:$0x2] =	wrdreg s24  }
0xaf: {  	[dreg:$0x3] =	wrdreg s2  }
0xb0: {  	[dreg:$0x4] =	wrdreg $0x48000  }
0xb1: {  	[dreg:$0x5] =	wrdreg $0x9  }
0xb2: {  	_ =	task.clear_ibuf [dreg:s7], $0x6FFFF;
	_ =	strace $0x90000046  }
0xb3: {  	s29 =	simm.s32 $0x9;
	_ =	strace $0x80000048  }
0xb4: {  	_ =	swait.ge [sflag:s29], $0x1  }
0xb5: {  	[sflag:s29] =	ssyncadd.s32 $0xFFFFFFFF  }
0xb6: {  	_ =	strace $0x90000048  }
0xb7: {  	_ =	sfence  }
0xb8: {  	s30 =	sld [smem:$0x0];
	_ =	sdelay $0x2  }
0xb9: {  	s31 =	sshll.u32 s1, $0xD;
	s1 =	sshrl.u32 s1, $0x2  }
0xba: {  	s3 =	sand.u32 $0x4000, s31;
	s1 =	sadd.s32 s1, s30  }
0xbb: {  	s0 =	sor.u32 s3, s0;
	s1 =	sshll.u32 s1, $0x11  }
0xbc: {  	s0 =	sor.u32 s1, s0  }
0xbd: {  	s0 =	sadd.s32 $0x8F2B, s0  }
0xbe: {  	[sflag:s0] =	ssyncadd.remote.s32 $0x1  }
0xbf: {  	_ =	sfence.sel $0xFFFF  }
0xc0: {  	[dreg:$0x0] =	wrdreg $0xFFFFFFFF;
	(pc) =	sbr.abs _section_cstart, $3  }
0xc1: {  	[dreg:$0x1] =	wrdreg $0xFFFFFFFF  }
0xc2: {  	_ =	task.clear_ibuf [dreg:s7], $0x2FFFF;
	_ =	strace $0x9FFFFFFF  }
0xc3: {  	(tm) =	ssettm $0x7FFFFFFF  }
tec
execute0_lowered:
.L_overlay_start_1:
0x0: {  	(tag) =	ssettag $0x1  }
0x1: {  	s0 =	rddreg [dreg:$0x0]  }
0x2: {  	s2 =	rddreg [dreg:$0x2];
	s1 =	srdreg.scid;
	s4 =	simm.s32 $0x0  }
0x3: {  	s13 =	stileid.u32;
	s14 =	simm.s32 $0x1;
	s15 =	simm.s32 $0x800  }
0x4: {  	s16 =	simm.s32 $0x400;
	s17 =	simm.s32 $0x80;
	s18 =	simm.s32 $0x480  }
0x5: {  	s19 =	simm.s32 $0x500;
	s20 =	simm.s32 $0x100;
	s21 =	simm.s32 $0x580  }
0x6: {  	s22 =	simm.s32 $0x180;
	s28 =	simm.s32 $0x280;
	s8 =	smul.u32 $0x2780, s13  }
0x7: {  	s29 =	simm.s32 $0x700;
	s30 =	simm.s32 $0x300;
	s7 =	smul.u32 $0x4F000, s13  }
0x8: {  	s31 =	simm.s32 $0x780;
	s1 =	sand.u32 $0x1, s1;
	s10 =	smul.u32 $0x500, s13  }
0x9: {  	[smem:$0x7FF] =	sst s4;
	s24 =	sshll.u32 s13, $0x6;
	s3 =	smul.u32 $0x5000, s1  }
0xa: {  	p0 =	seq.s32 s13, $0xF;
	s5 =	smul.u32 $0x27100, s1;
	s1 =	ssub.s32 $0x2, s1  }
0xb: {  	_ =	strace $0x80000047;
	s6 =	sshrl.u32 s1, $0x1;
	[dreg:$0x4] =	wrdreg s8  }
0xc: {  	s8 =	sadd.s32 s8, s0;
	s23 =	sshrl.u32 s7, $0x2;
	s3 =	sadd.s32 s3, s0  }
0xd: {  	s0 =	sadd.s32 s5, s0;
	s1 =	ssub.s32 s1, s6;
	s6 =	sadd.s32 s23, s2  }
0xe: {  	s25 =	sadd.s32 $0x1A000, s8;
	s8 =	sor.u32 $0x1C01, s24;
	s23 =	simm.s32 $0x600  }
0xf: {  	s24 =	simm.s32 $0x200;
	[dreg:$0x5] =	wrdreg s25;
	s9 =	sadd.s32 $0x41800, s0  }
0x10: {  	s0 =	sadd.s32 $0x128400, s2;
	s3 =	sadd.s32 s10, s3;
	s1 =	smax.u32 s1, $0x1  }
0x11: {  	s26 =	sshrl.u32 s6, $0x3;
	[dreg:$0x6] =	wrdreg s1;
	s11 =	sadd.s32 $0x6000, s3  }
0x12: {  	s12 =	sadd.s32 $0x10000, s3;
	[dreg:$0x7] =	wrdreg s26;
	s25 =	sshrl.u32 @p0 s0, $0x3  }
0x13: {  	s26 =	simm.s32 $0x680;
	s0 =	simm.s32 $0x380;
	s3 =	simm.s32 $0x0  }
.LBB2_1:
0x14: {  	s1 =	rddreg [dreg:$0x5]  }
0x15: {  	s5 =	rddreg [dreg:$0x7]  }
0x16: {  	[spmem:s5], [sflag:s8] =	dma.local [hbm:s1], $0x2780  }
0x17: {  	_ =	swait.ge [sflag:s14], $0x2780  }
0x18: {  	[sflag:s14] =	ssyncset.done $0x0  }
0x19: {  	[sflag:s14] =	ssyncadd.s32 $0xFFFFD880  }
0x1a: {  	s7 =	rddreg [dreg:$0x1]  }
0x1b: {  	[tilespmem:s15], [sflag:$0x1] =	stream.linear.gather [hbm4b:s7+s4], $0x4000, $0x38;
	[tilespmem:$0x18400] =	vst v63  }
0x1c: {  	_ =	swait.ge [sflag:s14], $0x4000  }
0x1d: {  	[sflag:s14] =	ssyncset.done $0x0  }
0x1e: {  	[sflag:s14] =	ssyncadd.s32 $0xFFFFC000  }
0x1f: {  	s10 =	sadd.s32 $0x0, s12;
	[bflag:$0x0] =	sbarrier.arrive $0xFFFF  }
0x20: {  	[tilespmem:s4], [sflag:$0x1] =	stream.linear.gather [hbm4b:s10+s4], $0x400, $0x38;
	[tilespmem:$0x18400] =	vst v63  }
0x21: {  	_ =	swait.ge [sflag:s14], $0x400  }
0x22: {  	[sflag:s14] =	ssyncset.done $0x0  }
0x23: {  	s13 =	sadd.s32 $0x0, s11;
	[sflag:s14] =	ssyncadd.s32 $0xFFFFFC00  }
0x24: {  	[tilespmem:s16], [sflag:$0x1] =	stream.linear.gather [hbm4b:s13+s4], $0x400, $0x38;
	[tilespmem:$0x18400] =	vst v63  }
0x25: {  	_ =	swait.ge [sflag:s14], $0x400  }
0x26: {  	[sflag:s14] =	ssyncset.done $0x0  }
0x27: {  	[sflag:s14] =	ssyncadd.s32 $0xFFFFFC00  }
0x28: {  	[spmem:s2] =	stream.indirect.scatter.add.f32 [tilespmem:s15], [sflag:$0x1], $0x80, s16, s17, $0xb8;
	[tilespmem:$0x18400] =	vst v63  }
0x29: {  	_ =	swait.ge [sflag:s14], $0x4000  }
0x2a: {  	[sflag:s14] =	ssyncset.done $0x0  }
0x2b: {  	[sflag:s14] =	ssyncadd.s32 $0xFFFFC000  }
0x2c: {  	[spmem:s2] =	stream.indirect.scatter.add.f32 [tilespmem:s15], [sflag:$0x1], $0x80, s4, s17, $0xb8;
	[tilespmem:$0x18400] =	vst v63  }
0x2d: {  	_ =	swait.ge [sflag:s14], $0x4000  }
0x2e: {  	[sflag:s14] =	ssyncset.done $0x0  }
0x2f: {  	[sflag:s14] =	ssyncadd.s32 $0xFFFFC000  }
0x30: {  	[spmem:s2] =	stream.indirect.scatter.add.f32 [tilespmem:s15], [sflag:$0x1], $0x80, s18, s17, $0xb8;
	[tilespmem:$0x18400] =	vst v63  }
0x31: {  	_ =	swait.ge [sflag:s14], $0x4000  }
0x32: {  	[sflag:s14] =	ssyncset.done $0x0  }
0x33: {  	[sflag:s14] =	ssyncadd.s32 $0xFFFFC000  }
0x34: {  	[spmem:s2] =	stream.indirect.scatter.add.f32 [tilespmem:s15], [sflag:$0x1], $0x80, s17, s17, $0xb8;
	[tilespmem:$0x18400] =	vst v63  }
0x35: {  	_ =	swait.ge [sflag:s14], $0x4000  }
0x36: {  	[sflag:s14] =	ssyncset.done $0x0  }
0x37: {  	[sflag:s14] =	ssyncadd.s32 $0xFFFFC000  }
0x38: {  	[spmem:s2] =	stream.indirect.scatter.add.f32 [tilespmem:s15], [sflag:$0x1], $0x80, s19, s17, $0xb8;
	[tilespmem:$0x18400] =	vst v63  }
0x39: {  	_ =	swait.ge [sflag:s14], $0x4000  }
0x3a: {  	[sflag:s14] =	ssyncset.done $0x0  }
0x3b: {  	[sflag:s14] =	ssyncadd.s32 $0xFFFFC000  }
0x3c: {  	[spmem:s2] =	stream.indirect.scatter.add.f32 [tilespmem:s15], [sflag:$0x1], $0x80, s20, s17, $0xb8;
	[tilespmem:$0x18400] =	vst v63  }
0x3d: {  	_ =	swait.ge [sflag:s14], $0x4000  }
0x3e: {  	[sflag:s14] =	ssyncset.done $0x0  }
0x3f: {  	[sflag:s14] =	ssyncadd.s32 $0xFFFFC000  }
0x40: {  	[spmem:s2] =	stream.indirect.scatter.add.f32 [tilespmem:s15], [sflag:$0x1], $0x80, s21, s17, $0xb8;
	[tilespmem:$0x18400] =	vst v63  }
0x41: {  	_ =	swait.ge [sflag:s14], $0x4000  }
0x42: {  	[sflag:s14] =	ssyncset.done $0x0  }
0x43: {  	[sflag:s14] =	ssyncadd.s32 $0xFFFFC000  }
0x44: {  	[spmem:s2] =	stream.indirect.scatter.add.f32 [tilespmem:s15], [sflag:$0x1], $0x80, s22, s17, $0xb8;
	[tilespmem:$0x18400] =	vst v63  }
0x45: {  	_ =	swait.ge [sflag:s14], $0x4000  }
0x46: {  	[sflag:s14] =	ssyncset.done $0x0  }
0x47: {  	[sflag:s14] =	ssyncadd.s32 $0xFFFFC000  }
0x48: {  	[spmem:s2] =	stream.indirect.scatter.add.f32 [tilespmem:s15], [sflag:$0x1], $0x80, s23, s17, $0xb8;
	[tilespmem:$0x18400] =	vst v63  }
0x49: {  	_ =	swait.ge [sflag:s14], $0x4000  }
0x4a: {  	[sflag:s14] =	ssyncset.done $0x0  }
0x4b: {  	[sflag:s14] =	ssyncadd.s32 $0xFFFFC000  }
0x4c: {  	[spmem:s2] =	stream.indirect.scatter.add.f32 [tilespmem:s15], [sflag:$0x1], $0x80, s24, s17, $0xb8;
	[tilespmem:$0x18400] =	vst v63  }
0x4d: {  	_ =	swait.ge [sflag:s14], $0x4000  }
0x4e: {  	[sflag:s14] =	ssyncset.done $0x0  }
0x4f: {  	[sflag:s14] =	ssyncadd.s32 $0xFFFFC000  }
0x50: {  	[spmem:s2] =	stream.indirect.scatter.add.f32 [tilespmem:s15], [sflag:$0x1], $0x80, s26, s17, $0xb8;
	[tilespmem:$0x18400] =	vst v63  }
0x51: {  	_ =	swait.ge [sflag:s14], $0x4000  }
0x52: {  	[sflag:s14] =	ssyncset.done $0x0  }
0x53: {  	[sflag:s14] =	ssyncadd.s32 $0xFFFFC000  }
0x54: {  	[spmem:s2] =	stream.indirect.scatter.add.f32 [tilespmem:s15], [sflag:$0x1], $0x80, s28, s17, $0xb8;
	[tilespmem:$0x18400] =	vst v63  }
0x55: {  	_ =	swait.ge [sflag:s14], $0x4000  }
0x56: {  	[sflag:s14] =	ssyncset.done $0x0  }
0x57: {  	[sflag:s14] =	ssyncadd.s32 $0xFFFFC000  }
0x58: {  	[spmem:s2] =	stream.indirect.scatter.add.f32 [tilespmem:s15], [sflag:$0x1], $0x80, s29, s17, $0xb8;
	[tilespmem:$0x18400] =	vst v63  }
0x59: {  	_ =	swait.ge [sflag:s14], $0x4000  }
0x5a: {  	[sflag:s14] =	ssyncset.done $0x0  }
0x5b: {  	[sflag:s14] =	ssyncadd.s32 $0xFFFFC000  }
0x5c: {  	[spmem:s2] =	stream.indirect.scatter.add.f32 [tilespmem:s15], [sflag:$0x1], $0x80, s30, s17, $0xb8;
	[tilespmem:$0x18400] =	vst v63  }
0x5d: {  	_ =	swait.ge [sflag:s14], $0x4000  }
0x5e: {  	[sflag:s14] =	ssyncset.done $0x0  }
0x5f: {  	[sflag:s14] =	ssyncadd.s32 $0xFFFFC000  }
0x60: {  	[spmem:s2] =	stream.indirect.scatter.add.f32 [tilespmem:s15], [sflag:$0x1], $0x80, s31, s17, $0xb8;
	[tilespmem:$0x18400] =	vst v63  }
0x61: {  	_ =	swait.ge [sflag:s14], $0x4000  }
0x62: {  	[sflag:s14] =	ssyncset.done $0x0  }
0x63: {  	[sflag:s14] =	ssyncadd.s32 $0xFFFFC000  }
0x64: {  	[spmem:s2] =	stream.indirect.scatter.add.f32 [tilespmem:s15], [sflag:$0x1], $0x80, s0, s17, $0xb8;
	[tilespmem:$0x18400] =	vst v63  }
0x65: {  	_ =	swait.ge [sflag:s14], $0x4000  }
0x66: {  	s1 =	simm.s32 $0x80;
	s5 =	simm.s32 $0x100;
	[sflag:s14] =	ssyncset.done $0x0  }
.LBB2_2:
0x67: {  	s10 =	sadd.s32 s1, s12  }
0x68: {  	[sflag:s14] =	ssyncadd.s32 $0xFFFFC000;
	s13 =	smov.u32 s5;
	s7 =	sadd.s32 $0x80, s5  }
0x69: {  	[tilespmem:s4], [sflag:$0x1] =	stream.linear.gather [hbm4b:s10+s4], $0x400, $0x38;
	[tilespmem:$0x18400] =	vst v63  }
0x6a: {  	p1 =	sne.s32 s5, $0x480;
	_ =	swait.ge [sflag:s14], $0x400  }
0x6b: {  	[sflag:s14] =	ssyncset.done $0x0  }
0x6c: {  	s5 =	sadd.s32 s1, s11;
	s1 =	smov.u32 s13;
	[sflag:s14] =	ssyncadd.s32 $0xFFFFFC00  }
0x6d: {  	[tilespmem:s16], [sflag:$0x1] =	stream.linear.gather [hbm4b:s5+s4], $0x400, $0x38;
	[tilespmem:$0x18400] =	vst v63  }
0x6e: {  	_ =	swait.ge [sflag:s14], $0x400  }
0x6f: {  	[sflag:s14] =	ssyncset.done $0x0  }
0x70: {  	[sflag:s14] =	ssyncadd.s32 $0xFFFFFC00  }
0x71: {  	[spmem:s2] =	stream.indirect.scatter.add.f32 [tilespmem:s15], [sflag:$0x1], $0x80, s16, s17, $0xb8;
	[tilespmem:$0x18400] =	vst v63  }
0x72: {  	_ =	swait.ge [sflag:s14], $0x4000  }
0x73: {  	[sflag:s14] =	ssyncset.done $0x0  }
0x74: {  	[sflag:s14] =	ssyncadd.s32 $0xFFFFC000  }
0x75: {  	[spmem:s2] =	stream.indirect.scatter.add.f32 [tilespmem:s15], [sflag:$0x1], $0x80, s4, s17, $0xb8;
	[tilespmem:$0x18400] =	vst v63  }
0x76: {  	_ =	swait.ge [sflag:s14], $0x4000  }
0x77: {  	[sflag:s14] =	ssyncset.done $0x0  }
0x78: {  	[sflag:s14] =	ssyncadd.s32 $0xFFFFC000  }
0x79: {  	[spmem:s2] =	stream.indirect.scatter.add.f32 [tilespmem:s15], [sflag:$0x1], $0x80, s18, s17, $0xb8;
	[tilespmem:$0x18400] =	vst v63  }
0x7a: {  	_ =	swait.ge [sflag:s14], $0x4000  }
0x7b: {  	[sflag:s14] =	ssyncset.done $0x0  }
0x7c: {  	[sflag:s14] =	ssyncadd.s32 $0xFFFFC000  }
0x7d: {  	[spmem:s2] =	stream.indirect.scatter.add.f32 [tilespmem:s15], [sflag:$0x1], $0x80, s17, s17, $0xb8;
	[tilespmem:$0x18400] =	vst v63  }
0x7e: {  	_ =	swait.ge [sflag:s14], $0x4000  }
0x7f: {  	[sflag:s14] =	ssyncset.done $0x0  }
0x80: {  	[sflag:s14] =	ssyncadd.s32 $0xFFFFC000  }
0x81: {  	[spmem:s2] =	stream.indirect.scatter.add.f32 [tilespmem:s15], [sflag:$0x1], $0x80, s19, s17, $0xb8;
	[tilespmem:$0x18400] =	vst v63  }
0x82: {  	_ =	swait.ge [sflag:s14], $0x4000  }
0x83: {  	[sflag:s14] =	ssyncset.done $0x0  }
0x84: {  	[sflag:s14] =	ssyncadd.s32 $0xFFFFC000  }
0x85: {  	[spmem:s2] =	stream.indirect.scatter.add.f32 [tilespmem:s15], [sflag:$0x1], $0x80, s20, s17, $0xb8;
	[tilespmem:$0x18400] =	vst v63  }
0x86: {  	_ =	swait.ge [sflag:s14], $0x4000  }
0x87: {  	[sflag:s14] =	ssyncset.done $0x0  }
0x88: {  	[sflag:s14] =	ssyncadd.s32 $0xFFFFC000  }
0x89: {  	[spmem:s2] =	stream.indirect.scatter.add.f32 [tilespmem:s15], [sflag:$0x1], $0x80, s21, s17, $0xb8;
	[tilespmem:$0x18400] =	vst v63  }
0x8a: {  	_ =	swait.ge [sflag:s14], $0x4000  }
0x8b: {  	[sflag:s14] =	ssyncset.done $0x0  }
0x8c: {  	[sflag:s14] =	ssyncadd.s32 $0xFFFFC000  }
0x8d: {  	[spmem:s2] =	stream.indirect.scatter.add.f32 [tilespmem:s15], [sflag:$0x1], $0x80, s22, s17, $0xb8;
	[tilespmem:$0x18400] =	vst v63  }
0x8e: {  	_ =	swait.ge [sflag:s14], $0x4000  }
0x8f: {  	[sflag:s14] =	ssyncset.done $0x0  }
0x90: {  	[sflag:s14] =	ssyncadd.s32 $0xFFFFC000  }
0x91: {  	[spmem:s2] =	stream.indirect.scatter.add.f32 [tilespmem:s15], [sflag:$0x1], $0x80, s23, s17, $0xb8;
	[tilespmem:$0x18400] =	vst v63  }
0x92: {  	_ =	swait.ge [sflag:s14], $0x4000  }
0x93: {  	[sflag:s14] =	ssyncset.done $0x0  }
0x94: {  	[sflag:s14] =	ssyncadd.s32 $0xFFFFC000  }
0x95: {  	[spmem:s2] =	stream.indirect.scatter.add.f32 [tilespmem:s15], [sflag:$0x1], $0x80, s24, s17, $0xb8;
	[tilespmem:$0x18400] =	vst v63  }
0x96: {  	_ =	swait.ge [sflag:s14], $0x4000  }
0x97: {  	[sflag:s14] =	ssyncset.done $0x0  }
0x98: {  	[sflag:s14] =	ssyncadd.s32 $0xFFFFC000  }
0x99: {  	[spmem:s2] =	stream.indirect.scatter.add.f32 [tilespmem:s15], [sflag:$0x1], $0x80, s26, s17, $0xb8;
	[tilespmem:$0x18400] =	vst v63  }
0x9a: {  	_ =	swait.ge [sflag:s14], $0x4000  }
0x9b: {  	[sflag:s14] =	ssyncset.done $0x0  }
0x9c: {  	[sflag:s14] =	ssyncadd.s32 $0xFFFFC000  }
0x9d: {  	[spmem:s2] =	stream.indirect.scatter.add.f32 [tilespmem:s15], [sflag:$0x1], $0x80, s28, s17, $0xb8;
	[tilespmem:$0x18400] =	vst v63  }
0x9e: {  	_ =	swait.ge [sflag:s14], $0x4000  }
0x9f: {  	[sflag:s14] =	ssyncset.done $0x0  }
0xa0: {  	[sflag:s14] =	ssyncadd.s32 $0xFFFFC000  }
0xa1: {  	[spmem:s2] =	stream.indirect.scatter.add.f32 [tilespmem:s15], [sflag:$0x1], $0x80, s29, s17, $0xb8;
	[tilespmem:$0x18400] =	vst v63  }
0xa2: {  	_ =	swait.ge [sflag:s14], $0x4000  }
0xa3: {  	[sflag:s14] =	ssyncset.done $0x0  }
0xa4: {  	[sflag:s14] =	ssyncadd.s32 $0xFFFFC000  }
0xa5: {  	[spmem:s2] =	stream.indirect.scatter.add.f32 [tilespmem:s15], [sflag:$0x1], $0x80, s30, s17, $0xb8;
	[tilespmem:$0x18400] =	vst v63  }
0xa6: {  	_ =	swait.ge [sflag:s14], $0x4000  }
0xa7: {  	[sflag:s14] =	ssyncset.done $0x0  }
0xa8: {  	[sflag:s14] =	ssyncadd.s32 $0xFFFFC000  }
0xa9: {  	[spmem:s2] =	stream.indirect.scatter.add.f32 [tilespmem:s15], [sflag:$0x1], $0x80, s31, s17, $0xb8;
	[tilespmem:$0x18400] =	vst v63  }
0xaa: {  	_ =	swait.ge [sflag:s14], $0x4000  }
.Ltmp0:
0xab: {  	[sflag:s14] =	ssyncset.done $0x0;
	(pc) =	sbr.rel @p1 .LBB2_2-.Ltmp0, $4  }
0xac: {  	[sflag:s14] =	ssyncadd.s32 $0xFFFFC000  }
0xad: {  	[spmem:s2] =	stream.indirect.scatter.add.f32 [tilespmem:s15], [sflag:$0x1], $0x80, s0, s17, $0xb8;
	[tilespmem:$0x18400] =	vst v63  }
0xae: {  	_ =	swait.ge [sflag:s14], $0x4000  }
0xaf: {  	s5 =	smov.u32 s7;
	[sflag:s14] =	ssyncset.done $0x0  }
0xb0: {  	s5 =	sadd.s32 s1, s12;
	[sflag:s14] =	ssyncadd.s32 $0xFFFFC000  }
0xb1: {  	[tilespmem:s4], [sflag:$0x1] =	stream.linear.gather [hbm4b:s5+s4], $0x400, $0x38;
	[tilespmem:$0x18400] =	vst v63  }
0xb2: {  	_ =	swait.ge [sflag:s14], $0x400  }
0xb3: {  	[sflag:s14] =	ssyncset.done $0x0  }
0xb4: {  	s10 =	sadd.s32 s1, s11;
	[sflag:s14] =	ssyncadd.s32 $0xFFFFFC00  }
0xb5: {  	[tilespmem:s16], [sflag:$0x1] =	stream.linear.gather [hbm4b:s10+s4], $0x400, $0x38;
	[tilespmem:$0x18400] =	vst v63  }
0xb6: {  	_ =	swait.ge [sflag:s14], $0x400  }
0xb7: {  	[sflag:s14] =	ssyncset.done $0x0  }
0xb8: {  	[sflag:s14] =	ssyncadd.s32 $0xFFFFFC00  }
0xb9: {  	[spmem:s2] =	stream.indirect.scatter.add.f32 [tilespmem:s15], [sflag:$0x1], $0x80, s16, s17, $0xb8;
	[tilespmem:$0x18400] =	vst v63  }
0xba: {  	_ =	swait.ge [sflag:s14], $0x4000  }
0xbb: {  	[sflag:s14] =	ssyncset.done $0x0  }
0xbc: {  	[sflag:s14] =	ssyncadd.s32 $0xFFFFC000  }
0xbd: {  	[spmem:s2] =	stream.indirect.scatter.add.f32 [tilespmem:s15], [sflag:$0x1], $0x80, s4, s17, $0xb8;
	[tilespmem:$0x18400] =	vst v63  }
0xbe: {  	_ =	swait.ge [sflag:s14], $0x4000  }
0xbf: {  	[sflag:s14] =	ssyncset.done $0x0  }
0xc0: {  	[sflag:s14] =	ssyncadd.s32 $0xFFFFC000  }
0xc1: {  	[spmem:s2] =	stream.indirect.scatter.add.f32 [tilespmem:s15], [sflag:$0x1], $0x80, s18, s17, $0xb8;
	[tilespmem:$0x18400] =	vst v63  }
0xc2: {  	_ =	swait.ge [sflag:s14], $0x4000  }
0xc3: {  	[sflag:s14] =	ssyncset.done $0x0  }
0xc4: {  	[sflag:s14] =	ssyncadd.s32 $0xFFFFC000  }
0xc5: {  	[spmem:s2] =	stream.indirect.scatter.add.f32 [tilespmem:s15], [sflag:$0x1], $0x80, s17, s17, $0xb8;
	[tilespmem:$0x18400] =	vst v63  }
0xc6: {  	_ =	swait.ge [sflag:s14], $0x4000  }
0xc7: {  	[sflag:s14] =	ssyncset.done $0x0  }
0xc8: {  	[sflag:s14] =	ssyncadd.s32 $0xFFFFC000  }
0xc9: {  	[spmem:s2] =	stream.indirect.scatter.add.f32 [tilespmem:s15], [sflag:$0x1], $0x80, s19, s17, $0xb8;
	[tilespmem:$0x18400] =	vst v63  }
0xca: {  	_ =	swait.ge [sflag:s14], $0x4000  }
0xcb: {  	[sflag:s14] =	ssyncset.done $0x0  }
0xcc: {  	[sflag:s14] =	ssyncadd.s32 $0xFFFFC000  }
0xcd: {  	[spmem:s2] =	stream.indirect.scatter.add.f32 [tilespmem:s15], [sflag:$0x1], $0x80, s20, s17, $0xb8;
	[tilespmem:$0x18400] =	vst v63  }
0xce: {  	_ =	swait.ge [sflag:s14], $0x4000  }
0xcf: {  	[sflag:s14] =	ssyncset.done $0x0  }
0xd0: {  	[sflag:s14] =	ssyncadd.s32 $0xFFFFC000  }
0xd1: {  	[spmem:s2] =	stream.indirect.scatter.add.f32 [tilespmem:s15], [sflag:$0x1], $0x80, s21, s17, $0xb8;
	[tilespmem:$0x18400] =	vst v63  }
0xd2: {  	_ =	swait.ge [sflag:s14], $0x4000  }
0xd3: {  	[sflag:s14] =	ssyncset.done $0x0  }
0xd4: {  	[sflag:s14] =	ssyncadd.s32 $0xFFFFC000  }
0xd5: {  	[spmem:s2] =	stream.indirect.scatter.add.f32 [tilespmem:s15], [sflag:$0x1], $0x80, s22, s17, $0xb8;
	[tilespmem:$0x18400] =	vst v63  }
0xd6: {  	_ =	swait.ge [sflag:s14], $0x4000  }
0xd7: {  	[sflag:s14] =	ssyncset.done $0x0  }
0xd8: {  	[sflag:s14] =	ssyncadd.s32 $0xFFFFC000  }
0xd9: {  	[spmem:s2] =	stream.indirect.scatter.add.f32 [tilespmem:s15], [sflag:$0x1], $0x80, s23, s17, $0xb8;
	[tilespmem:$0x18400] =	vst v63  }
0xda: {  	_ =	swait.ge [sflag:s14], $0x4000  }
0xdb: {  	[sflag:s14] =	ssyncset.done $0x0  }
0xdc: {  	[sflag:s14] =	ssyncadd.s32 $0xFFFFC000  }
0xdd: {  	[spmem:s2] =	stream.indirect.scatter.add.f32 [tilespmem:s15], [sflag:$0x1], $0x80, s24, s17, $0xb8;
	[tilespmem:$0x18400] =	vst v63  }
0xde: {  	_ =	swait.ge [sflag:s14], $0x4000  }
0xdf: {  	[sflag:s14] =	ssyncset.done $0x0  }
0xe0: {  	[sflag:s14] =	ssyncadd.s32 $0xFFFFC000  }
0xe1: {  	[spmem:s2] =	stream.indirect.scatter.add.f32 [tilespmem:s15], [sflag:$0x1], $0x80, s26, s17, $0xb8;
	[tilespmem:$0x18400] =	vst v63  }
0xe2: {  	_ =	swait.ge [sflag:s14], $0x4000  }
0xe3: {  	[sflag:s14] =	ssyncset.done $0x0  }
0xe4: {  	[sflag:s14] =	ssyncadd.s32 $0xFFFFC000  }
0xe5: {  	[spmem:s2] =	stream.indirect.scatter.add.f32 [tilespmem:s15], [sflag:$0x1], $0x80, s28, s17, $0xb8;
	[tilespmem:$0x18400] =	vst v63  }
0xe6: {  	_ =	swait.ge [sflag:s14], $0x4000  }
0xe7: {  	[sflag:s14] =	ssyncset.done $0x0  }
0xe8: {  	[sflag:s14] =	ssyncadd.s32 $0xFFFFC000  }
0xe9: {  	[spmem:s2] =	stream.indirect.scatter.add.f32 [tilespmem:s15], [sflag:$0x1], $0x80, s29, s17, $0xb8;
	[tilespmem:$0x18400] =	vst v63  }
0xea: {  	_ =	swait.ge [sflag:s14], $0x4000  }
0xeb: {  	[sflag:s14] =	ssyncset.done $0x0  }
0xec: {  	[sflag:s14] =	ssyncadd.s32 $0xFFFFC000  }
0xed: {  	[spmem:s2] =	stream.indirect.scatter.add.f32 [tilespmem:s15], [sflag:$0x1], $0x80, s30, s17, $0xb8;
	[tilespmem:$0x18400] =	vst v63  }
0xee: {  	_ =	swait.ge [sflag:s14], $0x4000  }
0xef: {  	[sflag:s14] =	ssyncset.done $0x0  }
0xf0: {  	[sflag:s14] =	ssyncadd.s32 $0xFFFFC000  }
0xf1: {  	[spmem:s2] =	stream.indirect.scatter.add.f32 [tilespmem:s15], [sflag:$0x1], $0x80, s31, s17, $0xb8;
	[tilespmem:$0x18400] =	vst v63  }
0xf2: {  	_ =	swait.ge [sflag:s14], $0x4000  }
0xf3: {  	[sflag:s14] =	ssyncset.done $0x0  }
0xf4: {  	[sflag:s14] =	ssyncadd.s32 $0xFFFFC000  }
0xf5: {  	[spmem:s2] =	stream.indirect.scatter.add.f32 [tilespmem:s15], [sflag:$0x1], $0x80, s0, s17, $0xb8;
	[tilespmem:$0x18400] =	vst v63  }
0xf6: {  	_ =	swait.ge [sflag:s14], $0x4000  }
0xf7: {  	[sflag:s14] =	ssyncset.done $0x0  }
0xf8: {  	[sflag:s14] =	ssyncadd.s32 $0xFFFFC000  }
0xf9: {  	s1 =	sadd.s32 @p0 $0x25080, s9;
	[bflag:$0x0] =	sbarrier.arrive $0xFFFF  }
0xfa: {  	[hbm:s1], [sflag:s8] =	dma.local @p0 [spmem:s25], $0x2080  }
0xfb: {  	s1 =	simm.s32 @p0 $0x1  }
0xfc: {  	_ =	swait.ge @p0 [sflag:s1], $0x2080  }
0xfd: {  	[sflag:s1] =	ssyncset.done @p0 $0x0  }
0xfe: {  	[sflag:s1] =	ssyncadd.s32 @p0 $0xFFFFDF80;
	s1 =	rddreg [dreg:$0x4]  }
0xff: {  	s5 =	sshrl.u32 @!p0 s6, $0x3;
	s1 =	sadd.s32 @!p0 s1, s9  }
0x100: {  	[hbm:s1], [sflag:s8] =	dma.local @!p0 [spmem:s5], $0x2780  }
0x101: {  	s1 =	simm.s32 @!p0 $0x1  }
0x102: {  	_ =	swait.ge @!p0 [sflag:s1], $0x2780  }
0x103: {  	s3 =	sadd.s32 $0x1, s3;
	s13 =	rddreg [dreg:$0x6]  }
0x104: {  	p1 =	sne.s32 s3, s13  }
.Ltmp1:
0x105: {  	_ = 	snop;
	(pc) =	sbr.rel @p1 .LBB2_1-.Ltmp1, $3  }
0x106: {  	_ =	sdelay $0x1  }
0x107: {  	[sflag:s1] =	ssyncset.done @!p0 $0x0  }
0x108: {  	[sflag:s1] =	ssyncadd.s32 @!p0 $0xFFFFD880  }
0x109: {  	_ =	sfence.sel $0x180000  }
0x10a: {  	[bflag:$0x0] =	sbarrier.arrive $0xFFFF  }
0x10b: {  	_ =	strace $0x90000047  }
0x10c: {  	s0 =	stileid.u32;
	[bflag:$0x2] =	sbarrier.arrive $0xFFFF  }
0x10d: {  	p0 =	sne.s32 s0, $0x0;
	s0 =	rddreg [dreg:$0x3]  }
0x10e: {  	s0 =	sadd.s32 @!p0 $0x100000, s0  }
0x10f: {  	[sflag:s0] =	ssyncadd.tile.s32 @!p0 $0x1;
	_ =	shalt  }
.Lfunc_end2:
_tile_overlayer_lowered:
.L_overlay_start_2:
0x110: {  	(tag) =	ssettag $0x2  }
0x111: {  	s0 =	rddreg [dreg:$0x0];
	s2 =	stileid.u32  }
0x112: {  	s1 =	rddreg [dreg:$0x1];
	p0 =	sne.s32 s2, $0x0  }
0x113: {  	s3 =	rddreg [dreg:$0x2];
	[bflag:$0x3] =	sbarrier.arrive $0xFFFF;
	s2 =	simm.s32 @!p0 $0x1C01  }
0x114: {  	[timem:s3], [sflag:s2] =	dma.local @!p0 [hbm:s0], s1  }
0x115: {  	s0 =	simm.s32 @!p0 $0x1  }
0x116: {  	_ =	swait.ge @!p0 [sflag:s0], s1  }
0x117: {  	s1 =	ssub.s32 @!p0 $0x0, s1;
	[sflag:s0] =	ssyncset.done @!p0 $0x0  }
0x118: {  	[sflag:s0] =	ssyncadd.s32 @!p0 s1  }
0x119: {  	[bflag:$0x3] =	sbarrier.arrive $0xFFFF  }
0x11a: {  	_ =	shalt  }

// kernel: kernel.15.cloned.1.call-start
scs
__scs_entry_jumppad:
0x0: {  	(pc) =	sbr.rel $0x88, $3  }
0x1: {  	(tag) =	ssettag $0x0;
	lr =	simm.s32 $0x1  }
0x2: {  	[smem:$0x3F8B] =	sst lr;
	_ =	strace $0xD0000000  }
0x3: {  	_ = 	snop  }
0x4: {  	_ = 	snop  }
0x5: {  	_ = 	snop  }
0x6: {  	_ = 	snop  }
0x7: {  	_ = 	snop  }
__scs_overlays_trampoline_lowered:
0x8: {  	[smem:$0x3F9A] =	sst s0  }
0x9: {  	[smem:$0x3F9B] =	sst s1  }
0xa: {  	[smem:$0x3F9C] =	sst s2  }
0xb: {  	[smem:$0x3F9D] =	sst s3  }
0xc: {  	[smem:$0x3F9E] =	sst s4  }
0xd: {  	[smem:$0x3F9F] =	sst s5  }
0xe: {  	[smem:$0x3FA0] =	sst s6  }
0xf: {  	[smem:$0x3FA1] =	sst s7  }
0x10: {  	[smem:$0x3FA2] =	sst s8  }
0x11: {  	[smem:$0x3FA3] =	sst s9;
	s0 =	simm.s32 @!p0 $0x0  }
0x12: {  	s1 =	sld [smem:$0x3F89];
	s0 =	simm.s32 @p0 $0x1  }
0x13: {  	[smem:$0x3FA4] =	sst s0;
	s0 =	simm.s32 @!p1 $0x0  }
0x14: {  	s2 =	sld [smem:$0x3F88];
	s0 =	simm.s32 @p1 $0x1  }
0x15: {  	[smem:$0x3FA5] =	sst s0;
	s0 =	simm.s32 @!p2 $0x0  }
0x16: {  	s3 =	sld [smem:$0x3FDB];
	s0 =	simm.s32 @p2 $0x1  }
0x17: {  	s4 =	simm.s32 $0x1BF5;
	[smem:$0x3FA7] =	sst s0  }
0x18: {  	s0 =	sld [smem:$0x3F8A];
	_ =	swait.ge [sflag:s4], $0x0  }
0x19: {  	s7 =	sld [smem:$0x3F8B]  }
0x1a: {  	s8 =	sadd.s32 $0xFFFFE003, lr  }
0x1b: {  	s9 =	sadd.s32 $0xFFFFFEF7, lr;
	s5 =	simm.s32 $0xFFFFFFFF;
	p2 =	slt.u32 s8, $0xFFFFF086  }
0x1c: {  	p1 =	slt.u32 s9, $0xF7A;
	s5 =	simm.s32 @!p2 $0x0  }
0x1d: {  	s5 =	simm.s32 @p1 $0x1;
	p0 =	seq.s32 s7, s2  }
0x1e: {  	s7 =	smul.u32 @!p0 $0xF7A, s2;
	p2 =	seq.s32 @!p0 s5, $0x0  }
0x1f: {  	s9 =	smul.u32 $0xF7A, s1;
	s8 =	simm.s32 @!p0 $0x1BF5;
	p2 =	por !p2, p0  }
0x20: {  	[sflag:s8] =	ssyncset.s32 @!p0 $0xFFFFF086;
	s6 =	sadd.s32 @!p0 s3, s7;
	s7 =	simm.s32 @!p0 $0x108  }
0x21: {  	s3 =	sadd.s32 s3, s9;
	s6 =	sadd.s32 @!p0 $0x88, s6;
	s7 =	simm.s32 @p2 $0x1082  }
0x22: {  	[simem:s7], [sflag:s8] =	dma.local @!p0 [hbm:s6], $0xF7A  }
0x23: {  	s9 =	sor.u32 $0xD0000000, s2;
	s6 =	simm.s32 $0x108;
	_ =	swait.ge @!p0 [sflag:s8], $0x0  }
0x24: {  	s3 =	sadd.s32 $0x88, s3;
	s6 =	simm.s32 @!p1 $0x1082;
	[sflag:s4] =	ssyncset.s32 $0xFFFFF086  }
0x25: {  	[simem:s6], [sflag:s4] =	dma.local [hbm:s3], $0xF7A  }
0x26: {  	[smem:$0x3F8B] =	sst s1;
	(tag) =	ssettag s2;
	_ =	strace s9  }
0x27: {  	s1 =	sld [smem:$0x3F9B]  }
0x28: {  	s2 =	sld [smem:$0x3F9C]  }
0x29: {  	s4 =	sld [smem:$0x3F9E]  }
0x2a: {  	p0 =	seq.s32 s5, $0x0;
	s5 =	sld [smem:$0x3F9F]  }
0x2b: {  	s6 =	sld [smem:$0x3FA0]  }
0x2c: {  	s7 =	sld [smem:$0x3FA1]  }
0x2d: {  	s3 =	simm.s32 $0x108;
	s8 =	sld [smem:$0x3FA2]  }
0x2e: {  	s3 =	simm.s32 @!p0 $0x1082;
	s9 =	sld [smem:$0x3FA3]  }
0x2f: {  	lr =	sadd.s32 s0, s3;
	s0 =	sld [smem:$0x3F9A]  }
0x30: {  	s3 =	sld [smem:$0x3F9D]  }
0x31: {  	[smem:$0x3FA6] =	sst s10  }
0x32: {  	s10 =	sld [smem:$0x3FA4];
	_ =	sdelay $0x3  }
0x33: {  	p0 =	seq.s32 s10, $0x1;
	s10 =	sld [smem:$0x3FA6];
	_ =	sdelay $0x3  }
0x34: {  	[smem:$0x3FA6] =	sst s10  }
0x35: {  	s10 =	sld [smem:$0x3FA5];
	_ =	sdelay $0x3  }
0x36: {  	p1 =	seq.s32 s10, $0x1;
	s10 =	sld [smem:$0x3FA6];
	_ =	sdelay $0x3  }
0x37: {  	[smem:$0x3FA6] =	sst s10  }
0x38: {  	s10 =	sld [smem:$0x3FA7]  }
0x39: {  	_ = 	snop;
	(pc) =	sbr.ind lr, $3  }
0x3a: {  	_ = 	snop  }
0x3b: {  	_ = 	snop  }
0x3c: {  	p2 =	seq.s32 s10, $0x1;
	s10 =	sld [smem:$0x3FA6]  }
0x3d: {  	_ =	shalt  }
0x3e: {  	_ =	shalt  }
0x3f: {  	_ =	shalt  }
0x40: {  	_ =	shalt  }
0x41: {  	_ =	shalt  }
0x42: {  	_ =	shalt  }
0x43: {  	_ =	shalt  }
0x44: {  	_ =	shalt  }
0x45: {  	_ =	shalt  }
0x46: {  	_ =	shalt  }
0x47: {  	_ =	shalt  }
0x48: {  	_ =	shalt  }
0x49: {  	_ =	shalt  }
0x4a: {  	_ =	shalt  }
0x4b: {  	_ =	shalt  }
0x4c: {  	_ =	shalt  }
0x4d: {  	_ =	shalt  }
0x4e: {  	_ =	shalt  }
0x4f: {  	_ =	shalt  }
0x50: {  	_ =	shalt  }
0x51: {  	_ =	shalt  }
0x52: {  	_ =	shalt  }
0x53: {  	_ =	shalt  }
0x54: {  	_ =	shalt  }
0x55: {  	_ =	shalt  }
0x56: {  	_ =	shalt  }
0x57: {  	_ =	shalt  }
0x58: {  	_ =	shalt  }
0x59: {  	_ =	shalt  }
0x5a: {  	_ =	shalt  }
0x5b: {  	_ =	shalt  }
0x5c: {  	_ =	shalt  }
0x5d: {  	_ =	shalt  }
0x5e: {  	_ =	shalt  }
0x5f: {  	_ =	shalt  }
0x60: {  	_ =	shalt  }
0x61: {  	_ =	shalt  }
0x62: {  	_ =	shalt  }
0x63: {  	_ =	shalt  }
0x64: {  	_ =	shalt  }
0x65: {  	_ =	shalt  }
0x66: {  	_ =	shalt  }
0x67: {  	_ =	shalt  }
0x68: {  	_ =	shalt  }
0x69: {  	_ =	shalt  }
0x6a: {  	_ =	shalt  }
0x6b: {  	_ =	shalt  }
0x6c: {  	_ =	shalt  }
0x6d: {  	_ =	shalt  }
0x6e: {  	_ =	shalt  }
0x6f: {  	_ =	shalt  }
0x70: {  	_ =	shalt  }
0x71: {  	_ =	shalt  }
0x72: {  	_ =	shalt  }
0x73: {  	_ =	shalt  }
0x74: {  	_ =	shalt  }
0x75: {  	_ =	shalt  }
0x76: {  	_ =	shalt  }
0x77: {  	_ =	shalt  }
0x78: {  	_ =	shalt  }
0x79: {  	_ =	shalt  }
0x7a: {  	_ =	shalt  }
0x7b: {  	_ =	shalt  }
0x7c: {  	_ =	shalt  }
0x7d: {  	_ =	shalt  }
0x7e: {  	_ =	shalt  }
0x7f: {  	_ =	shalt  }
0x80: {  	_ =	shalt  }
0x81: {  	_ =	shalt  }
0x82: {  	_ =	shalt  }
0x83: {  	_ =	shalt  }
0x84: {  	_ =	shalt  }
0x85: {  	_ =	shalt  }
0x86: {  	_ =	shalt  }
0x87: {  	_ =	shalt  }
.Lfunc_end0:
.L_simem_size_0:
called_computation.1_lowered:
.L_overlay_start_0:
0x88: {  	s2 =	sld [smem:$0x3FD9]  }
0x89: {  	s3 =	sld [smem:$0x3FFE];
	_ =	sdelay $0x1  }
0x8a: {  	s1 =	srdreg.scid  }
0x8b: {  	s0 =	sand.u32 $0x1, s1  }
0x8c: {  	s17 =	sshll.u32 s0, $0xA;
	s2 =	sadd.s32 s3, s2  }
0x8d: {  	s2 =	sadd.s32 s2, s17  }
0x8e: {  	[smem:$0x3FB2] =	sst s2  }
0x8f: {  	_ = 	snop  }
0x90: {  	(tm) =	ssettm $0x1  }
0x91: {  	s18 =	sld [smem:$0x3FFB];
	_ =	sdelay $0x3  }
0x92: {  	_ =	strace s18  }
0x93: {  	s2 =	sld [smem:$0x3FFC];
	_ =	sdelay $0x3  }
0x94: {  	_ =	strace s2  }
0x95: {  	s2 =	sld [smem:$0x3FFD];
	_ =	sdelay $0x3  }
0x96: {  	_ =	strace s2  }
0x97: {  	_ =	strace $0x8FFFFFFF  }
0x98: {  	s19 =	sld [smem:$0x3FDB];
	_ =	sdelay $0x1  }
0x99: {  	s20 =	simm.s32 $_scs_section_size  }
0x9a: {  	s4 =	simm.s32 $_size__tile_overlayer_lowered;
	s5 =	simm.s32 $_tile_overlayer_lowered  }
0x9b: {  	s6 =	simm.s32 $0x1BFF;
	s21 =	sshll.u32 s5, $0x1;
	s3 =	sadd.s32 s20, s19  }
0x9c: {  	s22 =	simm.s32 $0x0;
	s4 =	sshll.u32 s4, $0x1;
	s5 =	sadd.s32 s21, s3  }
0x9d: {  	[timem:s22], [sflag:s6] =	dma.local [hbm:s5], s4  }
0x9e: {  	_ =	swait.ge [sflag:s6], s4  }
0x9f: {  	s4 =	ssub.s32 $0x0, s4;
	[sflag:s6] =	ssyncset.done $0x0  }
0xa0: {  	[sflag:s6] =	ssyncadd.s32 s4;
	_ =	sdelay $0x1  }
0xa1: {  	s23 =	simm.s32 $0x1B8B  }
0xa2: {  	_ =	swait.ge [sflag:s23], $0x1  }
0xa3: {  	[sflag:s23] =	ssyncset.done $0x0  }
0xa4: {  	[sflag:s23] =	ssyncadd.s32 $0xFFFFFFFF  }
0xa5: {  	s4 =	sld [smem:$0x0]  }
0xa6: {  	s5 =	sand.u32 $0xFFFFFFFE, s1  }
0xa7: {  	p0 =	sne.s32 s1, s5  }
0xa8: {  	s5 =	sshll.u32 @p0 s5, $0xE  }
0xa9: {  	s5 =	sadd.s32 @p0 $0x11B8D, s5;
	s6 =	sshll.u32 @p0 s4, $0x11  }
0xaa: {  	s5 =	sor.u32 @p0 s6, s5  }
0xab: {  	[sflag:s5] =	ssyncadd.remote.s32 @p0 $0x1;
	_ =	sdelay $0x1  }
0xac: {  	s5 =	simm.s32 @p0 $0x1B8D  }
0xad: {  	_ =	swait.eq @p0 [sflag:s5], $0x1  }
0xae: {  	[sflag:s5] =	ssyncadd.s32 @p0 $0xFFFFFFFF  }
0xaf: {  	s6 =	sshll.u32 @!p0 s1, $0xE  }
0xb0: {  	s6 =	sor.u32 @!p0 $0x4000, s6;
	s5 =	simm.s32 @!p0 $0x1B8D  }
0xb1: {  	s4 =	sshll.u32 @!p0 s4, $0x11;
	s6 =	sadd.s32 @!p0 $0x11B8D, s6;
	_ =	swait.eq @!p0 [sflag:s5], $0x1  }
0xb2: {  	s4 =	sor.u32 @!p0 s4, s6;
	[sflag:s5] =	ssyncadd.s32 @!p0 $0xFFFFFFFF  }
0xb3: {  	s25 =	simm.s32 $0x1B8E;
	s24 =	sld [smem:$0x3FFE];
	[sflag:s4] =	ssyncadd.remote.s32 @!p0 $0x1  }
0xb4: {  	s26 =	simm.s32 $execute0_lowered;
	[smem:$0x3FD2] =	sst s25  }
0xb5: {  	s5 =	sshll.u32 s26, $0x1;
	_ =	strace $0x80000049;
	[dreg:$0x1] =	wrdreg $0xFFFFFFFF  }
0xb6: {  	s28 =	simm.s32 $_size_execute0_lowered;
	s3 =	sadd.s32 s3, s5;
	[dreg:$0x0] =	wrdreg $0x0  }
0xb7: {  	s5 =	sshll.u32 s28, $0x1;
	[dreg:$0x2] =	wrdreg s3  }
0xb8: {  	[dreg:$0x3] =	wrdreg s5  }
0xb9: {  	[dreg:$0x4] =	wrdreg $0xC0  }
0xba: {  	_ =	task [dreg:s22], $0x5FFFF  }
0xbb: {  	[dreg:$0x1] =	wrdreg $0xFFFFFFFF  }
0xbc: {  	[dreg:$0x0] =	wrdreg $0x60  }
0xbd: {  	[dreg:$0x2] =	wrdreg s24  }
0xbe: {  	[dreg:$0x3] =	wrdreg $0x8C000  }
0xbf: {  	[dreg:$0x4] =	wrdreg $0x1C8000  }
0xc0: {  	[dreg:$0x5] =	wrdreg $0x1D8000  }
0xc1: {  	[dreg:$0x6] =	wrdreg $0xA  }
0xc2: {  	_ =	task.clear_ibuf [dreg:s22], $0x7FFFF;
	_ =	strace $0x90000049  }
0xc3: {  	s29 =	simm.s32 $0xA;
	_ =	strace $0x8000004B  }
0xc4: {  	_ =	swait.ge [sflag:s29], $0x1  }
0xc5: {  	[sflag:s29] =	ssyncadd.s32 $0xFFFFFFFF  }
0xc6: {  	_ =	strace $0x9000004B  }
0xc7: {  	_ =	sfence  }
0xc8: {  	s30 =	sld [smem:$0x0];
	_ =	sdelay $0x2  }
0xc9: {  	s31 =	sshll.u32 s1, $0xD;
	s1 =	sshrl.u32 s1, $0x2  }
0xca: {  	s4 =	sand.u32 $0x4000, s31;
	s1 =	sadd.s32 s1, s30  }
0xcb: {  	s0 =	sor.u32 s4, s0;
	s1 =	sshll.u32 s1, $0x11  }
0xcc: {  	s0 =	sor.u32 s1, s0  }
0xcd: {  	s0 =	sadd.s32 $0x8F2B, s0  }
0xce: {  	[sflag:s0] =	ssyncadd.remote.s32 $0x1  }
0xcf: {  	_ =	sfence.sel $0xFFFF  }
0xd0: {  	[dreg:$0x0] =	wrdreg $0xFFFFFFFF;
	(pc) =	sbr.abs _section_cstart, $3  }
0xd1: {  	[dreg:$0x1] =	wrdreg $0xFFFFFFFF  }
0xd2: {  	_ =	task.clear_ibuf [dreg:s22], $0x2FFFF;
	_ =	strace $0x9FFFFFFF  }
0xd3: {  	(tm) =	ssettm $0x7FFFFFFF  }
tec
execute0_lowered:
.L_overlay_start_1:
0x0: {  	(tag) =	ssettag $0x1  }
0x1: {  	s0 =	rddreg [dreg:$0x0]  }
0x2: {  	s1 =	rddreg [dreg:$0x1]  }
0x3: {  	s2 =	rddreg [dreg:$0x2]  }
0x4: {  	s3 =	rddreg [dreg:$0x3];
	s4 =	simm.s32 $0x0  }
0x5: {  	s10 =	stileid.u32;
	s11 =	srdreg.scid;
	s20 =	simm.s32 $0x3  }
0x6: {  	s28 =	simm.s32 $0x4C00;
	s29 =	simm.s32 $0x1;
	s30 =	simm.s32 $0x2  }
0x7: {  	s31 =	simm.s32 $0x0;
	[smem:$0x7FF] =	sst s4;
	s5 =	sadd.s32 $0x10000, s0  }
0x8: {  	s6 =	sadd.s32 $0x6000, s0;
	s7 =	sadd.s32 $0xEAA00, s0;
	s8 =	sadd.s32 $0x8FA00, s0  }
0x9: {  	s9 =	sadd.s32 $0xB7200, s0;
	s12 =	sadd.s32 $0xE6A00, s0;
	s14 =	smul.u32 $0x2780, s10  }
0xa: {  	s11 =	sand.u32 $0x1, s11;
	s21 =	sadd.s32 $0xE8A00, s0;
	s16 =	smul.u32 $0x4F000, s10  }
0xb: {  	s25 =	sshll.u32 s10, $0x6;
	p1 =	seq.s32 s10, $0x1;
	s26 =	sshrl.u32 s3, $0x3  }
0xc: {  	p2 =	seq.s32 s10, $0xF;
	_ =	strace $0x8000004A;
	[dreg:$0x5] =	wrdreg s12  }
0xd: {  	p0 =	sne.s32 s10, $0x0;
	[dreg:$0x7] =	wrdreg s21;
	s22 =	smul.u32 $0x27100, s11  }
0xe: {  	s13 =	ssub.s32 $0x2, s11;
	s11 =	sshll.u32 s11, $0x4;
	[dreg:$0x9] =	wrdreg s26  }
0xf: {  	s26 =	simm.s32 $0xC00;
	[dreg:$0x6] =	wrdreg s14;
	s14 =	sadd.s32 s14, s0  }
0x10: {  	s15 =	sshrl.u32 s13, $0x1;
	s11 =	sor.u32 s10, s11;
	s24 =	sshrl.u32 s16, $0x2  }
0x11: {  	s0 =	sadd.s32 s22, s0;
	s23 =	ssub.s32 s13, s15;
	s13 =	sadd.s32 s24, s1  }
0x12: {  	s14 =	sadd.s32 $0x1A000, s14;
	s15 =	sor.u32 $0x1C03, s25;
	s16 =	smul.u32 $0xA, s11  }
0x13: {  	s22 =	simm.s32 $0x400;
	s24 =	simm.s32 $0x80;
	[dreg:$0x8] =	wrdreg s14  }
0x14: {  	s17 =	sadd.s32 $0xFEA00, s0;
	s0 =	sadd.s32 $0x128400, s1;
	s18 =	smax.u32 s23, $0x1  }
0x15: {  	s19 =	sshrl.u32 s13, $0x3;
	s23 =	simm.s32 $0x800;
	s25 =	sshrl.u32 @p2 s0, $0x3  }
.LBB2_1:
.Ltmp0:
0x16: {  	s0 =	rddreg [dreg:$0x8];
	(pc) =	sbr.rel @p1 .LBB2_4-.Ltmp0, $4  }
0x17: {  	[spmem:s19], [sflag:s15] =	dma.local [hbm:s0], $0x2780  }
0x18: {  	_ =	swait.ge [sflag:s20], $0x2780  }
0x19: {  	[sflag:s20] =	ssyncset.done $0x0  }
0x1a: {  	[sflag:s20] =	ssyncadd.s32 $0xFFFFD880  }
.Ltmp1:
0x1b: {  	(pc) =	sbr.rel @p0 .LBB2_6-.Ltmp1, $1  }
0x1c: {  	_ =	sdelay $0x3  }
.Ltmp2:
0x1d: {  	(pc) =	sbr.rel .LBB2_5-.Ltmp2, $3  }
0x1e: {  	_ =	sdelay $0x1  }
0x1f: {  	s0 =	sshrl.u32 s2, $0x3;
	s10 =	rddreg [dreg:$0x5]  }
0x20: {  	[spmem:s0], [sflag:s15] =	dma.local [hbm:s10], $0x2000  }
.LBB2_4:
0x21: {  	s0 =	rddreg [dreg:$0x7]  }
0x22: {  	s10 =	rddreg [dreg:$0x9]  }
0x23: {  	[spmem:s10], [sflag:s15] =	dma.local [hbm:s0], $0x2000  }
.LBB2_5:
0x24: {  	_ =	swait.ge [sflag:s20], $0x2000  }
0x25: {  	[sflag:s20] =	ssyncset.done $0x0  }
0x26: {  	[sflag:s20] =	ssyncadd.s32 $0xFFFFE000  }
.LBB2_6:
0x27: {  	[bflag:$0x0] =	sbarrier.arrive $0xFFFF;
	s0 =	simm.s32 $0x0  }
.LBB2_7:
0x28: {  	s10 =	sadd.s32 s16, s0  }
0x29: {  	s10 =	sshll.u32 s10, $0x7  }
0x2a: {  	s11 =	sadd.s32 s5, s10  }
0x2b: {  	[tilespmem:s31], [sflag:$0x3] =	stream.linear.gather [hbm4b:s11+s31], $0x400, $0x38;
	[tilespmem:$0x1E800] =	vst v63  }
0x2c: {  	_ =	swait.ge [sflag:s20], $0x400  }
0x2d: {  	[sflag:s20] =	ssyncset.done $0x0  }
0x2e: {  	s12 =	sadd.s32 s6, s10;
	[sflag:s20] =	ssyncadd.s32 $0xFFFFFC00  }
0x2f: {  	[tilespmem:s22], [sflag:$0x3] =	stream.linear.gather [hbm4b:s12+s31], $0x400, $0x38;
	[tilespmem:$0x1E800] =	vst v63  }
0x30: {  	_ =	swait.ge [sflag:s20], $0x400  }
0x31: {  	[sflag:s20] =	ssyncset.done $0x0  }
0x32: {  	s10 =	sadd.s32 s7, s10;
	[sflag:s20] =	ssyncadd.s32 $0xFFFFFC00  }
0x33: {  	[tilespmem:s23], [sflag:$0x3] =	stream.linear.gather [hbm4b:s10+s31], $0x400, $0x38;
	[tilespmem:$0x1E800] =	vst v63  }
0x34: {  	_ =	swait.ge [sflag:s20], $0x400  }
0x35: {  	[sflag:s20] =	ssyncset.done $0x0  }
0x36: {  	s14 =	simm.s32 $0x0;
	[sflag:s20] =	ssyncadd.s32 $0xFFFFFC00  }
0x37: {  	[tilespmem:s26], [sflag:$0x1] =	stream.indirect.gather [hbm4b:s8+s24], $0x80, s14, s24, $0xb8;
	[tilespmem:$0x1E800] =	vst v63  }
0x38: {  	s21 =	simm.s32 $0x800  }
0x39: {  	[tilespmem:s28], [sflag:$0x2] =	stream.indirect.gather [spmem:s2], $0x80, s21, s24, $0xb8;
	[tilespmem:$0x1E800] =	vst v63  }
0x3a: {  	_ =	swait.ge [sflag:s29], $0x4000  }
0x3b: {  	[sflag:s29] =	ssyncset.done $0x0  }
0x3c: {  	s12 =	simm.s32 $0x400;
	[sflag:s29] =	ssyncadd.s32 $0xFFFFC000  }
0x3d: {  	[spmem:s1] =	stream.indirect.scatter.add.f32 [tilespmem:s26], [sflag:$0x3], $0x80, s12, s24, $0xb8;
	[tilespmem:$0x1E800] =	vst v63  }
0x3e: {  	_ =	swait.ge [sflag:s20], $0x4000  }
0x3f: {  	[sflag:s20] =	ssyncset.done $0x0  }
0x40: {  	[sflag:s20] =	ssyncadd.s32 $0xFFFFC000  }
0x41: {  	[tilespmem:s26], [sflag:$0x1] =	stream.indirect.gather [hbm4b:s9+s24], $0x80, s12, s24, $0xb8;
	[tilespmem:$0x1E800] =	vst v63  }
0x42: {  	_ =	swait.ge [sflag:s30], $0x4000  }
0x43: {  	[sflag:s30] =	ssyncset.done $0x0  }
0x44: {  	[sflag:s30] =	ssyncadd.s32 $0xFFFFC000  }
0x45: {  	[spmem:s1] =	stream.indirect.scatter.add.f32 [tilespmem:s28], [sflag:$0x3], $0x80, s12, s24, $0xb8;
	[tilespmem:$0x1E800] =	vst v63  }
0x46: {  	_ =	swait.ge [sflag:s20], $0x4000  }
0x47: {  	[sflag:s20] =	ssyncset.done $0x0  }
0x48: {  	[sflag:s20] =	ssyncadd.s32 $0xFFFFC000  }
0x49: {  	[tilespmem:s28], [sflag:$0x2] =	stream.indirect.gather [spmem:s3], $0x80, s21, s24, $0xb8;
	[tilespmem:$0x1E800] =	vst v63  }
0x4a: {  	_ =	swait.ge [sflag:s29], $0x4000  }
0x4b: {  	[sflag:s29] =	ssyncset.done $0x0  }
0x4c: {  	[sflag:s29] =	ssyncadd.s32 $0xFFFFC000  }
0x4d: {  	[spmem:s1] =	stream.indirect.scatter.add.f32 [tilespmem:s26], [sflag:$0x3], $0x80, s14, s24, $0xb8;
	[tilespmem:$0x1E800] =	vst v63  }
0x4e: {  	_ =	swait.ge [sflag:s20], $0x4000  }
0x4f: {  	[sflag:s20] =	ssyncset.done $0x0  }
0x50: {  	[sflag:s20] =	ssyncadd.s32 $0xFFFFC000  }
0x51: {  	_ =	swait.ge [sflag:s30], $0x4000  }
0x52: {  	[sflag:s30] =	ssyncset.done $0x0  }
0x53: {  	[sflag:s30] =	ssyncadd.s32 $0xFFFFC000  }
0x54: {  	[spmem:s1] =	stream.indirect.scatter.add.f32 [tilespmem:s28], [sflag:$0x3], $0x80, s14, s24, $0xb8;
	[tilespmem:$0x1E800] =	vst v63  }
0x55: {  	_ =	swait.ge [sflag:s20], $0x4000  }
0x56: {  	s10 =	simm.s32 $0x200;
	s12 =	simm.s32 $0x400;
	[sflag:s20] =	ssyncset.done $0x0  }
.LBB2_8:
0x57: {  	s21 =	sshra.s32 s10, $0x2  }
0x58: {  	[sflag:s20] =	ssyncadd.s32 $0xFFFFC000;
	s10 =	smov.u32 s12;
	s11 =	sadd.s32 $0x200, s12  }
0x59: {  	[tilespmem:s26], [sflag:$0x1] =	stream.indirect.gather [hbm4b:s8+s24], $0x80, s21, s24, $0xb8;
	[tilespmem:$0x1E800] =	vst v63  }
0x5a: {  	p3 =	sne.s32 s12, $0xE00;
	s12 =	sadd.s32 $0x800, s21  }
0x5b: {  	[tilespmem:s28], [sflag:$0x2] =	stream.indirect.gather [spmem:s2], $0x80, s12, s24, $0xb8;
	[tilespmem:$0x1E800] =	vst v63  }
0x5c: {  	_ =	swait.ge [sflag:s29], $0x4000  }
0x5d: {  	[sflag:s29] =	ssyncset.done $0x0  }
0x5e: {  	s14 =	sadd.s32 $0x400, s21;
	[sflag:s29] =	ssyncadd.s32 $0xFFFFC000  }
0x5f: {  	[spmem:s1] =	stream.indirect.scatter.add.f32 [tilespmem:s26], [sflag:$0x3], $0x80, s14, s24, $0xb8;
	[tilespmem:$0x1E800] =	vst v63  }
0x60: {  	_ =	swait.ge [sflag:s20], $0x4000  }
0x61: {  	[sflag:s20] =	ssyncset.done $0x0  }
0x62: {  	[sflag:s20] =	ssyncadd.s32 $0xFFFFC000  }
0x63: {  	[tilespmem:s26], [sflag:$0x1] =	stream.indirect.gather [hbm4b:s9+s24], $0x80, s14, s24, $0xb8;
	[tilespmem:$0x1E800] =	vst v63  }
0x64: {  	_ =	swait.ge [sflag:s30], $0x4000  }
0x65: {  	[sflag:s30] =	ssyncset.done $0x0  }
0x66: {  	[sflag:s30] =	ssyncadd.s32 $0xFFFFC000  }
0x67: {  	[spmem:s1] =	stream.indirect.scatter.add.f32 [tilespmem:s28], [sflag:$0x3], $0x80, s14, s24, $0xb8;
	[tilespmem:$0x1E800] =	vst v63  }
0x68: {  	_ =	swait.ge [sflag:s20], $0x4000  }
0x69: {  	[sflag:s20] =	ssyncset.done $0x0  }
0x6a: {  	[sflag:s20] =	ssyncadd.s32 $0xFFFFC000  }
0x6b: {  	[tilespmem:s28], [sflag:$0x2] =	stream.indirect.gather [spmem:s3], $0x80, s12, s24, $0xb8;
	[tilespmem:$0x1E800] =	vst v63  }
0x6c: {  	_ =	swait.ge [sflag:s29], $0x4000  }
0x6d: {  	[sflag:s29] =	ssyncset.done $0x0  }
0x6e: {  	[sflag:s29] =	ssyncadd.s32 $0xFFFFC000  }
0x6f: {  	[spmem:s1] =	stream.indirect.scatter.add.f32 [tilespmem:s26], [sflag:$0x3], $0x80, s21, s24, $0xb8;
	[tilespmem:$0x1E800] =	vst v63  }
0x70: {  	_ =	swait.ge [sflag:s20], $0x4000  }
0x71: {  	[sflag:s20] =	ssyncset.done $0x0  }
0x72: {  	[sflag:s20] =	ssyncadd.s32 $0xFFFFC000  }
0x73: {  	_ =	swait.ge [sflag:s30], $0x4000  }
.Ltmp3:
0x74: {  	[sflag:s30] =	ssyncset.done $0x0;
	(pc) =	sbr.rel @p3 .LBB2_8-.Ltmp3, $4  }
0x75: {  	[sflag:s30] =	ssyncadd.s32 $0xFFFFC000  }
0x76: {  	[spmem:s1] =	stream.indirect.scatter.add.f32 [tilespmem:s28], [sflag:$0x3], $0x80, s21, s24, $0xb8;
	[tilespmem:$0x1E800] =	vst v63  }
0x77: {  	_ =	swait.ge [sflag:s20], $0x4000  }
0x78: {  	s12 =	smov.u32 s11;
	[sflag:s20] =	ssyncset.done $0x0  }
0x79: {  	s10 =	sshra.s32 s10, $0x2;
	[sflag:s20] =	ssyncadd.s32 $0xFFFFC000  }
0x7a: {  	[tilespmem:s26], [sflag:$0x1] =	stream.indirect.gather [hbm4b:s8+s24], $0x80, s10, s24, $0xb8;
	[tilespmem:$0x1E800] =	vst v63  }
0x7b: {  	s11 =	sadd.s32 $0x800, s10  }
0x7c: {  	[tilespmem:s28], [sflag:$0x2] =	stream.indirect.gather [spmem:s2], $0x80, s11, s24, $0xb8;
	[tilespmem:$0x1E800] =	vst v63  }
0x7d: {  	_ =	swait.ge [sflag:s29], $0x4000  }
0x7e: {  	[sflag:s29] =	ssyncset.done $0x0  }
0x7f: {  	s12 =	sadd.s32 $0x400, s10;
	[sflag:s29] =	ssyncadd.s32 $0xFFFFC000  }
0x80: {  	[spmem:s1] =	stream.indirect.scatter.add.f32 [tilespmem:s26], [sflag:$0x3], $0x80, s12, s24, $0xb8;
	[tilespmem:$0x1E800] =	vst v63  }
0x81: {  	_ =	swait.ge [sflag:s20], $0x4000  }
0x82: {  	[sflag:s20] =	ssyncset.done $0x0  }
0x83: {  	[sflag:s20] =	ssyncadd.s32 $0xFFFFC000  }
0x84: {  	[tilespmem:s26], [sflag:$0x1] =	stream.indirect.gather [hbm4b:s9+s24], $0x80, s12, s24, $0xb8;
	[tilespmem:$0x1E800] =	vst v63  }
0x85: {  	_ =	swait.ge [sflag:s30], $0x4000  }
0x86: {  	[sflag:s30] =	ssyncset.done $0x0  }
0x87: {  	[sflag:s30] =	ssyncadd.s32 $0xFFFFC000  }
0x88: {  	[spmem:s1] =	stream.indirect.scatter.add.f32 [tilespmem:s28], [sflag:$0x3], $0x80, s12, s24, $0xb8;
	[tilespmem:$0x1E800] =	vst v63  }
0x89: {  	_ =	swait.ge [sflag:s20], $0x4000  }
0x8a: {  	[sflag:s20] =	ssyncset.done $0x0  }
0x8b: {  	[sflag:s20] =	ssyncadd.s32 $0xFFFFC000  }
0x8c: {  	[tilespmem:s28], [sflag:$0x2] =	stream.indirect.gather [spmem:s3], $0x80, s11, s24, $0xb8;
	[tilespmem:$0x1E800] =	vst v63  }
0x8d: {  	_ =	swait.ge [sflag:s29], $0x4000  }
0x8e: {  	[sflag:s29] =	ssyncset.done $0x0  }
0x8f: {  	[sflag:s29] =	ssyncadd.s32 $0xFFFFC000  }
0x90: {  	[spmem:s1] =	stream.indirect.scatter.add.f32 [tilespmem:s26], [sflag:$0x3], $0x80, s10, s24, $0xb8;
	[tilespmem:$0x1E800] =	vst v63  }
0x91: {  	_ =	swait.ge [sflag:s20], $0x4000  }
0x92: {  	[sflag:s20] =	ssyncset.done $0x0  }
0x93: {  	[sflag:s20] =	ssyncadd.s32 $0xFFFFC000  }
0x94: {  	s0 =	sadd.s32 $0x1, s0;
	_ =	swait.ge [sflag:s30], $0x4000  }
0x95: {  	p3 =	sne.s32 s0, $0xA;
	[sflag:s30] =	ssyncset.done $0x0  }
.Ltmp4:
0x96: {  	[sflag:s30] =	ssyncadd.s32 $0xFFFFC000;
	(pc) =	sbr.rel @p3 .LBB2_7-.Ltmp4, $4  }
0x97: {  	[spmem:s1] =	stream.indirect.scatter.add.f32 [tilespmem:s28], [sflag:$0x3], $0x80, s10, s24, $0xb8;
	[tilespmem:$0x1E800] =	vst v63  }
0x98: {  	_ =	swait.ge [sflag:s20], $0x4000  }
0x99: {  	[sflag:s20] =	ssyncset.done $0x0  }
0x9a: {  	[sflag:s20] =	ssyncadd.s32 $0xFFFFC000  }
0x9b: {  	[bflag:$0x0] =	sbarrier.arrive $0xFFFF;
	s0 =	sadd.s32 @p2 $0x25080, s17  }
0x9c: {  	[hbm:s0], [sflag:s15] =	dma.local @p2 [spmem:s25], $0x2080  }
0x9d: {  	s0 =	simm.s32 @p2 $0x3  }
0x9e: {  	_ =	swait.ge @p2 [sflag:s0], $0x2080  }
0x9f: {  	[sflag:s0] =	ssyncset.done @p2 $0x0  }
0xa0: {  	s4 =	sadd.s32 $0x1, s4;
	[sflag:s0] =	ssyncadd.s32 @p2 $0xFFFFDF80;
	s0 =	rddreg [dreg:$0x6]  }
0xa1: {  	s10 =	sshrl.u32 @!p2 s13, $0x3;
	p3 =	sne.s32 s4, s18;
	s0 =	sadd.s32 @!p2 s0, s17  }
0xa2: {  	[hbm:s0], [sflag:s15] =	dma.local @!p2 [spmem:s10], $0x2780  }
.Ltmp5:
0xa3: {  	_ = 	snop;
	(pc) =	sbr.rel @p3 .LBB2_1-.Ltmp5, $4  }
0xa4: {  	s0 =	simm.s32 @!p2 $0x3  }
0xa5: {  	_ =	swait.ge @!p2 [sflag:s0], $0x2780  }
0xa6: {  	[sflag:s0] =	ssyncset.done @!p2 $0x0  }
0xa7: {  	[sflag:s0] =	ssyncadd.s32 @!p2 $0xFFFFD880  }
0xa8: {  	_ =	sfence.sel $0x180000  }
0xa9: {  	[bflag:$0x0] =	sbarrier.arrive $0xFFFF  }
0xaa: {  	_ =	strace $0x9000004A  }
0xab: {  	[bflag:$0x2] =	sbarrier.arrive $0xFFFF  }
0xac: {  	s0 =	rddreg [dreg:$0x4]  }
0xad: {  	s0 =	sadd.s32 @!p0 $0x100000, s0  }
0xae: {  	[sflag:s0] =	ssyncadd.tile.s32 @!p0 $0x1;
	_ =	shalt  }
.Lfunc_end2:
_tile_overlayer_lowered:
.L_overlay_start_2:
0xaf: {  	(tag) =	ssettag $0x2  }
0xb0: {  	s0 =	rddreg [dreg:$0x0];
	s2 =	stileid.u32  }
0xb1: {  	s1 =	rddreg [dreg:$0x1];
	p0 =	sne.s32 s2, $0x0  }
0xb2: {  	s3 =	rddreg [dreg:$0x2];
	[bflag:$0x3] =	sbarrier.arrive $0xFFFF;
	s2 =	simm.s32 @!p0 $0x1C03  }
0xb3: {  	[timem:s3], [sflag:s2] =	dma.local @!p0 [hbm:s0], s1  }
0xb4: {  	s0 =	simm.s32 @!p0 $0x3  }
0xb5: {  	_ =	swait.ge @!p0 [sflag:s0], s1  }
0xb6: {  	s1 =	ssub.s32 @!p0 $0x0, s1;
	[sflag:s0] =	ssyncset.done @!p0 $0x0  }
0xb7: {  	[sflag:s0] =	ssyncadd.s32 @!p0 s1  }
0xb8: {  	[bflag:$0x3] =	sbarrier.arrive $0xFFFF  }
0xb9: {  	_ =	shalt  }

// kernel: kernel.18.cloned.1.call-start
scs
__scs_entry_jumppad:
0x0: {  	(pc) =	sbr.rel $0x88, $3  }
0x1: {  	(tag) =	ssettag $0x0;
	lr =	simm.s32 $0x1  }
0x2: {  	[smem:$0x3F8B] =	sst lr;
	_ =	strace $0xD0000000  }
0x3: {  	_ = 	snop  }
0x4: {  	_ = 	snop  }
0x5: {  	_ = 	snop  }
0x6: {  	_ = 	snop  }
0x7: {  	_ = 	snop  }
__scs_overlays_trampoline_lowered:
0x8: {  	[smem:$0x3F9A] =	sst s0  }
0x9: {  	[smem:$0x3F9B] =	sst s1  }
0xa: {  	[smem:$0x3F9C] =	sst s2  }
0xb: {  	[smem:$0x3F9D] =	sst s3  }
0xc: {  	[smem:$0x3F9E] =	sst s4  }
0xd: {  	[smem:$0x3F9F] =	sst s5  }
0xe: {  	[smem:$0x3FA0] =	sst s6  }
0xf: {  	[smem:$0x3FA1] =	sst s7  }
0x10: {  	[smem:$0x3FA2] =	sst s8  }
0x11: {  	[smem:$0x3FA3] =	sst s9;
	s0 =	simm.s32 @!p0 $0x0  }
0x12: {  	s1 =	sld [smem:$0x3F89];
	s0 =	simm.s32 @p0 $0x1  }
0x13: {  	[smem:$0x3FA4] =	sst s0;
	s0 =	simm.s32 @!p1 $0x0  }
0x14: {  	s2 =	sld [smem:$0x3F88];
	s0 =	simm.s32 @p1 $0x1  }
0x15: {  	[smem:$0x3FA5] =	sst s0;
	s0 =	simm.s32 @!p2 $0x0  }
0x16: {  	s3 =	sld [smem:$0x3FDB];
	s0 =	simm.s32 @p2 $0x1  }
0x17: {  	s4 =	simm.s32 $0x1BF5;
	[smem:$0x3FA7] =	sst s0  }
0x18: {  	s0 =	sld [smem:$0x3F8A];
	_ =	swait.ge [sflag:s4], $0x0  }
0x19: {  	s7 =	sld [smem:$0x3F8B]  }
0x1a: {  	s8 =	sadd.s32 $0xFFFFE003, lr  }
0x1b: {  	s9 =	sadd.s32 $0xFFFFFEF7, lr;
	s5 =	simm.s32 $0xFFFFFFFF;
	p2 =	slt.u32 s8, $0xFFFFF086  }
0x1c: {  	p1 =	slt.u32 s9, $0xF7A;
	s5 =	simm.s32 @!p2 $0x0  }
0x1d: {  	s5 =	simm.s32 @p1 $0x1;
	p0 =	seq.s32 s7, s2  }
0x1e: {  	s7 =	smul.u32 @!p0 $0xF7A, s2;
	p2 =	seq.s32 @!p0 s5, $0x0  }
0x1f: {  	s9 =	smul.u32 $0xF7A, s1;
	s8 =	simm.s32 @!p0 $0x1BF5;
	p2 =	por !p2, p0  }
0x20: {  	[sflag:s8] =	ssyncset.s32 @!p0 $0xFFFFF086;
	s6 =	sadd.s32 @!p0 s3, s7;
	s7 =	simm.s32 @!p0 $0x108  }
0x21: {  	s3 =	sadd.s32 s3, s9;
	s6 =	sadd.s32 @!p0 $0x88, s6;
	s7 =	simm.s32 @p2 $0x1082  }
0x22: {  	[simem:s7], [sflag:s8] =	dma.local @!p0 [hbm:s6], $0xF7A  }
0x23: {  	s9 =	sor.u32 $0xD0000000, s2;
	s6 =	simm.s32 $0x108;
	_ =	swait.ge @!p0 [sflag:s8], $0x0  }
0x24: {  	s3 =	sadd.s32 $0x88, s3;
	s6 =	simm.s32 @!p1 $0x1082;
	[sflag:s4] =	ssyncset.s32 $0xFFFFF086  }
0x25: {  	[simem:s6], [sflag:s4] =	dma.local [hbm:s3], $0xF7A  }
0x26: {  	[smem:$0x3F8B] =	sst s1;
	(tag) =	ssettag s2;
	_ =	strace s9  }
0x27: {  	s1 =	sld [smem:$0x3F9B]  }
0x28: {  	s2 =	sld [smem:$0x3F9C]  }
0x29: {  	s4 =	sld [smem:$0x3F9E]  }
0x2a: {  	p0 =	seq.s32 s5, $0x0;
	s5 =	sld [smem:$0x3F9F]  }
0x2b: {  	s6 =	sld [smem:$0x3FA0]  }
0x2c: {  	s7 =	sld [smem:$0x3FA1]  }
0x2d: {  	s3 =	simm.s32 $0x108;
	s8 =	sld [smem:$0x3FA2]  }
0x2e: {  	s3 =	simm.s32 @!p0 $0x1082;
	s9 =	sld [smem:$0x3FA3]  }
0x2f: {  	lr =	sadd.s32 s0, s3;
	s0 =	sld [smem:$0x3F9A]  }
0x30: {  	s3 =	sld [smem:$0x3F9D]  }
0x31: {  	[smem:$0x3FA6] =	sst s10  }
0x32: {  	s10 =	sld [smem:$0x3FA4];
	_ =	sdelay $0x3  }
0x33: {  	p0 =	seq.s32 s10, $0x1;
	s10 =	sld [smem:$0x3FA6];
	_ =	sdelay $0x3  }
0x34: {  	[smem:$0x3FA6] =	sst s10  }
0x35: {  	s10 =	sld [smem:$0x3FA5];
	_ =	sdelay $0x3  }
0x36: {  	p1 =	seq.s32 s10, $0x1;
	s10 =	sld [smem:$0x3FA6];
	_ =	sdelay $0x3  }
0x37: {  	[smem:$0x3FA6] =	sst s10  }
0x38: {  	s10 =	sld [smem:$0x3FA7]  }
0x39: {  	_ = 	snop;
	(pc) =	sbr.ind lr, $3  }
0x3a: {  	_ = 	snop  }
0x3b: {  	_ = 	snop  }
0x3c: {  	p2 =	seq.s32 s10, $0x1;
	s10 =	sld [smem:$0x3FA6]  }
0x3d: {  	_ =	shalt  }
0x3e: {  	_ =	shalt  }
0x3f: {  	_ =	shalt  }
0x40: {  	_ =	shalt  }
0x41: {  	_ =	shalt  }
0x42: {  	_ =	shalt  }
0x43: {  	_ =	shalt  }
0x44: {  	_ =	shalt  }
0x45: {  	_ =	shalt  }
0x46: {  	_ =	shalt  }
0x47: {  	_ =	shalt  }
0x48: {  	_ =	shalt  }
0x49: {  	_ =	shalt  }
0x4a: {  	_ =	shalt  }
0x4b: {  	_ =	shalt  }
0x4c: {  	_ =	shalt  }
0x4d: {  	_ =	shalt  }
0x4e: {  	_ =	shalt  }
0x4f: {  	_ =	shalt  }
0x50: {  	_ =	shalt  }
0x51: {  	_ =	shalt  }
0x52: {  	_ =	shalt  }
0x53: {  	_ =	shalt  }
0x54: {  	_ =	shalt  }
0x55: {  	_ =	shalt  }
0x56: {  	_ =	shalt  }
0x57: {  	_ =	shalt  }
0x58: {  	_ =	shalt  }
0x59: {  	_ =	shalt  }
0x5a: {  	_ =	shalt  }
0x5b: {  	_ =	shalt  }
0x5c: {  	_ =	shalt  }
0x5d: {  	_ =	shalt  }
0x5e: {  	_ =	shalt  }
0x5f: {  	_ =	shalt  }
0x60: {  	_ =	shalt  }
0x61: {  	_ =	shalt  }
0x62: {  	_ =	shalt  }
0x63: {  	_ =	shalt  }
0x64: {  	_ =	shalt  }
0x65: {  	_ =	shalt  }
0x66: {  	_ =	shalt  }
0x67: {  	_ =	shalt  }
0x68: {  	_ =	shalt  }
0x69: {  	_ =	shalt  }
0x6a: {  	_ =	shalt  }
0x6b: {  	_ =	shalt  }
0x6c: {  	_ =	shalt  }
0x6d: {  	_ =	shalt  }
0x6e: {  	_ =	shalt  }
0x6f: {  	_ =	shalt  }
0x70: {  	_ =	shalt  }
0x71: {  	_ =	shalt  }
0x72: {  	_ =	shalt  }
0x73: {  	_ =	shalt  }
0x74: {  	_ =	shalt  }
0x75: {  	_ =	shalt  }
0x76: {  	_ =	shalt  }
0x77: {  	_ =	shalt  }
0x78: {  	_ =	shalt  }
0x79: {  	_ =	shalt  }
0x7a: {  	_ =	shalt  }
0x7b: {  	_ =	shalt  }
0x7c: {  	_ =	shalt  }
0x7d: {  	_ =	shalt  }
0x7e: {  	_ =	shalt  }
0x7f: {  	_ =	shalt  }
0x80: {  	_ =	shalt  }
0x81: {  	_ =	shalt  }
0x82: {  	_ =	shalt  }
0x83: {  	_ =	shalt  }
0x84: {  	_ =	shalt  }
0x85: {  	_ =	shalt  }
0x86: {  	_ =	shalt  }
0x87: {  	_ =	shalt  }
.Lfunc_end0:
.L_simem_size_0:
called_computation.2_lowered:
.L_overlay_start_0:
0x88: {  	s2 =	sld [smem:$0x3FD9]  }
0x89: {  	s3 =	sld [smem:$0x3FFE];
	_ =	sdelay $0x1  }
0x8a: {  	s1 =	srdreg.scid  }
0x8b: {  	s0 =	sand.u32 $0x1, s1  }
0x8c: {  	s16 =	sshll.u32 s0, $0xA;
	s2 =	sadd.s32 s3, s2  }
0x8d: {  	s2 =	sadd.s32 s2, s16  }
0x8e: {  	[smem:$0x3FB2] =	sst s2  }
0x8f: {  	_ = 	snop  }
0x90: {  	(tm) =	ssettm $0x1  }
0x91: {  	s17 =	sld [smem:$0x3FFB];
	_ =	sdelay $0x3  }
0x92: {  	_ =	strace s17  }
0x93: {  	s2 =	sld [smem:$0x3FFC];
	_ =	sdelay $0x3  }
0x94: {  	_ =	strace s2  }
0x95: {  	s2 =	sld [smem:$0x3FFD];
	_ =	sdelay $0x3  }
0x96: {  	_ =	strace s2  }
0x97: {  	_ =	strace $0x8FFFFFFF  }
0x98: {  	s18 =	sld [smem:$0x3FDB];
	_ =	sdelay $0x1  }
0x99: {  	s19 =	simm.s32 $_scs_section_size  }
0x9a: {  	s4 =	simm.s32 $_size__tile_overlayer_lowered;
	s5 =	simm.s32 $_tile_overlayer_lowered  }
0x9b: {  	s22 =	simm.s32 $0x1BFF;
	s21 =	sshll.u32 s5, $0x1;
	s2 =	sadd.s32 s19, s18  }
0x9c: {  	s6 =	simm.s32 $0x0;
	s20 =	sshll.u32 s4, $0x1;
	s4 =	sadd.s32 s21, s2  }
0x9d: {  	[timem:s6], [sflag:s22] =	dma.local [hbm:s4], s20  }
0x9e: {  	_ =	swait.ge [sflag:s22], s20  }
0x9f: {  	s3 =	ssub.s32 $0x0, s20;
	[sflag:s22] =	ssyncset.done $0x0  }
0xa0: {  	[sflag:s22] =	ssyncadd.s32 s3;
	_ =	sdelay $0x1  }
0xa1: {  	s23 =	simm.s32 $0x1B8B  }
0xa2: {  	_ =	swait.ge [sflag:s23], $0x1  }
0xa3: {  	[sflag:s23] =	ssyncset.done $0x0  }
0xa4: {  	s25 =	simm.s32 $0x1B8E;
	s24 =	sld [smem:$0x3FFE];
	[sflag:s23] =	ssyncadd.s32 $0xFFFFFFFF  }
0xa5: {  	s26 =	simm.s32 $execute0_lowered;
	[smem:$0x3FD2] =	sst s25  }
0xa6: {  	s4 =	sshll.u32 s26, $0x1;
	_ =	strace $0x8000004C;
	[dreg:$0x1] =	wrdreg $0xFFFFFFFF  }
0xa7: {  	s28 =	simm.s32 $_size_execute0_lowered;
	s2 =	sadd.s32 s2, s4;
	[dreg:$0x0] =	wrdreg $0x0  }
0xa8: {  	s4 =	sshll.u32 s28, $0x1;
	[dreg:$0x2] =	wrdreg s2  }
0xa9: {  	[dreg:$0x3] =	wrdreg s4  }
0xaa: {  	[dreg:$0x4] =	wrdreg $0xC0  }
0xab: {  	_ =	task [dreg:s6], $0x5FFFF  }
0xac: {  	[dreg:$0x1] =	wrdreg $0xFFFFFFFF  }
0xad: {  	[dreg:$0x0] =	wrdreg $0x60  }
0xae: {  	[dreg:$0x2] =	wrdreg s24  }
0xaf: {  	[dreg:$0x3] =	wrdreg $0x10C000  }
0xb0: {  	[dreg:$0x4] =	wrdreg $0x12C000  }
0xb1: {  	[dreg:$0x5] =	wrdreg $0x9  }
0xb2: {  	_ =	task.clear_ibuf [dreg:s6], $0x6FFFF;
	_ =	strace $0x9000004C  }
0xb3: {  	s29 =	simm.s32 $0x9;
	_ =	strace $0x8000004E  }
0xb4: {  	_ =	swait.ge [sflag:s29], $0x1  }
0xb5: {  	[sflag:s29] =	ssyncadd.s32 $0xFFFFFFFF  }
0xb6: {  	_ =	strace $0x9000004E  }
0xb7: {  	_ =	sfence  }
0xb8: {  	s30 =	sld [smem:$0x0];
	_ =	sdelay $0x2  }
0xb9: {  	s31 =	sshll.u32 s1, $0xD;
	s1 =	sshrl.u32 s1, $0x2  }
0xba: {  	s3 =	sand.u32 $0x4000, s31;
	s1 =	sadd.s32 s1, s30  }
0xbb: {  	s0 =	sor.u32 s3, s0;
	s1 =	sshll.u32 s1, $0x11  }
0xbc: {  	s0 =	sor.u32 s1, s0  }
0xbd: {  	s0 =	sadd.s32 $0x8F2B, s0  }
0xbe: {  	[sflag:s0] =	ssyncadd.remote.s32 $0x1  }
0xbf: {  	_ =	sfence.sel $0xFFFF  }
0xc0: {  	[dreg:$0x0] =	wrdreg $0xFFFFFFFF;
	(pc) =	sbr.abs _section_cstart, $3  }
0xc1: {  	[dreg:$0x1] =	wrdreg $0xFFFFFFFF  }
0xc2: {  	_ =	task.clear_ibuf [dreg:s6], $0x2FFFF;
	_ =	strace $0x9FFFFFFF  }
0xc3: {  	(tm) =	ssettm $0x7FFFFFFF  }
tec
execute0_lowered:
.L_overlay_start_1:
0x0: {  	(tag) =	ssettag $0x1  }
0x1: {  	s0 =	rddreg [dreg:$0x0]  }
0x2: {  	s1 =	rddreg [dreg:$0x1]  }
0x3: {  	s2 =	rddreg [dreg:$0x2]  }
0x4: {  	s3 =	simm.s32 $0x0;
	s9 =	srdreg.scid;
	s15 =	stileid.u32  }
0x5: {  	s17 =	simm.s32 $0x5;
	s18 =	simm.s32 $0x400;
	s19 =	simm.s32 $0x800  }
0x6: {  	s20 =	simm.s32 $0x80;
	s21 =	simm.s32 $0xC00;
	s22 =	simm.s32 $0x4C00  }
0x7: {  	s23 =	simm.s32 $0x8C00;
	s28 =	simm.s32 $0x3;
	s29 =	simm.s32 $0x4  }
0x8: {  	s31 =	simm.s32 $0x0;
	[smem:$0x7FF] =	sst s3;
	s4 =	sadd.s32 $0x10000, s0  }
0x9: {  	s5 =	sadd.s32 $0x6000, s0;
	s6 =	sadd.s32 $0xF4A00, s0;
	s7 =	sadd.s32 $0xFEA00, s0  }
0xa: {  	s8 =	sadd.s32 $0x41800, s0;
	s9 =	sand.u32 $0x1, s9;
	s10 =	sadd.s32 $0xDEA00, s0  }
0xb: {  	s24 =	sadd.s32 $0xE2A00, s0;
	s11 =	sadd.s32 $0x14D400, s0;
	p0 =	seq.s32 s15, $0x1  }
0xc: {  	s30 =	sshrl.u32 s2, $0x3;
	_ =	strace $0x8000004D;
	[dreg:$0x4] =	wrdreg s10  }
0xd: {  	p1 =	sne.s32 s15, $0x0;
	[dreg:$0x5] =	wrdreg s24;
	s25 =	ssub.s32 $0x2, s9  }
0xe: {  	s9 =	sshll.u32 s9, $0x4;
	[dreg:$0x7] =	wrdreg s30;
	s12 =	sshrl.u32 s25, $0x1  }
0xf: {  	s24 =	simm.s32 $0xCC00;
	s9 =	sor.u32 s15, s9;
	s10 =	ssub.s32 s25, s12  }
0x10: {  	s12 =	sadd.s32 $0x64D400, s0;
	s13 =	smul.u32 $0x50, s9;
	s26 =	smax.u32 s10, $0x1  }
0x11: {  	s25 =	simm.s32 $0x1;
	[dreg:$0x6] =	wrdreg s26;
	s26 =	simm.s32 $0x2  }
.LBB2_1:
.Ltmp0:
0x12: {  	(pc) =	sbr.rel @p0 .LBB2_4-.Ltmp0, $1  }
0x13: {  	_ =	sdelay $0x3  }
.Ltmp1:
0x14: {  	(pc) =	sbr.rel @p1 .LBB2_6-.Ltmp1, $1  }
0x15: {  	_ =	sdelay $0x3  }
.Ltmp2:
0x16: {  	(pc) =	sbr.rel .LBB2_5-.Ltmp2, $3  }
0x17: {  	_ =	sdelay $0x1  }
0x18: {  	s0 =	sshrl.u32 s1, $0x3;
	s9 =	rddreg [dreg:$0x4];
	s10 =	simm.s32 $0x1C05  }
0x19: {  	[spmem:s0], [sflag:s10] =	dma.local [hbm:s9], $0x4000  }
.LBB2_4:
0x1a: {  	s0 =	rddreg [dreg:$0x5]  }
0x1b: {  	s9 =	rddreg [dreg:$0x7];
	s10 =	simm.s32 $0x1C45  }
0x1c: {  	[spmem:s9], [sflag:s10] =	dma.local [hbm:s0], $0x4000  }
.LBB2_5:
0x1d: {  	_ =	swait.ge [sflag:s17], $0x4000  }
0x1e: {  	[sflag:s17] =	ssyncset.done $0x0  }
0x1f: {  	[sflag:s17] =	ssyncadd.s32 $0xFFFFC000  }
.LBB2_6:
0x20: {  	[bflag:$0x0] =	sbarrier.arrive $0xFFFF;
	s0 =	simm.s32 $0x0;
	s16 =	simm.s32 $0x0  }
.LBB2_7:
0x21: {  	s9 =	sshll.u32 s16, $0x3  }
0x22: {  	s30 =	sadd.s32 s13, s9  }
0x23: {  	s9 =	sshll.u32 s30, $0x4  }
0x24: {  	s10 =	sadd.s32 s4, s9  }
0x25: {  	[tilespmem:s0], [sflag:$0x5] =	stream.linear.gather [hbm4b:s10+s0], $0x400, $0x38;
	[tilespmem:$0x14C00] =	vst v63  }
0x26: {  	_ =	swait.ge [sflag:s17], $0x400  }
0x27: {  	[sflag:s17] =	ssyncset.done $0x0  }
0x28: {  	s15 =	sadd.s32 s5, s9;
	[sflag:s17] =	ssyncadd.s32 $0xFFFFFC00  }
0x29: {  	[tilespmem:s18], [sflag:$0x5] =	stream.linear.gather [hbm4b:s15+s0], $0x400, $0x38;
	[tilespmem:$0x14C00] =	vst v63  }
0x2a: {  	_ =	swait.ge [sflag:s17], $0x400  }
0x2b: {  	[sflag:s17] =	ssyncset.done $0x0  }
0x2c: {  	s9 =	sadd.s32 s6, s9;
	[sflag:s17] =	ssyncadd.s32 $0xFFFFFC00  }
0x2d: {  	[tilespmem:s19], [sflag:$0x5] =	stream.linear.gather [hbm4b:s9+s0], $0x400, $0x38;
	[tilespmem:$0x14C00] =	vst v63  }
0x2e: {  	_ =	swait.ge [sflag:s17], $0x400  }
0x2f: {  	[sflag:s17] =	ssyncset.done $0x0  }
0x30: {  	s9 =	simm.s32 $0x0;
	[sflag:s17] =	ssyncadd.s32 $0xFFFFFC00  }
.LBB2_8:
0x31: {  	s10 =	sshll.u32 s9, $0x7  }
0x32: {  	[tilespmem:s21], [sflag:$0x1] =	stream.indirect.gather [hbm4b:s7+s20], $0x80, s10, s20, $0xb8;
	[tilespmem:$0x14C00] =	vst v63  }
0x33: {  	s15 =	sadd.s32 $0x400, s10  }
0x34: {  	[tilespmem:s22], [sflag:$0x2] =	stream.indirect.gather [hbm4b:s8+s20], $0x80, s15, s20, $0xb8;
	[tilespmem:$0x14C00] =	vst v63  }
0x35: {  	s10 =	sadd.s32 $0x800, s10  }
0x36: {  	[tilespmem:s23], [sflag:$0x3] =	stream.indirect.gather [spmem:s1], $0x80, s10, s20, $0xb8;
	[tilespmem:$0x14C00] =	vst v63  }
0x37: {  	_ = 	snop  }
0x38: {  	[tilespmem:s24], [sflag:$0x4] =	stream.indirect.gather [spmem:s2], $0x80, s10, s20, $0xb8;
	[tilespmem:$0x14C00] =	vst v63  }
0x39: {  	_ =	swait.ge [sflag:s25], $0x4000  }
0x3a: {  	[sflag:s25] =	ssyncset.done $0x0  }
0x3b: {  	[sflag:s25] =	ssyncadd.s32 $0xFFFFC000  }
0x3c: {  	_ =	swait.ge [sflag:s26], $0x4000  }
0x3d: {  	[sflag:s26] =	ssyncset.done $0x0  }
0x3e: {  	[sflag:s26] =	ssyncadd.s32 $0xFFFFC000  }
0x3f: {  	_ =	swait.ge [sflag:s28], $0x4000  }
0x40: {  	[sflag:s28] =	ssyncset.done $0x0  }
0x41: {  	s10 =	simm.s32 $0x0;
	[sflag:s28] =	ssyncadd.s32 $0xFFFFC000  }
0x42: {  	v5 =	vld [tilespmem:s10+$0x8C00]  }
0x43: {  	v4 =	vld [tilespmem:s10+$0x8C10]  }
0x44: {  	v3 =	vld [tilespmem:s10+$0x8C20]  }
0x45: {  	v2 =	vld [tilespmem:s10+$0x8C30]  }
0x46: {  	v1 =	vld [tilespmem:s10+$0x8C40]  }
0x47: {  	v0 =	vld [tilespmem:s10+$0x8C50]  }
0x48: {  	v12 =	vld [tilespmem:s10+$0x4C00]  }
0x49: {  	v17 =	vld [tilespmem:s10+$0x4C10]  }
0x4a: {  	v11 =	vld [tilespmem:s10+$0x4C20]  }
0x4b: {  	v10 =	vld [tilespmem:s10+$0x4C30]  }
0x4c: {  	v9 =	vld [tilespmem:s10+$0x4C40]  }
0x4d: {  	v8 =	vld [tilespmem:s10+$0x4C50]  }
0x4e: {  	v7 =	vld [tilespmem:s10+$0x4C60]  }
0x4f: {  	v6 =	vld [tilespmem:s10+$0x4C70]  }
0x50: {  	v18 =	vld [tilespmem:s10+$0xC00]  }
0x51: {  	v19 =	vld [tilespmem:s10+$0xC10]  }
0x52: {  	v16 =	vld [tilespmem:s10+$0xC20]  }
0x53: {  	v15 =	vld [tilespmem:s10+$0xC30]  }
0x54: {  	v14 =	vld [tilespmem:s10+$0xC40]  }
0x55: {  	v13 =	vld [tilespmem:s10+$0xC50];
	v18 =	vadd.f32 v12, v18  }
0x56: {  	s15 =	simm.s32 $0x200;
	v17 =	vadd.f32 v17, v19;
	v12 =	vld [tilespmem:s10+$0xC60]  }
.LBB2_9:
0x57: {  	p2 =	sne.s32 s15, $0xFE00;
	v5 =	vadd.f32 v5, v18;
	v11 =	vadd.f32 v11, v16;
	v16 =	vld [tilespmem:s10+$0xC70]  }
0x58: {  	v4 =	vadd.f32 v4, v17;
	v10 =	vadd.f32 v10, v15;
	v15 =	vld [tilespmem:s10+$0x8C60]  }
0x59: {  	s14 =	sshra.s32 s15, $0x2;
	[tilespmem:s10+$0xC00] =	vst v5;
	v3 =	vadd.f32 v3, v11;
	v9 =	vadd.f32 v9, v14;
	v11 =	vld [tilespmem:s10+$0x8C70]  }
0x5a: {  	v5 =	vld [tilespmem:s14+$0x8C00];
	[tilespmem:s10+$0xC10] =	vst v4;
	v2 =	vadd.f32 v2, v10;
	v8 =	vadd.f32 v8, v13  }
0x5b: {  	v4 =	vld [tilespmem:s14+$0x8C10];
	[tilespmem:s10+$0xC20] =	vst v3;
	v1 =	vadd.f32 v1, v9;
	v7 =	vadd.f32 v7, v12  }
0x5c: {  	v3 =	vld [tilespmem:s14+$0x8C20];
	[tilespmem:s10+$0xC30] =	vst v2;
	v0 =	vadd.f32 v0, v8;
	v6 =	vadd.f32 v6, v16  }
0x5d: {  	v2 =	vld [tilespmem:s14+$0x8C30];
	[tilespmem:s10+$0xC40] =	vst v1;
	v7 =	vadd.f32 v15, v7  }
0x5e: {  	v1 =	vld [tilespmem:s14+$0x8C40];
	[tilespmem:s10+$0xC50] =	vst v0;
	v6 =	vadd.f32 v11, v6  }
0x5f: {  	v0 =	vld [tilespmem:s14+$0x8C50];
	[tilespmem:s10+$0xC60] =	vst v7  }
0x60: {  	v12 =	vld [tilespmem:s14+$0x4C00];
	[tilespmem:s10+$0xC70] =	vst v6;
	s10 =	smov.u32 s14  }
0x61: {  	v17 =	vld [tilespmem:s10+$0x4C10]  }
0x62: {  	v11 =	vld [tilespmem:s10+$0x4C20]  }
0x63: {  	v10 =	vld [tilespmem:s10+$0x4C30]  }
0x64: {  	v9 =	vld [tilespmem:s10+$0x4C40]  }
0x65: {  	v8 =	vld [tilespmem:s10+$0x4C50]  }
0x66: {  	v7 =	vld [tilespmem:s10+$0x4C60]  }
0x67: {  	v6 =	vld [tilespmem:s10+$0x4C70]  }
0x68: {  	v13 =	vld [tilespmem:s10+$0xC00]  }
0x69: {  	v19 =	vld [tilespmem:s10+$0xC10]  }
.Ltmp3:
0x6a: {  	v16 =	vld [tilespmem:s10+$0xC20];
	(pc) =	sbr.rel @p2 .LBB2_9-.Ltmp3, $4  }
0x6b: {  	v15 =	vld [tilespmem:s10+$0xC30]  }
0x6c: {  	v14 =	vld [tilespmem:s10+$0xC40]  }
0x6d: {  	v18 =	vadd.f32 v12, v13;
	v13 =	vld [tilespmem:s10+$0xC50]  }
0x6e: {  	s15 =	sadd.s32 $0x200, s15;
	v17 =	vadd.f32 v17, v19;
	v12 =	vld [tilespmem:s10+$0xC60]  }
0x6f: {  	v5 =	vadd.f32 v5, v18;
	v55 =	vld [tilespmem:s10+$0xC70];
	v11 =	vadd.f32 v11, v16  }
0x70: {  	v56 =	vld [tilespmem:s10+$0x8C60];
	v4 =	vadd.f32 v4, v17;
	v10 =	vadd.f32 v10, v15  }
0x71: {  	v58 =	vld [tilespmem:s10+$0x8C70];
	[tilespmem:s10+$0xC00] =	vst v5;
	v3 =	vadd.f32 v3, v11;
	v57 =	vadd.f32 v9, v14  }
0x72: {  	[tilespmem:s10+$0xC10] =	vst v4;
	v2 =	vadd.f32 v2, v10;
	v59 =	vadd.f32 v8, v13  }
0x73: {  	[tilespmem:s10+$0xC20] =	vst v3;
	v1 =	vadd.f32 v1, v57;
	v60 =	vadd.f32 v7, v12  }
0x74: {  	[tilespmem:s10+$0xC30] =	vst v2;
	v0 =	vadd.f32 v0, v59;
	v61 =	vadd.f32 v6, v55  }
0x75: {  	[tilespmem:s10+$0xC40] =	vst v1;
	v62 =	vadd.f32 v56, v60  }
0x76: {  	s14 =	sadd.s32 s9, s30;
	[tilespmem:s10+$0xC50] =	vst v0;
	v63 =	vadd.f32 v58, v61  }
0x77: {  	s14 =	sshll.u32 s14, $0xB;
	[tilespmem:s10+$0xC60] =	vst v62  }
0x78: {  	s15 =	sadd.s32 s11, s14;
	[tilespmem:s10+$0xC70] =	vst v63  }
0x79: {  	[hbm4b:s15+s3] =	stream.linear.scatter [tilespmem:s21], [sflag:$0x5], $0x4000, $0x38;
	[tilespmem:$0x14C00] =	vst v63  }
0x7a: {  	_ =	swait.ge [sflag:s17], $0x4000  }
0x7b: {  	[sflag:s17] =	ssyncset.done $0x0  }
0x7c: {  	[sflag:s17] =	ssyncadd.s32 $0xFFFFC000  }
0x7d: {  	s9 =	sadd.s32 $0x1, s9;
	_ =	swait.ge [sflag:s29], $0x4000  }
0x7e: {  	p2 =	sne.s32 s9, $0x8;
	[sflag:s29] =	ssyncset.done $0x0  }
.Ltmp4:
0x7f: {  	s15 =	sadd.s32 s12, s14;
	[sflag:s29] =	ssyncadd.s32 $0xFFFFC000;
	(pc) =	sbr.rel @p2 .LBB2_8-.Ltmp4, $4  }
0x80: {  	[hbm4b:s15+s3] =	stream.linear.scatter [tilespmem:s24], [sflag:$0x5], $0x4000, $0x38;
	[tilespmem:$0x14C00] =	vst v63  }
0x81: {  	_ =	swait.ge [sflag:s17], $0x4000  }
0x82: {  	[sflag:s17] =	ssyncset.done $0x0  }
0x83: {  	[sflag:s17] =	ssyncadd.s32 $0xFFFFC000  }
0x84: {  	s16 =	sadd.s32 $0x1, s16  }
0x85: {  	p2 =	sne.s32 s16, $0xA  }
.Ltmp5:
0x86: {  	_ = 	snop;
	(pc) =	sbr.rel @p2 .LBB2_7-.Ltmp5, $1  }
0x87: {  	_ =	sdelay $0x3  }
0x88: {  	s31 =	sadd.s32 $0x1, s31;
	s0 =	rddreg [dreg:$0x6]  }
0x89: {  	p2 =	sne.s32 s31, s0  }
.Ltmp6:
0x8a: {  	_ = 	snop;
	(pc) =	sbr.rel @p2 .LBB2_1-.Ltmp6, $1  }
0x8b: {  	_ =	sdelay $0x3  }
0x8c: {  	_ =	sfence.sel $0x180000  }
0x8d: {  	[bflag:$0x0] =	sbarrier.arrive $0xFFFF  }
0x8e: {  	_ =	strace $0x9000004D  }
0x8f: {  	[bflag:$0x2] =	sbarrier.arrive $0xFFFF  }
0x90: {  	s0 =	rddreg [dreg:$0x3]  }
0x91: {  	s0 =	sadd.s32 @!p1 $0x100000, s0  }
0x92: {  	[sflag:s0] =	ssyncadd.tile.s32 @!p1 $0x1;
	_ =	shalt  }
.Lfunc_end2:
_tile_overlayer_lowered:
.L_overlay_start_2:
0x93: {  	(tag) =	ssettag $0x2  }
0x94: {  	s0 =	rddreg [dreg:$0x0];
	s2 =	stileid.u32  }
0x95: {  	s1 =	rddreg [dreg:$0x1];
	p0 =	sne.s32 s2, $0x0  }
0x96: {  	s3 =	rddreg [dreg:$0x2];
	[bflag:$0x3] =	sbarrier.arrive $0xFFFF;
	s2 =	simm.s32 @!p0 $0x1C05  }
0x97: {  	[timem:s3], [sflag:s2] =	dma.local @!p0 [hbm:s0], s1  }
0x98: {  	s0 =	simm.s32 @!p0 $0x5  }
0x99: {  	_ =	swait.ge @!p0 [sflag:s0], s1  }
0x9a: {  	s1 =	ssub.s32 @!p0 $0x0, s1;
	[sflag:s0] =	ssyncset.done @!p0 $0x0  }
0x9b: {  	[sflag:s0] =	ssyncadd.s32 @!p0 s1  }
0x9c: {  	[bflag:$0x3] =	sbarrier.arrive $0xFFFF  }
0x9d: {  	_ =	shalt  }

// kernel: kernel.21.cloned.1.call-start
scs
__scs_entry_jumppad:
0x0: {  	(pc) =	sbr.rel $0x88, $3  }
0x1: {  	(tag) =	ssettag $0x0;
	lr =	simm.s32 $0x1  }
0x2: {  	[smem:$0x3F8B] =	sst lr;
	_ =	strace $0xD0000000  }
0x3: {  	_ = 	snop  }
0x4: {  	_ = 	snop  }
0x5: {  	_ = 	snop  }
0x6: {  	_ = 	snop  }
0x7: {  	_ = 	snop  }
__scs_overlays_trampoline_lowered:
0x8: {  	[smem:$0x3F9A] =	sst s0  }
0x9: {  	[smem:$0x3F9B] =	sst s1  }
0xa: {  	[smem:$0x3F9C] =	sst s2  }
0xb: {  	[smem:$0x3F9D] =	sst s3  }
0xc: {  	[smem:$0x3F9E] =	sst s4  }
0xd: {  	[smem:$0x3F9F] =	sst s5  }
0xe: {  	[smem:$0x3FA0] =	sst s6  }
0xf: {  	[smem:$0x3FA1] =	sst s7  }
0x10: {  	[smem:$0x3FA2] =	sst s8  }
0x11: {  	[smem:$0x3FA3] =	sst s9;
	s0 =	simm.s32 @!p0 $0x0  }
0x12: {  	s1 =	sld [smem:$0x3F89];
	s0 =	simm.s32 @p0 $0x1  }
0x13: {  	[smem:$0x3FA4] =	sst s0;
	s0 =	simm.s32 @!p1 $0x0  }
0x14: {  	s2 =	sld [smem:$0x3F88];
	s0 =	simm.s32 @p1 $0x1  }
0x15: {  	[smem:$0x3FA5] =	sst s0;
	s0 =	simm.s32 @!p2 $0x0  }
0x16: {  	s3 =	sld [smem:$0x3FDB];
	s0 =	simm.s32 @p2 $0x1  }
0x17: {  	s4 =	simm.s32 $0x1BF5;
	[smem:$0x3FA7] =	sst s0  }
0x18: {  	s0 =	sld [smem:$0x3F8A];
	_ =	swait.ge [sflag:s4], $0x0  }
0x19: {  	s7 =	sld [smem:$0x3F8B]  }
0x1a: {  	s8 =	sadd.s32 $0xFFFFE003, lr  }
0x1b: {  	s9 =	sadd.s32 $0xFFFFFEF7, lr;
	s5 =	simm.s32 $0xFFFFFFFF;
	p2 =	slt.u32 s8, $0xFFFFF086  }
0x1c: {  	p1 =	slt.u32 s9, $0xF7A;
	s5 =	simm.s32 @!p2 $0x0  }
0x1d: {  	s5 =	simm.s32 @p1 $0x1;
	p0 =	seq.s32 s7, s2  }
0x1e: {  	s7 =	smul.u32 @!p0 $0xF7A, s2;
	p2 =	seq.s32 @!p0 s5, $0x0  }
0x1f: {  	s9 =	smul.u32 $0xF7A, s1;
	s8 =	simm.s32 @!p0 $0x1BF5;
	p2 =	por !p2, p0  }
0x20: {  	[sflag:s8] =	ssyncset.s32 @!p0 $0xFFFFF086;
	s6 =	sadd.s32 @!p0 s3, s7;
	s7 =	simm.s32 @!p0 $0x108  }
0x21: {  	s3 =	sadd.s32 s3, s9;
	s6 =	sadd.s32 @!p0 $0x88, s6;
	s7 =	simm.s32 @p2 $0x1082  }
0x22: {  	[simem:s7], [sflag:s8] =	dma.local @!p0 [hbm:s6], $0xF7A  }
0x23: {  	s9 =	sor.u32 $0xD0000000, s2;
	s6 =	simm.s32 $0x108;
	_ =	swait.ge @!p0 [sflag:s8], $0x0  }
0x24: {  	s3 =	sadd.s32 $0x88, s3;
	s6 =	simm.s32 @!p1 $0x1082;
	[sflag:s4] =	ssyncset.s32 $0xFFFFF086  }
0x25: {  	[simem:s6], [sflag:s4] =	dma.local [hbm:s3], $0xF7A  }
0x26: {  	[smem:$0x3F8B] =	sst s1;
	(tag) =	ssettag s2;
	_ =	strace s9  }
0x27: {  	s1 =	sld [smem:$0x3F9B]  }
0x28: {  	s2 =	sld [smem:$0x3F9C]  }
0x29: {  	s4 =	sld [smem:$0x3F9E]  }
0x2a: {  	p0 =	seq.s32 s5, $0x0;
	s5 =	sld [smem:$0x3F9F]  }
0x2b: {  	s6 =	sld [smem:$0x3FA0]  }
0x2c: {  	s7 =	sld [smem:$0x3FA1]  }
0x2d: {  	s3 =	simm.s32 $0x108;
	s8 =	sld [smem:$0x3FA2]  }
0x2e: {  	s3 =	simm.s32 @!p0 $0x1082;
	s9 =	sld [smem:$0x3FA3]  }
0x2f: {  	lr =	sadd.s32 s0, s3;
	s0 =	sld [smem:$0x3F9A]  }
0x30: {  	s3 =	sld [smem:$0x3F9D]  }
0x31: {  	[smem:$0x3FA6] =	sst s10  }
0x32: {  	s10 =	sld [smem:$0x3FA4];
	_ =	sdelay $0x3  }
0x33: {  	p0 =	seq.s32 s10, $0x1;
	s10 =	sld [smem:$0x3FA6];
	_ =	sdelay $0x3  }
0x34: {  	[smem:$0x3FA6] =	sst s10  }
0x35: {  	s10 =	sld [smem:$0x3FA5];
	_ =	sdelay $0x3  }
0x36: {  	p1 =	seq.s32 s10, $0x1;
	s10 =	sld [smem:$0x3FA6];
	_ =	sdelay $0x3  }
0x37: {  	[smem:$0x3FA6] =	sst s10  }
0x38: {  	s10 =	sld [smem:$0x3FA7]  }
0x39: {  	_ = 	snop;
	(pc) =	sbr.ind lr, $3  }
0x3a: {  	_ = 	snop  }
0x3b: {  	_ = 	snop  }
0x3c: {  	p2 =	seq.s32 s10, $0x1;
	s10 =	sld [smem:$0x3FA6]  }
0x3d: {  	_ =	shalt  }
0x3e: {  	_ =	shalt  }
0x3f: {  	_ =	shalt  }
0x40: {  	_ =	shalt  }
0x41: {  	_ =	shalt  }
0x42: {  	_ =	shalt  }
0x43: {  	_ =	shalt  }
0x44: {  	_ =	shalt  }
0x45: {  	_ =	shalt  }
0x46: {  	_ =	shalt  }
0x47: {  	_ =	shalt  }
0x48: {  	_ =	shalt  }
0x49: {  	_ =	shalt  }
0x4a: {  	_ =	shalt  }
0x4b: {  	_ =	shalt  }
0x4c: {  	_ =	shalt  }
0x4d: {  	_ =	shalt  }
0x4e: {  	_ =	shalt  }
0x4f: {  	_ =	shalt  }
0x50: {  	_ =	shalt  }
0x51: {  	_ =	shalt  }
0x52: {  	_ =	shalt  }
0x53: {  	_ =	shalt  }
0x54: {  	_ =	shalt  }
0x55: {  	_ =	shalt  }
0x56: {  	_ =	shalt  }
0x57: {  	_ =	shalt  }
0x58: {  	_ =	shalt  }
0x59: {  	_ =	shalt  }
0x5a: {  	_ =	shalt  }
0x5b: {  	_ =	shalt  }
0x5c: {  	_ =	shalt  }
0x5d: {  	_ =	shalt  }
0x5e: {  	_ =	shalt  }
0x5f: {  	_ =	shalt  }
0x60: {  	_ =	shalt  }
0x61: {  	_ =	shalt  }
0x62: {  	_ =	shalt  }
0x63: {  	_ =	shalt  }
0x64: {  	_ =	shalt  }
0x65: {  	_ =	shalt  }
0x66: {  	_ =	shalt  }
0x67: {  	_ =	shalt  }
0x68: {  	_ =	shalt  }
0x69: {  	_ =	shalt  }
0x6a: {  	_ =	shalt  }
0x6b: {  	_ =	shalt  }
0x6c: {  	_ =	shalt  }
0x6d: {  	_ =	shalt  }
0x6e: {  	_ =	shalt  }
0x6f: {  	_ =	shalt  }
0x70: {  	_ =	shalt  }
0x71: {  	_ =	shalt  }
0x72: {  	_ =	shalt  }
0x73: {  	_ =	shalt  }
0x74: {  	_ =	shalt  }
0x75: {  	_ =	shalt  }
0x76: {  	_ =	shalt  }
0x77: {  	_ =	shalt  }
0x78: {  	_ =	shalt  }
0x79: {  	_ =	shalt  }
0x7a: {  	_ =	shalt  }
0x7b: {  	_ =	shalt  }
0x7c: {  	_ =	shalt  }
0x7d: {  	_ =	shalt  }
0x7e: {  	_ =	shalt  }
0x7f: {  	_ =	shalt  }
0x80: {  	_ =	shalt  }
0x81: {  	_ =	shalt  }
0x82: {  	_ =	shalt  }
0x83: {  	_ =	shalt  }
0x84: {  	_ =	shalt  }
0x85: {  	_ =	shalt  }
0x86: {  	_ =	shalt  }
0x87: {  	_ =	shalt  }
.Lfunc_end0:
.L_simem_size_0:
called_computation.3_lowered:
.L_overlay_start_0:
0x88: {  	s2 =	sld [smem:$0x3FD9]  }
0x89: {  	s3 =	sld [smem:$0x3FFE];
	_ =	sdelay $0x1  }
0x8a: {  	s1 =	srdreg.scid  }
0x8b: {  	s0 =	sand.u32 $0x1, s1  }
0x8c: {  	s16 =	sshll.u32 s0, $0xA;
	s2 =	sadd.s32 s3, s2  }
0x8d: {  	s2 =	sadd.s32 s2, s16  }
0x8e: {  	[smem:$0x3FB2] =	sst s2  }
0x8f: {  	_ = 	snop  }
0x90: {  	(tm) =	ssettm $0x1  }
0x91: {  	s17 =	sld [smem:$0x3FFB];
	_ =	sdelay $0x3  }
0x92: {  	_ =	strace s17  }
0x93: {  	s2 =	sld [smem:$0x3FFC];
	_ =	sdelay $0x3  }
0x94: {  	_ =	strace s2  }
0x95: {  	s2 =	sld [smem:$0x3FFD];
	_ =	sdelay $0x3  }
0x96: {  	_ =	strace s2  }
0x97: {  	_ =	strace $0x8FFFFFFF  }
0x98: {  	s18 =	sld [smem:$0x3FDB];
	_ =	sdelay $0x1  }
0x99: {  	s19 =	simm.s32 $_scs_section_size  }
0x9a: {  	s4 =	simm.s32 $_size__tile_overlayer_lowered;
	s5 =	simm.s32 $_tile_overlayer_lowered  }
0x9b: {  	s22 =	simm.s32 $0x1BFF;
	s21 =	sshll.u32 s5, $0x1;
	s2 =	sadd.s32 s19, s18  }
0x9c: {  	s6 =	simm.s32 $0x0;
	s20 =	sshll.u32 s4, $0x1;
	s4 =	sadd.s32 s21, s2  }
0x9d: {  	[timem:s6], [sflag:s22] =	dma.local [hbm:s4], s20  }
0x9e: {  	_ =	swait.ge [sflag:s22], s20  }
0x9f: {  	s3 =	ssub.s32 $0x0, s20;
	[sflag:s22] =	ssyncset.done $0x0  }
0xa0: {  	[sflag:s22] =	ssyncadd.s32 s3;
	_ =	sdelay $0x1  }
0xa1: {  	s23 =	simm.s32 $0x1B8B  }
0xa2: {  	_ =	swait.ge [sflag:s23], $0x1  }
0xa3: {  	[sflag:s23] =	ssyncset.done $0x0  }
0xa4: {  	s25 =	simm.s32 $0x1B8E;
	s24 =	sld [smem:$0x3FFE];
	[sflag:s23] =	ssyncadd.s32 $0xFFFFFFFF  }
0xa5: {  	s26 =	simm.s32 $execute0_lowered;
	[smem:$0x3FD2] =	sst s25  }
0xa6: {  	s4 =	sshll.u32 s26, $0x1;
	_ =	strace $0x8000004F;
	[dreg:$0x1] =	wrdreg $0xFFFFFFFF  }
0xa7: {  	s28 =	simm.s32 $_size_execute0_lowered;
	s2 =	sadd.s32 s2, s4;
	[dreg:$0x0] =	wrdreg $0x0  }
0xa8: {  	s4 =	sshll.u32 s28, $0x1;
	[dreg:$0x2] =	wrdreg s2  }
0xa9: {  	[dreg:$0x3] =	wrdreg s4  }
0xaa: {  	[dreg:$0x4] =	wrdreg $0xC0  }
0xab: {  	_ =	task [dreg:s6], $0x5FFFF  }
0xac: {  	[dreg:$0x1] =	wrdreg $0xFFFFFFFF  }
0xad: {  	[dreg:$0x0] =	wrdreg $0x60  }
0xae: {  	[dreg:$0x2] =	wrdreg s24  }
0xaf: {  	[dreg:$0x3] =	wrdreg $0x88000  }
0xb0: {  	[dreg:$0x4] =	wrdreg $0x9  }
0xb1: {  	_ =	task.clear_ibuf [dreg:s6], $0x5FFFF;
	_ =	strace $0x9000004F  }
0xb2: {  	s29 =	simm.s32 $0x9;
	_ =	strace $0x80000051  }
0xb3: {  	_ =	swait.ge [sflag:s29], $0x1  }
0xb4: {  	[sflag:s29] =	ssyncadd.s32 $0xFFFFFFFF  }
0xb5: {  	_ =	strace $0x90000051  }
0xb6: {  	_ =	sfence  }
0xb7: {  	s30 =	sld [smem:$0x0];
	_ =	sdelay $0x2  }
0xb8: {  	s31 =	sshll.u32 s1, $0xD;
	s1 =	sshrl.u32 s1, $0x2  }
0xb9: {  	s3 =	sand.u32 $0x4000, s31;
	s1 =	sadd.s32 s1, s30  }
0xba: {  	s0 =	sor.u32 s3, s0;
	s1 =	sshll.u32 s1, $0x11  }
0xbb: {  	s0 =	sor.u32 s1, s0  }
0xbc: {  	s0 =	sadd.s32 $0x8F2B, s0  }
0xbd: {  	[sflag:s0] =	ssyncadd.remote.s32 $0x1  }
0xbe: {  	_ =	sfence.sel $0xFFFF  }
0xbf: {  	[dreg:$0x0] =	wrdreg $0xFFFFFFFF;
	(pc) =	sbr.abs _section_cstart, $3  }
0xc0: {  	[dreg:$0x1] =	wrdreg $0xFFFFFFFF  }
0xc1: {  	_ =	task.clear_ibuf [dreg:s6], $0x2FFFF;
	_ =	strace $0x9FFFFFFF  }
0xc2: {  	(tm) =	ssettm $0x7FFFFFFF  }
0xc3: {  	_ =	shalt  }
tec
execute0_lowered:
.L_overlay_start_1:
0x0: {  	(tag) =	ssettag $0x1  }
0x1: {  	s0 =	rddreg [dreg:$0x0]  }
0x2: {  	s1 =	rddreg [dreg:$0x1]  }
0x3: {  	s2 =	simm.s32 $0x0;
	s3 =	srdreg.scid;
	s6 =	stileid.u32  }
0x4: {  	s18 =	simm.s32 $0x3;
	s19 =	simm.s32 $0x400;
	s20 =	simm.s32 $0x800  }
0x5: {  	s21 =	simm.s32 $0x80;
	s22 =	simm.s32 $0x4800;
	s23 =	simm.s32 $0x1  }
0x6: {  	s24 =	simm.s32 $0x2;
	s26 =	simm.s32 $0x0;
	s12 =	smul.u32 $0x2780, s6  }
0x7: {  	[smem:$0x7FF] =	sst s2;
	s3 =	sand.u32 $0x1, s3;
	s9 =	smul.u32 $0x4F000, s6  }
0x8: {  	s4 =	sadd.s32 $0x10000, s0;
	s5 =	sadd.s32 $0x6000, s0;
	s16 =	smul.u32 $0x28000, s6  }
0x9: {  	s8 =	sadd.s32 $0x90800, s0;
	s29 =	sshll.u32 s6, $0x6;
	s7 =	smul.u32 $0x280000, s3  }
0xa: {  	p0 =	seq.s32 s6, $0xF;
	_ =	strace $0x80000050;
	s10 =	smul.u32 $0x27100, s3  }
0xb: {  	s11 =	ssub.s32 $0x2, s3;
	s3 =	sshll.u32 s3, $0x4;
	[dreg:$0x3] =	wrdreg s12  }
0xc: {  	s12 =	sadd.s32 s12, s0;
	s13 =	sshrl.u32 s11, $0x1;
	s9 =	sshrl.u32 s9, $0x2  }
0xd: {  	s3 =	sor.u32 s6, s3;
	s14 =	sadd.s32 s7, s0;
	s7 =	sadd.s32 $0x69000, s0  }
0xe: {  	s0 =	sadd.s32 s10, s0;
	s15 =	ssub.s32 s11, s13;
	s9 =	sadd.s32 s9, s1  }
0xf: {  	s30 =	sadd.s32 $0x1A000, s12;
	s11 =	sor.u32 $0x1C03, s29;
	s12 =	smul.u32 $0x50, s3  }
0x10: {  	[dreg:$0x4] =	wrdreg s30;
	s13 =	sadd.s32 $0xB8000, s0;
	s31 =	sadd.s32 s16, s14  }
0x11: {  	s16 =	sadd.s32 $0x128400, s1;
	s14 =	smax.u32 s15, $0x1;
	s17 =	sshrl.u32 s9, $0x3  }
0x12: {  	s0 =	sadd.s32 $0x104D400, s31;
	s3 =	sadd.s32 $0xB4D400, s31;
	s25 =	sshrl.u32 @p0 s16, $0x3  }
.LBB2_1:
0x13: {  	s6 =	rddreg [dreg:$0x4]  }
0x14: {  	[spmem:s17], [sflag:s11] =	dma.local [hbm:s6], $0x2780  }
0x15: {  	_ =	swait.ge [sflag:s18], $0x2780  }
0x16: {  	[sflag:s18] =	ssyncset.done $0x0  }
0x17: {  	s16 =	smov.u32 s3;
	[sflag:s18] =	ssyncadd.s32 $0xFFFFD880  }
0x18: {  	s15 =	smov.u32 s0;
	s30 =	simm.s32 $0x0;
	[bflag:$0x0] =	sbarrier.arrive $0xFFFF  }
.LBB2_2:
0x19: {  	s28 =	sshll.u32 s30, $0x3  }
0x1a: {  	s28 =	sadd.s32 s12, s28  }
0x1b: {  	s28 =	sshll.u32 s28, $0x4  }
0x1c: {  	s31 =	simm.s32 $0x0;
	s29 =	sadd.s32 s4, s28  }
0x1d: {  	[tilespmem:s31], [sflag:$0x3] =	stream.linear.gather [hbm4b:s29+s31], $0x400, $0x38;
	[tilespmem:$0x1C400] =	vst v63  }
0x1e: {  	_ =	swait.ge [sflag:s18], $0x400  }
0x1f: {  	[sflag:s18] =	ssyncset.done $0x0  }
0x20: {  	s28 =	sadd.s32 s5, s28;
	[sflag:s18] =	ssyncadd.s32 $0xFFFFFC00  }
0x21: {  	[tilespmem:s19], [sflag:$0x3] =	stream.linear.gather [hbm4b:s28+s31], $0x400, $0x38;
	[tilespmem:$0x1C400] =	vst v63  }
0x22: {  	_ =	swait.ge [sflag:s18], $0x400  }
0x23: {  	[sflag:s18] =	ssyncset.done $0x0  }
0x24: {  	[sflag:s18] =	ssyncadd.s32 $0xFFFFFC00  }
0x25: {  	[tilespmem:s20], [sflag:$0x1] =	stream.linear.gather [hbm4b:s16+s2], $0x4000, $0x38;
	[tilespmem:$0x1C400] =	vst v63  }
0x26: {  	s28 =	simm.s32 $0x0  }
0x27: {  	[tilespmem:s22], [sflag:$0x2] =	stream.indirect.gather [hbm4b:s7+s21], $0x80, s28, s21, $0xb8;
	[tilespmem:$0x1C400] =	vst v63  }
0x28: {  	_ =	swait.ge [sflag:s23], $0x4000  }
0x29: {  	[sflag:s23] =	ssyncset.done $0x0  }
0x2a: {  	s29 =	simm.s32 $0x400;
	[sflag:s23] =	ssyncadd.s32 $0xFFFFC000  }
0x2b: {  	[spmem:s1] =	stream.indirect.scatter.add.f32 [tilespmem:s20], [sflag:$0x3], $0x80, s29, s21, $0xb8;
	[tilespmem:$0x1C400] =	vst v63  }
0x2c: {  	_ =	swait.ge [sflag:s18], $0x4000  }
0x2d: {  	[sflag:s18] =	ssyncset.done $0x0  }
0x2e: {  	[sflag:s18] =	ssyncadd.s32 $0xFFFFC000  }
0x2f: {  	[tilespmem:s20], [sflag:$0x1] =	stream.linear.gather [hbm4b:s15+s2], $0x4000, $0x38;
	[tilespmem:$0x1C400] =	vst v63  }
0x30: {  	_ =	swait.ge [sflag:s24], $0x4000  }
0x31: {  	[sflag:s24] =	ssyncset.done $0x0  }
0x32: {  	[sflag:s24] =	ssyncadd.s32 $0xFFFFC000  }
0x33: {  	[spmem:s1] =	stream.indirect.scatter.add.f32 [tilespmem:s22], [sflag:$0x3], $0x80, s29, s21, $0xb8;
	[tilespmem:$0x1C400] =	vst v63  }
0x34: {  	_ =	swait.ge [sflag:s18], $0x4000  }
0x35: {  	[sflag:s18] =	ssyncset.done $0x0  }
0x36: {  	[sflag:s18] =	ssyncadd.s32 $0xFFFFC000  }
0x37: {  	[tilespmem:s22], [sflag:$0x2] =	stream.indirect.gather [hbm4b:s8+s21], $0x80, s29, s21, $0xb8;
	[tilespmem:$0x1C400] =	vst v63  }
0x38: {  	_ =	swait.ge [sflag:s23], $0x4000  }
0x39: {  	[sflag:s23] =	ssyncset.done $0x0  }
0x3a: {  	[sflag:s23] =	ssyncadd.s32 $0xFFFFC000  }
0x3b: {  	[spmem:s1] =	stream.indirect.scatter.add.f32 [tilespmem:s20], [sflag:$0x3], $0x80, s28, s21, $0xb8;
	[tilespmem:$0x1C400] =	vst v63  }
0x3c: {  	_ =	swait.ge [sflag:s18], $0x4000  }
0x3d: {  	[sflag:s18] =	ssyncset.done $0x0  }
0x3e: {  	[sflag:s18] =	ssyncadd.s32 $0xFFFFC000  }
0x3f: {  	_ =	swait.ge [sflag:s24], $0x4000  }
0x40: {  	[sflag:s24] =	ssyncset.done $0x0  }
0x41: {  	[sflag:s24] =	ssyncadd.s32 $0xFFFFC000  }
0x42: {  	[spmem:s1] =	stream.indirect.scatter.add.f32 [tilespmem:s22], [sflag:$0x3], $0x80, s28, s21, $0xb8;
	[tilespmem:$0x1C400] =	vst v63  }
0x43: {  	s31 =	simm.s32 $0x200;
	_ =	swait.ge [sflag:s18], $0x4000  }
0x44: {  	s29 =	smov.u32 s15;
	s28 =	smov.u32 s16;
	[sflag:s18] =	ssyncset.done $0x0  }
.LBB2_3:
0x45: {  	[sflag:s18] =	ssyncadd.s32 $0xFFFFC000;
	s29 =	sadd.s32 $0x800, s29;
	s28 =	sadd.s32 $0x800, s28  }
0x46: {  	[tilespmem:s20], [sflag:$0x1] =	stream.linear.gather [hbm4b:s28+s2], $0x4000, $0x38;
	[tilespmem:$0x1C400] =	vst v63  }
0x47: {  	s6 =	sshra.s32 s31, $0x2;
	p1 =	sne.s32 s31, $0xE00;
	s31 =	sadd.s32 $0x200, s31  }
0x48: {  	[tilespmem:s22], [sflag:$0x2] =	stream.indirect.gather [hbm4b:s7+s21], $0x80, s6, s21, $0xb8;
	[tilespmem:$0x1C400] =	vst v63  }
0x49: {  	_ =	swait.ge [sflag:s23], $0x4000  }
0x4a: {  	[sflag:s23] =	ssyncset.done $0x0  }
0x4b: {  	s10 =	sadd.s32 $0x400, s6;
	[sflag:s23] =	ssyncadd.s32 $0xFFFFC000  }
0x4c: {  	[spmem:s1] =	stream.indirect.scatter.add.f32 [tilespmem:s20], [sflag:$0x3], $0x80, s10, s21, $0xb8;
	[tilespmem:$0x1C400] =	vst v63  }
0x4d: {  	_ =	swait.ge [sflag:s18], $0x4000  }
0x4e: {  	[sflag:s18] =	ssyncset.done $0x0  }
0x4f: {  	[sflag:s18] =	ssyncadd.s32 $0xFFFFC000  }
0x50: {  	[tilespmem:s20], [sflag:$0x1] =	stream.linear.gather [hbm4b:s29+s2], $0x4000, $0x38;
	[tilespmem:$0x1C400] =	vst v63  }
0x51: {  	_ =	swait.ge [sflag:s24], $0x4000  }
0x52: {  	[sflag:s24] =	ssyncset.done $0x0  }
0x53: {  	[sflag:s24] =	ssyncadd.s32 $0xFFFFC000  }
0x54: {  	[spmem:s1] =	stream.indirect.scatter.add.f32 [tilespmem:s22], [sflag:$0x3], $0x80, s10, s21, $0xb8;
	[tilespmem:$0x1C400] =	vst v63  }
0x55: {  	_ =	swait.ge [sflag:s18], $0x4000  }
0x56: {  	[sflag:s18] =	ssyncset.done $0x0  }
0x57: {  	[sflag:s18] =	ssyncadd.s32 $0xFFFFC000  }
0x58: {  	[tilespmem:s22], [sflag:$0x2] =	stream.indirect.gather [hbm4b:s8+s21], $0x80, s10, s21, $0xb8;
	[tilespmem:$0x1C400] =	vst v63  }
0x59: {  	_ =	swait.ge [sflag:s23], $0x4000  }
0x5a: {  	[sflag:s23] =	ssyncset.done $0x0  }
0x5b: {  	[sflag:s23] =	ssyncadd.s32 $0xFFFFC000  }
0x5c: {  	[spmem:s1] =	stream.indirect.scatter.add.f32 [tilespmem:s20], [sflag:$0x3], $0x80, s6, s21, $0xb8;
	[tilespmem:$0x1C400] =	vst v63  }
0x5d: {  	_ =	swait.ge [sflag:s18], $0x4000  }
0x5e: {  	[sflag:s18] =	ssyncset.done $0x0  }
0x5f: {  	[sflag:s18] =	ssyncadd.s32 $0xFFFFC000  }
0x60: {  	_ =	swait.ge [sflag:s24], $0x4000  }
.Ltmp0:
0x61: {  	[sflag:s24] =	ssyncset.done $0x0;
	(pc) =	sbr.rel @p1 .LBB2_3-.Ltmp0, $4  }
0x62: {  	[sflag:s24] =	ssyncadd.s32 $0xFFFFC000  }
0x63: {  	[spmem:s1] =	stream.indirect.scatter.add.f32 [tilespmem:s22], [sflag:$0x3], $0x80, s6, s21, $0xb8;
	[tilespmem:$0x1C400] =	vst v63  }
0x64: {  	_ =	swait.ge [sflag:s18], $0x4000  }
0x65: {  	[sflag:s18] =	ssyncset.done $0x0  }
0x66: {  	s30 =	sadd.s32 $0x1, s30  }
0x67: {  	p1 =	sne.s32 s30, $0xA  }
.Ltmp1:
0x68: {  	_ = 	snop;
	(pc) =	sbr.rel @p1 .LBB2_2-.Ltmp1, $2  }
0x69: {  	_ =	sdelay $0x2  }
0x6a: {  	[sflag:s18] =	ssyncadd.s32 $0xFFFFC000;
	s15 =	sadd.s32 $0x4000, s15;
	s16 =	sadd.s32 $0x4000, s16  }
0x6b: {  	[bflag:$0x0] =	sbarrier.arrive $0xFFFF;
	s6 =	sadd.s32 @p0 $0x25080, s13  }
0x6c: {  	[hbm:s6], [sflag:s11] =	dma.local @p0 [spmem:s25], $0x2080  }
0x6d: {  	s6 =	simm.s32 @p0 $0x3  }
0x6e: {  	_ =	swait.ge @p0 [sflag:s6], $0x2080  }
0x6f: {  	[sflag:s6] =	ssyncset.done @p0 $0x0  }
0x70: {  	s26 =	sadd.s32 $0x1, s26;
	[sflag:s6] =	ssyncadd.s32 @p0 $0xFFFFDF80;
	s6 =	rddreg [dreg:$0x3]  }
0x71: {  	s10 =	sshrl.u32 @!p0 s9, $0x3;
	p1 =	sne.s32 s26, s14;
	s6 =	sadd.s32 @!p0 s6, s13  }
0x72: {  	[hbm:s6], [sflag:s11] =	dma.local @!p0 [spmem:s10], $0x2780  }
.Ltmp2:
0x73: {  	_ = 	snop;
	(pc) =	sbr.rel @p1 .LBB2_1-.Ltmp2, $4  }
0x74: {  	s6 =	simm.s32 @!p0 $0x3  }
0x75: {  	_ =	swait.ge @!p0 [sflag:s6], $0x2780  }
0x76: {  	[sflag:s6] =	ssyncset.done @!p0 $0x0  }
0x77: {  	[sflag:s6] =	ssyncadd.s32 @!p0 $0xFFFFD880  }
0x78: {  	_ =	sfence.sel $0x180000  }
0x79: {  	[bflag:$0x0] =	sbarrier.arrive $0xFFFF  }
0x7a: {  	_ =	strace $0x90000050  }
0x7b: {  	s0 =	stileid.u32;
	[bflag:$0x2] =	sbarrier.arrive $0xFFFF  }
0x7c: {  	p0 =	sne.s32 s0, $0x0;
	s0 =	rddreg [dreg:$0x2]  }
0x7d: {  	s0 =	sadd.s32 @!p0 $0x100000, s0  }
0x7e: {  	[sflag:s0] =	ssyncadd.tile.s32 @!p0 $0x1;
	_ =	shalt  }
.Lfunc_end2:
_tile_overlayer_lowered:
.L_overlay_start_2:
0x7f: {  	(tag) =	ssettag $0x2  }
0x80: {  	s0 =	rddreg [dreg:$0x0];
	s2 =	stileid.u32  }
0x81: {  	s1 =	rddreg [dreg:$0x1];
	p0 =	sne.s32 s2, $0x0  }
0x82: {  	s3 =	rddreg [dreg:$0x2];
	[bflag:$0x3] =	sbarrier.arrive $0xFFFF;
	s2 =	simm.s32 @!p0 $0x1C03  }
0x83: {  	[timem:s3], [sflag:s2] =	dma.local @!p0 [hbm:s0], s1  }
0x84: {  	s0 =	simm.s32 @!p0 $0x3  }
0x85: {  	_ =	swait.ge @!p0 [sflag:s0], s1  }
0x86: {  	s1 =	ssub.s32 @!p0 $0x0, s1;
	[sflag:s0] =	ssyncset.done @!p0 $0x0  }
0x87: {  	[sflag:s0] =	ssyncadd.s32 @!p0 s1  }
0x88: {  	[bflag:$0x3] =	sbarrier.arrive $0xFFFF  }
0x89: {  	_ =	shalt  }

</sc_bundles>
